<compile_context>
chip_gen: v7x
topology: tpu7x:2x2x1
jax: 0.10.2.dev20260603
libtpu: 0.0.44.dev20260713+nightly
codegen_flags: <defaults>
</compile_context>

<pallas_src>
import functools

import jax
import jax.numpy as jnp
from jax import lax
from jax.experimental import pallas as pl
from jax.experimental.pallas import tpu as pltpu
from jax.experimental.pallas import tpu_sc as plsc

N = 10000
E = 320000
D = 128
HEADS = 8
CPH = 16
NCLS = 40

NPAD = 10240
NW = 32
C = 80
NCH = (E // NW) // C

_HIGH = lax.Precision.HIGHEST


def _dot(a, b):
    return jnp.dot(a, b, precision=_HIGH, preferred_element_type=jnp.float32)



def _make_edge_kernel(tw, nblk, heads):
    wh = 16 * nblk
    mesh = plsc.VectorSubcoreMesh(core_axis_name="c", subcore_axis_name="s", num_cores=2, num_subcores=16)
    rows_per_tile = NPAD // 16

    @functools.partial(
        pl.kernel,
        out_type=jax.ShapeDtypeStruct((2, NPAD, tw), jnp.float32),
        mesh=mesh,
        scratch_types=[
            pltpu.VMEM((NCH, C), jnp.int32),
            pltpu.VMEM((NCH, C), jnp.int32),
            pltpu.VMEM((C, tw), jnp.float32),
            pltpu.VMEM((C, 16), jnp.float32),
            pltpu.VMEM_SHARED((NPAD, tw), jnp.float32),
            pltpu.SemaphoreType.DMA,
        ],
        compiler_params=pltpu.CompilerParams(use_tc_tiling_on_sc=False),
    )
    def edge_kernel(hext, adt, srci, dsti, zrows, out,
                    src_v, dst_v, msg_v, ad_v, acc, sem):
        c = lax.axis_index("c")
        s = lax.axis_index("s")
        wid = s * 2 + c
        pltpu.sync_copy(zrows.at[pl.ds(s * rows_per_tile, rows_per_tile)],
                        acc.at[pl.ds(s * rows_per_tile, rows_per_tile)])
        pltpu.sync_copy(srci.at[wid], src_v)
        pltpu.sync_copy(dsti.at[wid], dst_v)
        plsc.subcore_barrier()

        def chunk_body(j, carry):
            pltpu.async_copy(hext.at[src_v.at[j]], msg_v, sem).wait()
            pltpu.async_copy(adt.at[dst_v.at[j]], ad_v, sem).wait()

            def edge_body(i, carry2):
                a_s = msg_v[i, pl.ds(wh, 16)]
                a_d = ad_v[i, :]
                e = a_s + a_d
                e = jnp.maximum(e, e * 0.2)
                w = jnp.exp(e)
                msg_v[i, pl.ds(wh, 16)] = w
                for b in range(nblk):
                    hh = b if heads > 1 else 0
                    wb = w.at[jnp.full((16,), hh, jnp.int32)].get(
                        mode="promise_in_bounds")
                    msg_v[i, pl.ds(b * 16, 16)] = (
                        msg_v[i, pl.ds(b * 16, 16)] * wb)
                return carry2

            lax.fori_loop(0, C, edge_body, 0)
            pltpu.sync_copy(msg_v, acc.at[dst_v.at[j]], add=True)
            return carry

        lax.fori_loop(0, NCH, chunk_body, 0)
        plsc.subcore_barrier()
        pltpu.sync_copy(acc.at[pl.ds(s * rows_per_tile, rows_per_tile)],
                        out.at[c].at[pl.ds(s * rows_per_tile, rows_per_tile)])

    return edge_kernel


_edge_k01 = _make_edge_kernel(144, 8, 8)
_edge_k2 = _make_edge_kernel(64, 3, 1)


def _make_embed_kernel():
    mesh = plsc.VectorSubcoreMesh(core_axis_name="c", subcore_axis_name="s", num_cores=2, num_subcores=16)
    rows_per_w = NPAD // NW
    nch = rows_per_w // C

    @functools.partial(
        pl.kernel,
        out_type=jax.ShapeDtypeStruct((NPAD, D), jnp.float32),
        mesh=mesh,
        scratch_types=[
            pltpu.VMEM((nch, C), jnp.int32),
            pltpu.VMEM((C, D), jnp.float32),
            pltpu.SemaphoreType.DMA,
        ],
        compiler_params=pltpu.CompilerParams(use_tc_tiling_on_sc=False),
    )
    def embed_kernel(embt, xi, out, idx_v, rows_v, sem):
        c = lax.axis_index("c")
        s = lax.axis_index("s")
        wid = s * 2 + c
        pltpu.sync_copy(xi.at[wid], idx_v)
        for j in range(nch):
            pltpu.async_copy(embt.at[idx_v.at[j]], rows_v, sem).wait()
            pltpu.sync_copy(rows_v,
                            out.at[pl.ds(wid * rows_per_w + j * C, C)])

    return embed_kernel


_embed_k = _make_embed_kernel()



_BLK = 1024
_GRID = NPAD // _BLK


def _row_spec(w):
    return pl.BlockSpec((_BLK, w), lambda i: (i, 0))


def _acc_spec(w):
    return pl.BlockSpec((2, _BLK, w), lambda i: (0, i, 0))


def _full_spec(shape):
    nd = len(shape)
    return pl.BlockSpec(shape, lambda i: (0,) * nd)


def _prep0_body(h_ref, ma_ref, mb_ref, hx_ref, ad_ref):
    h = h_ref[...]
    hx_ref[...] = _dot(h, ma_ref[...])
    ad_ref[...] = _dot(h, mb_ref[...])


_prep0 = pl.pallas_call(
    _prep0_body, grid=(_GRID,),
    in_specs=[_row_spec(D), _full_spec((D, 144)), _full_spec((D, 16))],
    out_specs=[_row_spec(144), _row_spec(16)],
    out_shape=[jax.ShapeDtypeStruct((NPAD, 144), jnp.float32),
               jax.ShapeDtypeStruct((NPAD, 16), jnp.float32)])


def _prep_mid_body(acc_ref, b_ref, e8_ref, ma_ref, mb_ref, hx_ref, ad_ref):
    a = acc_ref[0] + acc_ref[1]
    num = a[:, :128]
    den = a[:, 128:136]
    inv = 1.0 / (den + 1e-16)
    outp = num * _dot(inv, e8_ref[...])
    hin = outp + b_ref[...]
    hin = jnp.maximum(hin, 0.01 * hin)
    hx_ref[...] = _dot(hin, ma_ref[...])
    ad_ref[...] = _dot(hin, mb_ref[...])


def _make_prep_mid(wout):
    return pl.pallas_call(
        _prep_mid_body, grid=(_GRID,),
        in_specs=[_acc_spec(144), _full_spec((1, 128)), _full_spec((8, 128)),
                  _full_spec((128, wout)), _full_spec((128, 16))],
        out_specs=[_row_spec(wout), _row_spec(16)],
        out_shape=[jax.ShapeDtypeStruct((NPAD, wout), jnp.float32),
                   jax.ShapeDtypeStruct((NPAD, 16), jnp.float32)])


_prep_mid = _make_prep_mid(144)
_prep_mid2 = _make_prep_mid(64)


def _final_body(acc_ref, b_ref, out_ref):
    a = acc_ref[0] + acc_ref[1]
    num = a[:, :NCLS]
    den = a[:, 48:49]
    vals = num * (1.0 / (den + 1e-16)) + b_ref[...]
    m = jnp.max(vals, axis=1, keepdims=True)
    z = vals - m
    out_ref[...] = z - jnp.log(jnp.sum(jnp.exp(z), axis=1, keepdims=True))


_final = pl.pallas_call(
    _final_body, grid=(_GRID,),
    in_specs=[_acc_spec(64), _full_spec((1, NCLS))],
    out_specs=_row_spec(NCLS),
    out_shape=jax.ShapeDtypeStruct((NPAD, NCLS), jnp.float32))



def kernel(x, edge_index, edge_attr, emb, W0, a_src0, a_dst0, b0,
           W1, a_src1, a_dst1, b1, W2, a_src2, a_dst2, b2):
    del edge_attr
    f32 = jnp.float32

    blk8 = (jnp.arange(D)[:, None] // CPH == jnp.arange(HEADS)[None, :])
    blk8 = blk8.astype(f32)
    z8 = jnp.zeros((D, 8), f32)

    def fold(W, a_s, a_d):
        As = blk8 * a_s.reshape(-1)[:, None]
        Ad = blk8 * a_d.reshape(-1)[:, None]
        ma = jnp.concatenate([W, _dot(W, As), z8], axis=1)
        mb = jnp.concatenate([_dot(W, Ad), z8], axis=1)
        return ma, mb

    ma0, mb0 = fold(W0, a_src0, a_dst0)
    ma1, mb1 = fold(W1, a_src1, a_dst1)
    as2 = _dot(W2, a_src2[0][:, None])
    ad2 = _dot(W2, a_dst2[0][:, None])
    z128x = jnp.zeros((D, 8), f32)
    ma2 = jnp.concatenate([W2, z128x, as2, jnp.zeros((D, 15), f32)], axis=1)
    mb2 = jnp.concatenate([ad2, jnp.zeros((D, 15), f32)], axis=1)
    e8 = blk8.T

    ei = edge_index.astype(jnp.int32)
    src2 = ei[0].reshape(NW, NCH, C)
    dst2 = ei[1].reshape(NW, NCH, C)
    xi = jnp.zeros((NPAD,), jnp.int32).at[:N].set(
        x[:, 0].astype(jnp.int32)).reshape(NW, NPAD // NW // C, C)
    z144 = jnp.zeros((NPAD, 144), f32)
    z64 = jnp.zeros((NPAD, 64), f32)

    h0 = _embed_k(emb, xi)
    hx, ad = _prep0(h0, ma0, mb0)
    acc = _edge_k01(hx, ad, src2, dst2, z144)
    hx, ad = _prep_mid(acc, b0.reshape(1, D), e8, ma1, mb1)
    acc = _edge_k01(hx, ad, src2, dst2, z144)
    hx, ad = _prep_mid2(acc, b1.reshape(1, D), e8, ma2, mb2)
    acc2 = _edge_k2(hx, ad, src2, dst2, z64)
    logits = _final(acc2, b2.reshape(1, NCLS))
    return logits[:N]

# --- scband reference (transcript-rebuilt; emitter-appended) ---
"""Pipeline reference for scband-nlayer-gat-2035814498362 (READ-ONLY COPY).

The authoritative reference and input builder live on the scoring server;
editing this copy changes nothing except your own understanding.
"""

import jax, jax.numpy as jnp
import numpy as np

N = 10000
E = 320000
VOCAB = 10000
D = 128
HEADS = 8
CPH = 16
NUM_CLASSES = 40


def setup_inputs(seed: int = 0) -> dict:
    key = jax.random.key(seed)
    ks = jax.random.split(key, 20)
    x = jax.random.randint(ks[0], (N, 1), 0, VOCAB)
    edge_index = jax.random.randint(ks[1], (2, E), 0, N)
    edge_attr = jax.random.normal(ks[2], (E, 4), dtype=jnp.float32)
    emb = jax.random.normal(ks[3], (VOCAB, D), dtype=jnp.float32) * 0.1
    W0 = jax.random.normal(ks[4], (D, HEADS * CPH), dtype=jnp.float32) * 0.1
    a_src0 = jax.random.normal(ks[5], (HEADS, CPH), dtype=jnp.float32) * 0.1
    a_dst0 = jax.random.normal(ks[6], (HEADS, CPH), dtype=jnp.float32) * 0.1
    b0 = jnp.zeros((HEADS * CPH,), dtype=jnp.float32)
    W1 = jax.random.normal(ks[7], (HEADS * CPH, HEADS * CPH), dtype=jnp.float32) * 0.1
    a_src1 = jax.random.normal(ks[8], (HEADS, CPH), dtype=jnp.float32) * 0.1
    a_dst1 = jax.random.normal(ks[9], (HEADS, CPH), dtype=jnp.float32) * 0.1
    b1 = jnp.zeros((HEADS * CPH,), dtype=jnp.float32)
    W2 = jax.random.normal(ks[10], (HEADS * CPH, NUM_CLASSES), dtype=jnp.float32) * 0.1
    a_src2 = jax.random.normal(ks[11], (1, NUM_CLASSES), dtype=jnp.float32) * 0.1
    a_dst2 = jax.random.normal(ks[12], (1, NUM_CLASSES), dtype=jnp.float32) * 0.1
    b2 = jnp.zeros((NUM_CLASSES,), dtype=jnp.float32)
    return {"x": x, "edge_index": edge_index, "edge_attr": edge_attr, "emb": emb,
            "W0": W0, "a_src0": a_src0, "a_dst0": a_dst0, "b0": b0,
            "W1": W1, "a_src1": a_src1, "a_dst1": a_dst1, "b1": b1,
            "W2": W2, "a_src2": a_src2, "a_dst2": a_dst2, "b2": b2}


def _gat_layer(h_in, src, dst, W, a_s, a_d, b, heads, cph, concat):
    n = h_in.shape[0]
    h = (h_in @ W).reshape(n, heads, cph)
    alpha_s = jnp.sum(h * a_s[None, :, :], axis=-1)  # [N, H]
    alpha_d = jnp.sum(h * a_d[None, :, :], axis=-1)  # [N, H]
    e = jax.nn.leaky_relu(alpha_s[src] + alpha_d[dst], negative_slope=0.2)  # [E, H]
    e_max = jax.ops.segment_max(e, dst, num_segments=n)
    e_max = jax.lax.stop_gradient(jnp.where(jnp.isfinite(e_max), e_max, 0.0))
    e_exp = jnp.exp(e - e_max[dst])
    denom = jax.ops.segment_sum(e_exp, dst, num_segments=n)
    alpha = e_exp / (denom[dst] + 1e-16)  # [E, H]
    msg = h[src] * alpha[:, :, None]  # [E, H, C]
    out = jax.ops.segment_sum(msg, dst, num_segments=n)  # [N, H, C]
    if concat:
        out = out.reshape(n, heads * cph)
    else:
        out = out.mean(axis=1)
    return out + b


def reference(x, edge_index, edge_attr, emb, W0, a_src0, a_dst0, b0, W1, a_src1, a_dst1, b1, W2, a_src2, a_dst2, b2):
    src = edge_index[0]
    dst = edge_index[1]
    h = emb[x[:, 0]]  # embedding lookup + squeeze -> [N, D]
    h = _gat_layer(h, src, dst, W0, a_src0, a_dst0, b0, HEADS, CPH, True)
    h = jax.nn.leaky_relu(h, negative_slope=0.01)
    h = _gat_layer(h, src, dst, W1, a_src1, a_dst1, b1, HEADS, CPH, True)
    h = jax.nn.leaky_relu(h, negative_slope=0.01)
    h = _gat_layer(h, src, dst, W2, a_src2, a_dst2, b2, 1, NUM_CLASSES, False)
    return jax.nn.log_softmax(h, axis=1)

if __name__ == "__main__":
    import jax
    _d = setup_inputs()
    print(jax.jit(kernel)(*tuple(_d.values())))

</pallas_src>

<mosaic_0001>
#map = affine_map<(d0, d1) -> (0, 0)>
#map1 = affine_map<(d0, d1) -> (0, 0, 0)>
module attributes {stable_mosaic.version = 14 : i64} {
  func.func @edge_kernel(%arg0: i32, %arg1: i32, %arg2: memref<10240x144xf32, #tpu.memory_space<hbm>>, %arg3: memref<10240x16xf32, #tpu.memory_space<hbm>>, %arg4: memref<32x125x80xi32, #tpu.memory_space<hbm>>, %arg5: memref<32x125x80xi32, #tpu.memory_space<hbm>>, %arg6: memref<10240x144xf32, #tpu.memory_space<hbm>>, %arg7: memref<2x10240x144xf32, #tpu.memory_space<hbm>>, %arg8: memref<125x80xi32, #tpu.memory_space<vmem>>, %arg9: memref<125x80xi32, #tpu.memory_space<vmem>>, %arg10: memref<80x144xf32, #tpu.memory_space<vmem>>, %arg11: memref<80x16xf32, #tpu.memory_space<vmem>>, %arg12: memref<10240x144xf32, #tpu.memory_space<vmem_shared>>, %arg13: memref<!tpu.dma_semaphore, #tpu.memory_space<semaphore_mem>>) attributes {dimension_semantics = [#tpu.dimension_semantics<core_parallel>, #tpu.dimension_semantics<subcore_parallel>], iteration_bounds = array<i64: 2, 16>, scalar_prefetch = 0 : i64, scratch_operands = 6 : i64, tpu.core_type = #tpu.core_type<sc_vector_subcore>, window_params = [{transform_indices = #map}, {transform_indices = #map}, {transform_indices = #map1}, {transform_indices = #map1}, {transform_indices = #map}, {transform_indices = #map1}]} {
    %mul3A = arith.constant 2 : i32
    %mul3A_0 = arith.muli %arg1, %mul3A : i32
    %add3A = arith.addi %mul3A_0, %arg0 : i32
    %mul3A_1 = arith.constant 640 : i32
    %mul3A_2 = arith.muli %arg1, %mul3A_1 : i32
    %mul3A_3 = arith.constant 640 : i32
    %mul3A_4 = arith.muli %arg1, %mul3A_3 : i32
    "tpu.region"() ({
      %run_scoped3A = tpu.sem_alloc : memref<!tpu.dma_semaphore, #tpu.memory_space<semaphore_mem>>
      %dma_start3A = arith.constant 0 : i32
      %dma_start3A_15 = tpu.memref_slice %arg12[%mul3A_4, %dma_start3A] : memref<10240x144xf32, #tpu.memory_space<vmem_shared>> -> memref<640x144xf32, #tpu.memory_space<vmem_shared>>
      %dma_start3A_16 = arith.constant 0 : i32
      %dma_start3A_17 = tpu.memref_slice %arg6[%mul3A_2, %dma_start3A_16] : memref<10240x144xf32, #tpu.memory_space<hbm>> -> memref<640x144xf32, #tpu.memory_space<hbm>>
      tpu.enqueue_dma source(%dma_start3A_17 : memref<640x144xf32, #tpu.memory_space<hbm>>) target(%dma_start3A_15 : memref<640x144xf32, #tpu.memory_space<vmem_shared>>) target_semaphore(%run_scoped3A : memref<!tpu.dma_semaphore, #tpu.memory_space<semaphore_mem>>)
      %dma_wait3A = arith.constant 0 : i32
      %dma_wait3A_18 = tpu.memref_slice %arg12[%mul3A_4, %dma_wait3A] : memref<10240x144xf32, #tpu.memory_space<vmem_shared>> -> memref<640x144xf32, #tpu.memory_space<vmem_shared>>
      %dma_wait3A_19 = arith.constant 0 : i32
      %dma_wait3A_20 = tpu.memref_slice %arg6[%mul3A_2, %dma_wait3A_19] : memref<10240x144xf32, #tpu.memory_space<hbm>> -> memref<640x144xf32, #tpu.memory_space<hbm>>
      tpu.wait_dma2 semaphore(%run_scoped3A : memref<!tpu.dma_semaphore, #tpu.memory_space<semaphore_mem>>) src(%dma_wait3A_20 : memref<640x144xf32, #tpu.memory_space<hbm>>) dst(%dma_wait3A_18 : memref<640x144xf32, #tpu.memory_space<vmem_shared>>)
      tpu.yield
    }) : () -> ()
    "tpu.region"() ({
      %run_scoped3A = tpu.sem_alloc : memref<!tpu.dma_semaphore, #tpu.memory_space<semaphore_mem>>
      %dma_start3A = arith.constant 0 : i32
      %dma_start3A_15 = arith.constant 0 : i32
      %dma_start3A_16 = tpu.memref_slice %arg4[%add3A, %dma_start3A, %dma_start3A_15] : memref<32x125x80xi32, #tpu.memory_space<hbm>> -> memref<1x125x80xi32, #tpu.memory_space<hbm>>
      %dma_start3A_17 = tpu.memref_squeeze %dma_start3A_16 : memref<1x125x80xi32, #tpu.memory_space<hbm>> -> memref<125x80xi32, #tpu.memory_space<hbm>>
      %dma_start3A_18 = arith.constant 0 : i32
      %dma_start3A_19 = arith.constant 0 : i32
      %dma_start3A_20 = tpu.memref_slice %arg4[%add3A, %dma_start3A_18, %dma_start3A_19] : memref<32x125x80xi32, #tpu.memory_space<hbm>> -> memref<1x125x80xi32, #tpu.memory_space<hbm>>
      %dma_start3A_21 = tpu.memref_squeeze %dma_start3A_20 : memref<1x125x80xi32, #tpu.memory_space<hbm>> -> memref<125x80xi32, #tpu.memory_space<hbm>>
      tpu.enqueue_dma source(%dma_start3A_21 : memref<125x80xi32, #tpu.memory_space<hbm>>) target(%arg8 : memref<125x80xi32, #tpu.memory_space<vmem>>) target_semaphore(%run_scoped3A : memref<!tpu.dma_semaphore, #tpu.memory_space<semaphore_mem>>)
      %dma_wait3A = arith.constant 0 : i32
      %dma_wait3A_22 = arith.constant 0 : i32
      %dma_wait3A_23 = tpu.memref_slice %arg4[%add3A, %dma_wait3A, %dma_wait3A_22] : memref<32x125x80xi32, #tpu.memory_space<hbm>> -> memref<1x125x80xi32, #tpu.memory_space<hbm>>
      %dma_wait3A_24 = tpu.memref_squeeze %dma_wait3A_23 : memref<1x125x80xi32, #tpu.memory_space<hbm>> -> memref<125x80xi32, #tpu.memory_space<hbm>>
      %dma_wait3A_25 = arith.constant 0 : i32
      %dma_wait3A_26 = arith.constant 0 : i32
      %dma_wait3A_27 = tpu.memref_slice %arg4[%add3A, %dma_wait3A_25, %dma_wait3A_26] : memref<32x125x80xi32, #tpu.memory_space<hbm>> -> memref<1x125x80xi32, #tpu.memory_space<hbm>>
      %dma_wait3A_28 = tpu.memref_squeeze %dma_wait3A_27 : memref<1x125x80xi32, #tpu.memory_space<hbm>> -> memref<125x80xi32, #tpu.memory_space<hbm>>
      tpu.wait_dma2 semaphore(%run_scoped3A : memref<!tpu.dma_semaphore, #tpu.memory_space<semaphore_mem>>) src(%dma_wait3A_28 : memref<125x80xi32, #tpu.memory_space<hbm>>) dst(%arg8 : memref<125x80xi32, #tpu.memory_space<vmem>>)
      tpu.yield
    }) : () -> ()
    "tpu.region"() ({
      %run_scoped3A = tpu.sem_alloc : memref<!tpu.dma_semaphore, #tpu.memory_space<semaphore_mem>>
      %dma_start3A = arith.constant 0 : i32
      %dma_start3A_15 = arith.constant 0 : i32
      %dma_start3A_16 = tpu.memref_slice %arg5[%add3A, %dma_start3A, %dma_start3A_15] : memref<32x125x80xi32, #tpu.memory_space<hbm>> -> memref<1x125x80xi32, #tpu.memory_space<hbm>>
      %dma_start3A_17 = tpu.memref_squeeze %dma_start3A_16 : memref<1x125x80xi32, #tpu.memory_space<hbm>> -> memref<125x80xi32, #tpu.memory_space<hbm>>
      %dma_start3A_18 = arith.constant 0 : i32
      %dma_start3A_19 = arith.constant 0 : i32
      %dma_start3A_20 = tpu.memref_slice %arg5[%add3A, %dma_start3A_18, %dma_start3A_19] : memref<32x125x80xi32, #tpu.memory_space<hbm>> -> memref<1x125x80xi32, #tpu.memory_space<hbm>>
      %dma_start3A_21 = tpu.memref_squeeze %dma_start3A_20 : memref<1x125x80xi32, #tpu.memory_space<hbm>> -> memref<125x80xi32, #tpu.memory_space<hbm>>
      tpu.enqueue_dma source(%dma_start3A_21 : memref<125x80xi32, #tpu.memory_space<hbm>>) target(%arg9 : memref<125x80xi32, #tpu.memory_space<vmem>>) target_semaphore(%run_scoped3A : memref<!tpu.dma_semaphore, #tpu.memory_space<semaphore_mem>>)
      %dma_wait3A = arith.constant 0 : i32
      %dma_wait3A_22 = arith.constant 0 : i32
      %dma_wait3A_23 = tpu.memref_slice %arg5[%add3A, %dma_wait3A, %dma_wait3A_22] : memref<32x125x80xi32, #tpu.memory_space<hbm>> -> memref<1x125x80xi32, #tpu.memory_space<hbm>>
      %dma_wait3A_24 = tpu.memref_squeeze %dma_wait3A_23 : memref<1x125x80xi32, #tpu.memory_space<hbm>> -> memref<125x80xi32, #tpu.memory_space<hbm>>
      %dma_wait3A_25 = arith.constant 0 : i32
      %dma_wait3A_26 = arith.constant 0 : i32
      %dma_wait3A_27 = tpu.memref_slice %arg5[%add3A, %dma_wait3A_25, %dma_wait3A_26] : memref<32x125x80xi32, #tpu.memory_space<hbm>> -> memref<1x125x80xi32, #tpu.memory_space<hbm>>
      %dma_wait3A_28 = tpu.memref_squeeze %dma_wait3A_27 : memref<1x125x80xi32, #tpu.memory_space<hbm>> -> memref<125x80xi32, #tpu.memory_space<hbm>>
      tpu.wait_dma2 semaphore(%run_scoped3A : memref<!tpu.dma_semaphore, #tpu.memory_space<semaphore_mem>>) src(%dma_wait3A_28 : memref<125x80xi32, #tpu.memory_space<hbm>>) dst(%arg9 : memref<125x80xi32, #tpu.memory_space<vmem>>)
      tpu.yield
    }) : () -> ()
    %barrier3A = arith.constant 0 : index
    tpu.barrier barrier_id(%barrier3A)
    %scan3A = arith.constant 0 : i32
    %scan3A_5 = arith.constant 0 : i32
    %scan3A_6 = arith.constant 125 : i32
    %scan3A_7 = arith.addi %scan3A_5, %scan3A_6 : i32
    %scan3A_8 = arith.constant 1 : i32
    scf.for %scan3A_15 = %scan3A_5 to %scan3A_7 step %scan3A_8  : i32 {
      %dma_start3A = arith.constant 0 : i32
      %dma_start3A_16 = tpu.memref_slice %arg8[%scan3A_15, %dma_start3A] : memref<125x80xi32, #tpu.memory_space<vmem>> -> memref<1x80xi32, #tpu.memory_space<vmem>>
      %dma_start3A_17 = tpu.memref_squeeze %dma_start3A_16 : memref<1x80xi32, #tpu.memory_space<vmem>> -> memref<80xi32, #tpu.memory_space<vmem>>
      %dma_start3A_18 = arith.constant 0 : i32
      %dma_start3A_19 = arith.constant 0 : i32
      %dma_start3A_20 = tpu.memref_slice %arg2[%dma_start3A_18, %dma_start3A_19] : memref<10240x144xf32, #tpu.memory_space<hbm>> -> memref<10240x144xf32, #tpu.memory_space<hbm>>
      tpu.enqueue_indirect_dma source(%dma_start3A_20 : memref<10240x144xf32, #tpu.memory_space<hbm>>) target(%arg10 : memref<80x144xf32, #tpu.memory_space<vmem>>) offsets(%dma_start3A_17 : memref<80xi32, #tpu.memory_space<vmem>>) semaphore(%arg13 : memref<!tpu.dma_semaphore, #tpu.memory_space<semaphore_mem>>)
      %dma_wait3A = arith.constant 0 : i32
      %dma_wait3A_21 = tpu.memref_slice %arg8[%scan3A_15, %dma_wait3A] : memref<125x80xi32, #tpu.memory_space<vmem>> -> memref<1x80xi32, #tpu.memory_space<vmem>>
      %dma_wait3A_22 = tpu.memref_squeeze %dma_wait3A_21 : memref<1x80xi32, #tpu.memory_space<vmem>> -> memref<80xi32, #tpu.memory_space<vmem>>
      %dma_wait3A_23 = arith.constant 0 : i32
      %dma_wait3A_24 = arith.constant 0 : i32
      %dma_wait3A_25 = tpu.memref_slice %arg2[%dma_wait3A_23, %dma_wait3A_24] : memref<10240x144xf32, #tpu.memory_space<hbm>> -> memref<10240x144xf32, #tpu.memory_space<hbm>>
      tpu.wait_indirect_dma semaphore(%arg13 : memref<!tpu.dma_semaphore, #tpu.memory_space<semaphore_mem>>) src(%dma_wait3A_25 : memref<10240x144xf32, #tpu.memory_space<hbm>>) dst(%arg10 : memref<80x144xf32, #tpu.memory_space<vmem>>)
      %dma_start3A_26 = arith.constant 0 : i32
      %dma_start3A_27 = tpu.memref_slice %arg9[%scan3A_15, %dma_start3A_26] : memref<125x80xi32, #tpu.memory_space<vmem>> -> memref<1x80xi32, #tpu.memory_space<vmem>>
      %dma_start3A_28 = tpu.memref_squeeze %dma_start3A_27 : memref<1x80xi32, #tpu.memory_space<vmem>> -> memref<80xi32, #tpu.memory_space<vmem>>
      %dma_start3A_29 = arith.constant 0 : i32
      %dma_start3A_30 = arith.constant 0 : i32
      %dma_start3A_31 = tpu.memref_slice %arg3[%dma_start3A_29, %dma_start3A_30] : memref<10240x16xf32, #tpu.memory_space<hbm>> -> memref<10240x16xf32, #tpu.memory_space<hbm>>
      tpu.enqueue_indirect_dma source(%dma_start3A_31 : memref<10240x16xf32, #tpu.memory_space<hbm>>) target(%arg11 : memref<80x16xf32, #tpu.memory_space<vmem>>) offsets(%dma_start3A_28 : memref<80xi32, #tpu.memory_space<vmem>>) semaphore(%arg13 : memref<!tpu.dma_semaphore, #tpu.memory_space<semaphore_mem>>)
      %dma_wait3A_32 = arith.constant 0 : i32
      %dma_wait3A_33 = tpu.memref_slice %arg9[%scan3A_15, %dma_wait3A_32] : memref<125x80xi32, #tpu.memory_space<vmem>> -> memref<1x80xi32, #tpu.memory_space<vmem>>
      %dma_wait3A_34 = tpu.memref_squeeze %dma_wait3A_33 : memref<1x80xi32, #tpu.memory_space<vmem>> -> memref<80xi32, #tpu.memory_space<vmem>>
      %dma_wait3A_35 = arith.constant 0 : i32
      %dma_wait3A_36 = arith.constant 0 : i32
      %dma_wait3A_37 = tpu.memref_slice %arg3[%dma_wait3A_35, %dma_wait3A_36] : memref<10240x16xf32, #tpu.memory_space<hbm>> -> memref<10240x16xf32, #tpu.memory_space<hbm>>
      tpu.wait_indirect_dma semaphore(%arg13 : memref<!tpu.dma_semaphore, #tpu.memory_space<semaphore_mem>>) src(%dma_wait3A_37 : memref<10240x16xf32, #tpu.memory_space<hbm>>) dst(%arg11 : memref<80x16xf32, #tpu.memory_space<vmem>>)
      %scan3A_38 = arith.constant 0 : i32
      %scan3A_39 = arith.constant 0 : i32
      %scan3A_40 = arith.constant 80 : i32
      %scan3A_41 = arith.addi %scan3A_39, %scan3A_40 : i32
      %scan3A_42 = arith.constant 1 : i32
      scf.for %scan3A_44 = %scan3A_39 to %scan3A_41 step %scan3A_42  : i32 {
        %get3A = arith.index_cast %scan3A_44 : i32 to index
        %get3A_45 = arith.constant 128 : index
        %get3A_46 = tpu.vector_load %arg10[%get3A, %get3A_45] {strides = array<i32>} : memref<80x144xf32, #tpu.memory_space<vmem>>, vector<1x16xf32>,
        %get3A_47 = vector.shape_cast %get3A_46 : vector<1x16xf32> to vector<16xf32>
        %get3A_48 = arith.index_cast %scan3A_44 : i32 to index
        %get3A_49 = arith.constant 0 : index
        %get3A_50 = tpu.vector_load %arg11[%get3A_48, %get3A_49] {strides = array<i32>} : memref<80x16xf32, #tpu.memory_space<vmem>>, vector<1x16xf32>,
        %get3A_51 = vector.shape_cast %get3A_50 : vector<1x16xf32> to vector<16xf32>
        %add3A_52 = arith.addf %get3A_47, %get3A_51 : vector<16xf32>
        %mul3A_53 = arith.constant 2.000000e-01 : f32
        %mul3A_54 = vector.broadcast %mul3A_53 : f32 to vector<16xf32>
        %mul3A_55 = arith.mulf %add3A_52, %mul3A_54 : vector<16xf32>
        %max3A = arith.maximumf %add3A_52, %mul3A_55 : vector<16xf32>
        %exp3A = math.exp %max3A : vector<16xf32>
        %swap3A = arith.index_cast %scan3A_44 : i32 to index
        %swap3A_56 = arith.constant 128 : index
        %swap3A_57 = tpu.vector_load %arg10[%swap3A, %swap3A_56] {strides = array<i32>} : memref<80x144xf32, #tpu.memory_space<vmem>>, vector<1x16xf32>,
        %swap3A_58 = vector.shape_cast %swap3A_57 : vector<1x16xf32> to vector<16xf32>
        %swap3A_59 = vector.shape_cast %exp3A : vector<16xf32> to vector<1x16xf32>
        tpu.vector_store %arg10[%swap3A, %swap3A_56], %swap3A_59 {strides = array<i32>} : memref<80x144xf32, #tpu.memory_space<vmem>>, vector<1x16xf32>,
        %broadcast_in_dim3A = arith.constant 0 : i32
        %broadcast_in_dim3A_60 = vector.broadcast %broadcast_in_dim3A : i32 to vector<16xi32>
        %lt3A = arith.constant 0 : i32
        %lt3A_61 = vector.broadcast %lt3A : i32 to vector<16xi32>
        %lt3A_62 = arith.cmpi slt, %broadcast_in_dim3A_60, %lt3A_61 : vector<16xi32>
        %add3A_63 = arith.constant 16 : i32
        %add3A_64 = vector.broadcast %add3A_63 : i32 to vector<16xi32>
        %add3A_65 = arith.addi %broadcast_in_dim3A_60, %add3A_64 : vector<16xi32>
        %select_n3A = arith.select %lt3A_62, %add3A_65, %broadcast_in_dim3A_60 : vector<16xi1>, vector<16xi32>
        %broadcast_in_dim3A_66 = vector.shape_cast %select_n3A : vector<16xi32> to vector<16x1xi32>
        %gather3A = vector.shape_cast %broadcast_in_dim3A_66 : vector<16x1xi32> to vector<16xi32>
        %gather3A_67 = tpu.dynamic_gather %exp3A[%gather3A] in [0] : vector<16xf32>, vector<16xi32> -> vector<16xf32>
        %get3A_68 = arith.index_cast %scan3A_44 : i32 to index
        %get3A_69 = arith.constant 0 : index
        %get3A_70 = tpu.vector_load %arg10[%get3A_68, %get3A_69] {strides = array<i32>} : memref<80x144xf32, #tpu.memory_space<vmem>>, vector<1x16xf32>,
        %get3A_71 = vector.shape_cast %get3A_70 : vector<1x16xf32> to vector<16xf32>
        %mul3A_72 = arith.mulf %get3A_71, %gather3A_67 : vector<16xf32>
        %swap3A_73 = arith.index_cast %scan3A_44 : i32 to index
        %swap3A_74 = arith.constant 0 : index
        %swap3A_75 = tpu.vector_load %arg10[%swap3A_73, %swap3A_74] {strides = array<i32>} : memref<80x144xf32, #tpu.memory_space<vmem>>, vector<1x16xf32>,
        %swap3A_76 = vector.shape_cast %swap3A_75 : vector<1x16xf32> to vector<16xf32>
        %swap3A_77 = vector.shape_cast %mul3A_72 : vector<16xf32> to vector<1x16xf32>
        tpu.vector_store %arg10[%swap3A_73, %swap3A_74], %swap3A_77 {strides = array<i32>} : memref<80x144xf32, #tpu.memory_space<vmem>>, vector<1x16xf32>,
        %broadcast_in_dim3A_78 = arith.constant 1 : i32
        %broadcast_in_dim3A_79 = vector.broadcast %broadcast_in_dim3A_78 : i32 to vector<16xi32>
        %lt3A_80 = arith.constant 0 : i32
        %lt3A_81 = vector.broadcast %lt3A_80 : i32 to vector<16xi32>
        %lt3A_82 = arith.cmpi slt, %broadcast_in_dim3A_79, %lt3A_81 : vector<16xi32>
        %add3A_83 = arith.constant 16 : i32
        %add3A_84 = vector.broadcast %add3A_83 : i32 to vector<16xi32>
        %add3A_85 = arith.addi %broadcast_in_dim3A_79, %add3A_84 : vector<16xi32>
        %select_n3A_86 = arith.select %lt3A_82, %add3A_85, %broadcast_in_dim3A_79 : vector<16xi1>, vector<16xi32>
        %broadcast_in_dim3A_87 = vector.shape_cast %select_n3A_86 : vector<16xi32> to vector<16x1xi32>
        %gather3A_88 = vector.shape_cast %broadcast_in_dim3A_87 : vector<16x1xi32> to vector<16xi32>
        %gather3A_89 = tpu.dynamic_gather %exp3A[%gather3A_88] in [0] : vector<16xf32>, vector<16xi32> -> vector<16xf32>
        %get3A_90 = arith.index_cast %scan3A_44 : i32 to index
        %get3A_91 = arith.constant 16 : index
        %get3A_92 = tpu.vector_load %arg10[%get3A_90, %get3A_91] {strides = array<i32>} : memref<80x144xf32, #tpu.memory_space<vmem>>, vector<1x16xf32>,
        %get3A_93 = vector.shape_cast %get3A_92 : vector<1x16xf32> to vector<16xf32>
        %mul3A_94 = arith.mulf %get3A_93, %gather3A_89 : vector<16xf32>
        %swap3A_95 = arith.index_cast %scan3A_44 : i32 to index
        %swap3A_96 = arith.constant 16 : index
        %swap3A_97 = tpu.vector_load %arg10[%swap3A_95, %swap3A_96] {strides = array<i32>} : memref<80x144xf32, #tpu.memory_space<vmem>>, vector<1x16xf32>,
        %swap3A_98 = vector.shape_cast %swap3A_97 : vector<1x16xf32> to vector<16xf32>
        %swap3A_99 = vector.shape_cast %mul3A_94 : vector<16xf32> to vector<1x16xf32>
        tpu.vector_store %arg10[%swap3A_95, %swap3A_96], %swap3A_99 {strides = array<i32>} : memref<80x144xf32, #tpu.memory_space<vmem>>, vector<1x16xf32>,
        %broadcast_in_dim3A_100 = arith.constant 2 : i32
        %broadcast_in_dim3A_101 = vector.broadcast %broadcast_in_dim3A_100 : i32 to vector<16xi32>
        %lt3A_102 = arith.constant 0 : i32
        %lt3A_103 = vector.broadcast %lt3A_102 : i32 to vector<16xi32>
        %lt3A_104 = arith.cmpi slt, %broadcast_in_dim3A_101, %lt3A_103 : vector<16xi32>
        %add3A_105 = arith.constant 16 : i32
        %add3A_106 = vector.broadcast %add3A_105 : i32 to vector<16xi32>
        %add3A_107 = arith.addi %broadcast_in_dim3A_101, %add3A_106 : vector<16xi32>
        %select_n3A_108 = arith.select %lt3A_104, %add3A_107, %broadcast_in_dim3A_101 : vector<16xi1>, vector<16xi32>
        %broadcast_in_dim3A_109 = vector.shape_cast %select_n3A_108 : vector<16xi32> to vector<16x1xi32>
        %gather3A_110 = vector.shape_cast %broadcast_in_dim3A_109 : vector<16x1xi32> to vector<16xi32>
        %gather3A_111 = tpu.dynamic_gather %exp3A[%gather3A_110] in [0] : vector<16xf32>, vector<16xi32> -> vector<16xf32>
        %get3A_112 = arith.index_cast %scan3A_44 : i32 to index
        %get3A_113 = arith.constant 32 : index
        %get3A_114 = tpu.vector_load %arg10[%get3A_112, %get3A_113] {strides = array<i32>} : memref<80x144xf32, #tpu.memory_space<vmem>>, vector<1x16xf32>,
        %get3A_115 = vector.shape_cast %get3A_114 : vector<1x16xf32> to vector<16xf32>
        %mul3A_116 = arith.mulf %get3A_115, %gather3A_111 : vector<16xf32>
        %swap3A_117 = arith.index_cast %scan3A_44 : i32 to index
        %swap3A_118 = arith.constant 32 : index
        %swap3A_119 = tpu.vector_load %arg10[%swap3A_117, %swap3A_118] {strides = array<i32>} : memref<80x144xf32, #tpu.memory_space<vmem>>, vector<1x16xf32>,
        %swap3A_120 = vector.shape_cast %swap3A_119 : vector<1x16xf32> to vector<16xf32>
        %swap3A_121 = vector.shape_cast %mul3A_116 : vector<16xf32> to vector<1x16xf32>
        tpu.vector_store %arg10[%swap3A_117, %swap3A_118], %swap3A_121 {strides = array<i32>} : memref<80x144xf32, #tpu.memory_space<vmem>>, vector<1x16xf32>,
        %broadcast_in_dim3A_122 = arith.constant 3 : i32
        %broadcast_in_dim3A_123 = vector.broadcast %broadcast_in_dim3A_122 : i32 to vector<16xi32>
        %lt3A_124 = arith.constant 0 : i32
        %lt3A_125 = vector.broadcast %lt3A_124 : i32 to vector<16xi32>
        %lt3A_126 = arith.cmpi slt, %broadcast_in_dim3A_123, %lt3A_125 : vector<16xi32>
        %add3A_127 = arith.constant 16 : i32
        %add3A_128 = vector.broadcast %add3A_127 : i32 to vector<16xi32>
        %add3A_129 = arith.addi %broadcast_in_dim3A_123, %add3A_128 : vector<16xi32>
        %select_n3A_130 = arith.select %lt3A_126, %add3A_129, %broadcast_in_dim3A_123 : vector<16xi1>, vector<16xi32>
        %broadcast_in_dim3A_131 = vector.shape_cast %select_n3A_130 : vector<16xi32> to vector<16x1xi32>
        %gather3A_132 = vector.shape_cast %broadcast_in_dim3A_131 : vector<16x1xi32> to vector<16xi32>
        %gather3A_133 = tpu.dynamic_gather %exp3A[%gather3A_132] in [0] : vector<16xf32>, vector<16xi32> -> vector<16xf32>
        %get3A_134 = arith.index_cast %scan3A_44 : i32 to index
        %get3A_135 = arith.constant 48 : index
        %get3A_136 = tpu.vector_load %arg10[%get3A_134, %get3A_135] {strides = array<i32>} : memref<80x144xf32, #tpu.memory_space<vmem>>, vector<1x16xf32>,
        %get3A_137 = vector.shape_cast %get3A_136 : vector<1x16xf32> to vector<16xf32>
        %mul3A_138 = arith.mulf %get3A_137, %gather3A_133 : vector<16xf32>
        %swap3A_139 = arith.index_cast %scan3A_44 : i32 to index
        %swap3A_140 = arith.constant 48 : index
        %swap3A_141 = tpu.vector_load %arg10[%swap3A_139, %swap3A_140] {strides = array<i32>} : memref<80x144xf32, #tpu.memory_space<vmem>>, vector<1x16xf32>,
        %swap3A_142 = vector.shape_cast %swap3A_141 : vector<1x16xf32> to vector<16xf32>
        %swap3A_143 = vector.shape_cast %mul3A_138 : vector<16xf32> to vector<1x16xf32>
        tpu.vector_store %arg10[%swap3A_139, %swap3A_140], %swap3A_143 {strides = array<i32>} : memref<80x144xf32, #tpu.memory_space<vmem>>, vector<1x16xf32>,
        %broadcast_in_dim3A_144 = arith.constant 4 : i32
        %broadcast_in_dim3A_145 = vector.broadcast %broadcast_in_dim3A_144 : i32 to vector<16xi32>
        %lt3A_146 = arith.constant 0 : i32
        %lt3A_147 = vector.broadcast %lt3A_146 : i32 to vector<16xi32>
        %lt3A_148 = arith.cmpi slt, %broadcast_in_dim3A_145, %lt3A_147 : vector<16xi32>
        %add3A_149 = arith.constant 16 : i32
        %add3A_150 = vector.broadcast %add3A_149 : i32 to vector<16xi32>
        %add3A_151 = arith.addi %broadcast_in_dim3A_145, %add3A_150 : vector<16xi32>
        %select_n3A_152 = arith.select %lt3A_148, %add3A_151, %broadcast_in_dim3A_145 : vector<16xi1>, vector<16xi32>
        %broadcast_in_dim3A_153 = vector.shape_cast %select_n3A_152 : vector<16xi32> to vector<16x1xi32>
        %gather3A_154 = vector.shape_cast %broadcast_in_dim3A_153 : vector<16x1xi32> to vector<16xi32>
        %gather3A_155 = tpu.dynamic_gather %exp3A[%gather3A_154] in [0] : vector<16xf32>, vector<16xi32> -> vector<16xf32>
        %get3A_156 = arith.index_cast %scan3A_44 : i32 to index
        %get3A_157 = arith.constant 64 : index
        %get3A_158 = tpu.vector_load %arg10[%get3A_156, %get3A_157] {strides = array<i32>} : memref<80x144xf32, #tpu.memory_space<vmem>>, vector<1x16xf32>,
        %get3A_159 = vector.shape_cast %get3A_158 : vector<1x16xf32> to vector<16xf32>
        %mul3A_160 = arith.mulf %get3A_159, %gather3A_155 : vector<16xf32>
        %swap3A_161 = arith.index_cast %scan3A_44 : i32 to index
        %swap3A_162 = arith.constant 64 : index
        %swap3A_163 = tpu.vector_load %arg10[%swap3A_161, %swap3A_162] {strides = array<i32>} : memref<80x144xf32, #tpu.memory_space<vmem>>, vector<1x16xf32>,
        %swap3A_164 = vector.shape_cast %swap3A_163 : vector<1x16xf32> to vector<16xf32>
        %swap3A_165 = vector.shape_cast %mul3A_160 : vector<16xf32> to vector<1x16xf32>
        tpu.vector_store %arg10[%swap3A_161, %swap3A_162], %swap3A_165 {strides = array<i32>} : memref<80x144xf32, #tpu.memory_space<vmem>>, vector<1x16xf32>,
        %broadcast_in_dim3A_166 = arith.constant 5 : i32
        %broadcast_in_dim3A_167 = vector.broadcast %broadcast_in_dim3A_166 : i32 to vector<16xi32>
        %lt3A_168 = arith.constant 0 : i32
        %lt3A_169 = vector.broadcast %lt3A_168 : i32 to vector<16xi32>
        %lt3A_170 = arith.cmpi slt, %broadcast_in_dim3A_167, %lt3A_169 : vector<16xi32>
        %add3A_171 = arith.constant 16 : i32
        %add3A_172 = vector.broadcast %add3A_171 : i32 to vector<16xi32>
        %add3A_173 = arith.addi %broadcast_in_dim3A_167, %add3A_172 : vector<16xi32>
        %select_n3A_174 = arith.select %lt3A_170, %add3A_173, %broadcast_in_dim3A_167 : vector<16xi1>, vector<16xi32>
        %broadcast_in_dim3A_175 = vector.shape_cast %select_n3A_174 : vector<16xi32> to vector<16x1xi32>
        %gather3A_176 = vector.shape_cast %broadcast_in_dim3A_175 : vector<16x1xi32> to vector<16xi32>
        %gather3A_177 = tpu.dynamic_gather %exp3A[%gather3A_176] in [0] : vector<16xf32>, vector<16xi32> -> vector<16xf32>
        %get3A_178 = arith.index_cast %scan3A_44 : i32 to index
        %get3A_179 = arith.constant 80 : index
        %get3A_180 = tpu.vector_load %arg10[%get3A_178, %get3A_179] {strides = array<i32>} : memref<80x144xf32, #tpu.memory_space<vmem>>, vector<1x16xf32>,
        %get3A_181 = vector.shape_cast %get3A_180 : vector<1x16xf32> to vector<16xf32>
        %mul3A_182 = arith.mulf %get3A_181, %gather3A_177 : vector<16xf32>
        %swap3A_183 = arith.index_cast %scan3A_44 : i32 to index
        %swap3A_184 = arith.constant 80 : index
        %swap3A_185 = tpu.vector_load %arg10[%swap3A_183, %swap3A_184] {strides = array<i32>} : memref<80x144xf32, #tpu.memory_space<vmem>>, vector<1x16xf32>,
        %swap3A_186 = vector.shape_cast %swap3A_185 : vector<1x16xf32> to vector<16xf32>
        %swap3A_187 = vector.shape_cast %mul3A_182 : vector<16xf32> to vector<1x16xf32>
        tpu.vector_store %arg10[%swap3A_183, %swap3A_184], %swap3A_187 {strides = array<i32>} : memref<80x144xf32, #tpu.memory_space<vmem>>, vector<1x16xf32>,
        %broadcast_in_dim3A_188 = arith.constant 6 : i32
        %broadcast_in_dim3A_189 = vector.broadcast %broadcast_in_dim3A_188 : i32 to vector<16xi32>
        %lt3A_190 = arith.constant 0 : i32
        %lt3A_191 = vector.broadcast %lt3A_190 : i32 to vector<16xi32>
        %lt3A_192 = arith.cmpi slt, %broadcast_in_dim3A_189, %lt3A_191 : vector<16xi32>
        %add3A_193 = arith.constant 16 : i32
        %add3A_194 = vector.broadcast %add3A_193 : i32 to vector<16xi32>
        %add3A_195 = arith.addi %broadcast_in_dim3A_189, %add3A_194 : vector<16xi32>
        %select_n3A_196 = arith.select %lt3A_192, %add3A_195, %broadcast_in_dim3A_189 : vector<16xi1>, vector<16xi32>
        %broadcast_in_dim3A_197 = vector.shape_cast %select_n3A_196 : vector<16xi32> to vector<16x1xi32>
        %gather3A_198 = vector.shape_cast %broadcast_in_dim3A_197 : vector<16x1xi32> to vector<16xi32>
        %gather3A_199 = tpu.dynamic_gather %exp3A[%gather3A_198] in [0] : vector<16xf32>, vector<16xi32> -> vector<16xf32>
        %get3A_200 = arith.index_cast %scan3A_44 : i32 to index
        %get3A_201 = arith.constant 96 : index
        %get3A_202 = tpu.vector_load %arg10[%get3A_200, %get3A_201] {strides = array<i32>} : memref<80x144xf32, #tpu.memory_space<vmem>>, vector<1x16xf32>,
        %get3A_203 = vector.shape_cast %get3A_202 : vector<1x16xf32> to vector<16xf32>
        %mul3A_204 = arith.mulf %get3A_203, %gather3A_199 : vector<16xf32>
        %swap3A_205 = arith.index_cast %scan3A_44 : i32 to index
        %swap3A_206 = arith.constant 96 : index
        %swap3A_207 = tpu.vector_load %arg10[%swap3A_205, %swap3A_206] {strides = array<i32>} : memref<80x144xf32, #tpu.memory_space<vmem>>, vector<1x16xf32>,
        %swap3A_208 = vector.shape_cast %swap3A_207 : vector<1x16xf32> to vector<16xf32>
        %swap3A_209 = vector.shape_cast %mul3A_204 : vector<16xf32> to vector<1x16xf32>
        tpu.vector_store %arg10[%swap3A_205, %swap3A_206], %swap3A_209 {strides = array<i32>} : memref<80x144xf32, #tpu.memory_space<vmem>>, vector<1x16xf32>,
        %broadcast_in_dim3A_210 = arith.constant 7 : i32
        %broadcast_in_dim3A_211 = vector.broadcast %broadcast_in_dim3A_210 : i32 to vector<16xi32>
        %lt3A_212 = arith.constant 0 : i32
        %lt3A_213 = vector.broadcast %lt3A_212 : i32 to vector<16xi32>
        %lt3A_214 = arith.cmpi slt, %broadcast_in_dim3A_211, %lt3A_213 : vector<16xi32>
        %add3A_215 = arith.constant 16 : i32
        %add3A_216 = vector.broadcast %add3A_215 : i32 to vector<16xi32>
        %add3A_217 = arith.addi %broadcast_in_dim3A_211, %add3A_216 : vector<16xi32>
        %select_n3A_218 = arith.select %lt3A_214, %add3A_217, %broadcast_in_dim3A_211 : vector<16xi1>, vector<16xi32>
        %broadcast_in_dim3A_219 = vector.shape_cast %select_n3A_218 : vector<16xi32> to vector<16x1xi32>
        %gather3A_220 = vector.shape_cast %broadcast_in_dim3A_219 : vector<16x1xi32> to vector<16xi32>
        %gather3A_221 = tpu.dynamic_gather %exp3A[%gather3A_220] in [0] : vector<16xf32>, vector<16xi32> -> vector<16xf32>
        %get3A_222 = arith.index_cast %scan3A_44 : i32 to index
        %get3A_223 = arith.constant 112 : index
        %get3A_224 = tpu.vector_load %arg10[%get3A_222, %get3A_223] {strides = array<i32>} : memref<80x144xf32, #tpu.memory_space<vmem>>, vector<1x16xf32>,
        %get3A_225 = vector.shape_cast %get3A_224 : vector<1x16xf32> to vector<16xf32>
        %mul3A_226 = arith.mulf %get3A_225, %gather3A_221 : vector<16xf32>
        %swap3A_227 = arith.index_cast %scan3A_44 : i32 to index
        %swap3A_228 = arith.constant 112 : index
        %swap3A_229 = tpu.vector_load %arg10[%swap3A_227, %swap3A_228] {strides = array<i32>} : memref<80x144xf32, #tpu.memory_space<vmem>>, vector<1x16xf32>,
        %swap3A_230 = vector.shape_cast %swap3A_229 : vector<1x16xf32> to vector<16xf32>
        %swap3A_231 = vector.shape_cast %mul3A_226 : vector<16xf32> to vector<1x16xf32>
        tpu.vector_store %arg10[%swap3A_227, %swap3A_228], %swap3A_231 {strides = array<i32>} : memref<80x144xf32, #tpu.memory_space<vmem>>, vector<1x16xf32>,
      }
      %scan3A_43 = arith.constant 80 : i32
      "tpu.region"() ({
        %run_scoped3A = tpu.sem_alloc : memref<!tpu.dma_semaphore, #tpu.memory_space<semaphore_mem>>
        %dma_start3A_44 = arith.constant 0 : i32
        %dma_start3A_45 = tpu.memref_slice %arg9[%scan3A_15, %dma_start3A_44] : memref<125x80xi32, #tpu.memory_space<vmem>> -> memref<1x80xi32, #tpu.memory_space<vmem>>
        %dma_start3A_46 = tpu.memref_squeeze %dma_start3A_45 : memref<1x80xi32, #tpu.memory_space<vmem>> -> memref<80xi32, #tpu.memory_space<vmem>>
        %dma_start3A_47 = arith.constant 0 : i32
        %dma_start3A_48 = arith.constant 0 : i32
        %dma_start3A_49 = tpu.memref_slice %arg12[%dma_start3A_47, %dma_start3A_48] : memref<10240x144xf32, #tpu.memory_space<vmem_shared>> -> memref<10240x144xf32, #tpu.memory_space<vmem_shared>>
        tpu.enqueue_indirect_dma source(%arg10 : memref<80x144xf32, #tpu.memory_space<vmem>>) target(%dma_start3A_49 : memref<10240x144xf32, #tpu.memory_space<vmem_shared>>) offsets(%dma_start3A_46 : memref<80xi32, #tpu.memory_space<vmem>>) semaphore(%run_scoped3A : memref<!tpu.dma_semaphore, #tpu.memory_space<semaphore_mem>>) {add = true}
        %dma_wait3A_50 = arith.constant 0 : i32
        %dma_wait3A_51 = tpu.memref_slice %arg9[%scan3A_15, %dma_wait3A_50] : memref<125x80xi32, #tpu.memory_space<vmem>> -> memref<1x80xi32, #tpu.memory_space<vmem>>
        %dma_wait3A_52 = tpu.memref_squeeze %dma_wait3A_51 : memref<1x80xi32, #tpu.memory_space<vmem>> -> memref<80xi32, #tpu.memory_space<vmem>>
        %dma_wait3A_53 = arith.constant 0 : i32
        %dma_wait3A_54 = arith.constant 0 : i32
        %dma_wait3A_55 = tpu.memref_slice %arg12[%dma_wait3A_53, %dma_wait3A_54] : memref<10240x144xf32, #tpu.memory_space<vmem_shared>> -> memref<10240x144xf32, #tpu.memory_space<vmem_shared>>
        tpu.wait_indirect_dma semaphore(%run_scoped3A : memref<!tpu.dma_semaphore, #tpu.memory_space<semaphore_mem>>) src(%arg10 : memref<80x144xf32, #tpu.memory_space<vmem>>) dst(%dma_wait3A_55 : memref<10240x144xf32, #tpu.memory_space<vmem_shared>>)
        tpu.yield
      }) : () -> ()
    }
    %scan3A_9 = arith.constant 125 : i32
    %barrier3A_10 = arith.constant 0 : index
    tpu.barrier barrier_id(%barrier3A_10)
    %mul3A_11 = arith.constant 640 : i32
    %mul3A_12 = arith.muli %arg1, %mul3A_11 : i32
    %mul3A_13 = arith.constant 640 : i32
    %mul3A_14 = arith.muli %arg1, %mul3A_13 : i32
    "tpu.region"() ({
      %run_scoped3A = tpu.sem_alloc : memref<!tpu.dma_semaphore, #tpu.memory_space<semaphore_mem>>
      %dma_start3A = arith.constant 0 : i32
      %dma_start3A_15 = arith.constant 0 : i32
      %dma_start3A_16 = tpu.memref_slice %arg7[%arg0, %dma_start3A, %dma_start3A_15] : memref<2x10240x144xf32, #tpu.memory_space<hbm>> -> memref<1x10240x144xf32, #tpu.memory_space<hbm>>
      %dma_start3A_17 = tpu.memref_squeeze %dma_start3A_16 : memref<1x10240x144xf32, #tpu.memory_space<hbm>> -> memref<10240x144xf32, #tpu.memory_space<hbm>>
      %dma_start3A_18 = arith.constant 0 : i32
      %dma_start3A_19 = tpu.memref_slice %dma_start3A_17[%mul3A_14, %dma_start3A_18] : memref<10240x144xf32, #tpu.memory_space<hbm>> -> memref<640x144xf32, #tpu.memory_space<hbm>>
      %dma_start3A_20 = arith.constant 0 : i32
      %dma_start3A_21 = tpu.memref_slice %arg12[%mul3A_12, %dma_start3A_20] : memref<10240x144xf32, #tpu.memory_space<vmem_shared>> -> memref<640x144xf32, #tpu.memory_space<vmem_shared>>
      tpu.enqueue_dma source(%dma_start3A_21 : memref<640x144xf32, #tpu.memory_space<vmem_shared>>) target(%dma_start3A_19 : memref<640x144xf32, #tpu.memory_space<hbm>>) target_semaphore(%run_scoped3A : memref<!tpu.dma_semaphore, #tpu.memory_space<semaphore_mem>>)
      %dma_wait3A = arith.constant 0 : i32
      %dma_wait3A_22 = arith.constant 0 : i32
      %dma_wait3A_23 = tpu.memref_slice %arg7[%arg0, %dma_wait3A, %dma_wait3A_22] : memref<2x10240x144xf32, #tpu.memory_space<hbm>> -> memref<1x10240x144xf32, #tpu.memory_space<hbm>>
      %dma_wait3A_24 = tpu.memref_squeeze %dma_wait3A_23 : memref<1x10240x144xf32, #tpu.memory_space<hbm>> -> memref<10240x144xf32, #tpu.memory_space<hbm>>
      %dma_wait3A_25 = arith.constant 0 : i32
      %dma_wait3A_26 = tpu.memref_slice %dma_wait3A_24[%mul3A_14, %dma_wait3A_25] : memref<10240x144xf32, #tpu.memory_space<hbm>> -> memref<640x144xf32, #tpu.memory_space<hbm>>
      %dma_wait3A_27 = arith.constant 0 : i32
      %dma_wait3A_28 = tpu.memref_slice %arg12[%mul3A_12, %dma_wait3A_27] : memref<10240x144xf32, #tpu.memory_space<vmem_shared>> -> memref<640x144xf32, #tpu.memory_space<vmem_shared>>
      tpu.wait_dma2 semaphore(%run_scoped3A : memref<!tpu.dma_semaphore, #tpu.memory_space<semaphore_mem>>) src(%dma_wait3A_28 : memref<640x144xf32, #tpu.memory_space<vmem_shared>>) dst(%dma_wait3A_26 : memref<640x144xf32, #tpu.memory_space<hbm>>)
      tpu.yield
    }) : () -> ()
    return
  }
}

#map = affine_map<(d0, d1) -> (0, 0)>
#map1 = affine_map<(d0, d1) -> (0, 0, 0)>
module attributes {stable_mosaic.version = 14 : i64} {
  func.func @edge_kernel(%arg0: i32, %arg1: i32, %arg2: memref<10240x144xf32, #tpu.memory_space<hbm>>, %arg3: memref<10240x16xf32, #tpu.memory_space<hbm>>, %arg4: memref<32x125x80xi32, #tpu.memory_space<hbm>>, %arg5: memref<32x125x80xi32, #tpu.memory_space<hbm>>, %arg6: memref<10240x144xf32, #tpu.memory_space<hbm>>, %arg7: memref<2x10240x144xf32, #tpu.memory_space<hbm>>, %arg8: memref<125x80xi32, #tpu.memory_space<vmem>>, %arg9: memref<125x80xi32, #tpu.memory_space<vmem>>, %arg10: memref<80x144xf32, #tpu.memory_space<vmem>>, %arg11: memref<80x16xf32, #tpu.memory_space<vmem>>, %arg12: memref<10240x144xf32, #tpu.memory_space<vmem_shared>>, %arg13: memref<!tpu.dma_semaphore, #tpu.memory_space<semaphore_mem>>) attributes {dimension_semantics = [#tpu.dimension_semantics<core_parallel>, #tpu.dimension_semantics<subcore_parallel>], iteration_bounds = array<i64: 2, 16>, scalar_prefetch = 0 : i64, scratch_operands = 6 : i64, tpu.core_type = #tpu.core_type<sc_vector_subcore>, window_params = [{transform_indices = #map}, {transform_indices = #map}, {transform_indices = #map1}, {transform_indices = #map1}, {transform_indices = #map}, {transform_indices = #map1}]} {
    %mul3A = arith.constant 2 : i32
    %mul3A_0 = arith.muli %arg1, %mul3A : i32
    %add3A = arith.addi %mul3A_0, %arg0 : i32
    %mul3A_1 = arith.constant 640 : i32
    %mul3A_2 = arith.muli %arg1, %mul3A_1 : i32
    %mul3A_3 = arith.constant 640 : i32
    %mul3A_4 = arith.muli %arg1, %mul3A_3 : i32
    "tpu.region"() ({
      %run_scoped3A = tpu.sem_alloc : memref<!tpu.dma_semaphore, #tpu.memory_space<semaphore_mem>>
      %dma_start3A = arith.constant 0 : i32
      %dma_start3A_15 = tpu.memref_slice %arg12[%mul3A_4, %dma_start3A] : memref<10240x144xf32, #tpu.memory_space<vmem_shared>> -> memref<640x144xf32, #tpu.memory_space<vmem_shared>>
      %dma_start3A_16 = arith.constant 0 : i32
      %dma_start3A_17 = tpu.memref_slice %arg6[%mul3A_2, %dma_start3A_16] : memref<10240x144xf32, #tpu.memory_space<hbm>> -> memref<640x144xf32, #tpu.memory_space<hbm>>
      tpu.enqueue_dma source(%dma_start3A_17 : memref<640x144xf32, #tpu.memory_space<hbm>>) target(%dma_start3A_15 : memref<640x144xf32, #tpu.memory_space<vmem_shared>>) target_semaphore(%run_scoped3A : memref<!tpu.dma_semaphore, #tpu.memory_space<semaphore_mem>>)
      %dma_wait3A = arith.constant 0 : i32
      %dma_wait3A_18 = tpu.memref_slice %arg12[%mul3A_4, %dma_wait3A] : memref<10240x144xf32, #tpu.memory_space<vmem_shared>> -> memref<640x144xf32, #tpu.memory_space<vmem_shared>>
      %dma_wait3A_19 = arith.constant 0 : i32
      %dma_wait3A_20 = tpu.memref_slice %arg6[%mul3A_2, %dma_wait3A_19] : memref<10240x144xf32, #tpu.memory_space<hbm>> -> memref<640x144xf32, #tpu.memory_space<hbm>>
      tpu.wait_dma2 semaphore(%run_scoped3A : memref<!tpu.dma_semaphore, #tpu.memory_space<semaphore_mem>>) src(%dma_wait3A_20 : memref<640x144xf32, #tpu.memory_space<hbm>>) dst(%dma_wait3A_18 : memref<640x144xf32, #tpu.memory_space<vmem_shared>>)
      tpu.yield
    }) : () -> ()
    "tpu.region"() ({
      %run_scoped3A = tpu.sem_alloc : memref<!tpu.dma_semaphore, #tpu.memory_space<semaphore_mem>>
      %dma_start3A = arith.constant 0 : i32
      %dma_start3A_15 = arith.constant 0 : i32
      %dma_start3A_16 = tpu.memref_slice %arg4[%add3A, %dma_start3A, %dma_start3A_15] : memref<32x125x80xi32, #tpu.memory_space<hbm>> -> memref<1x125x80xi32, #tpu.memory_space<hbm>>
      %dma_start3A_17 = tpu.memref_squeeze %dma_start3A_16 : memref<1x125x80xi32, #tpu.memory_space<hbm>> -> memref<125x80xi32, #tpu.memory_space<hbm>>
      %dma_start3A_18 = arith.constant 0 : i32
      %dma_start3A_19 = arith.constant 0 : i32
      %dma_start3A_20 = tpu.memref_slice %arg4[%add3A, %dma_start3A_18, %dma_start3A_19] : memref<32x125x80xi32, #tpu.memory_space<hbm>> -> memref<1x125x80xi32, #tpu.memory_space<hbm>>
      %dma_start3A_21 = tpu.memref_squeeze %dma_start3A_20 : memref<1x125x80xi32, #tpu.memory_space<hbm>> -> memref<125x80xi32, #tpu.memory_space<hbm>>
      tpu.enqueue_dma source(%dma_start3A_21 : memref<125x80xi32, #tpu.memory_space<hbm>>) target(%arg8 : memref<125x80xi32, #tpu.memory_space<vmem>>) target_semaphore(%run_scoped3A : memref<!tpu.dma_semaphore, #tpu.memory_space<semaphore_mem>>)
      %dma_wait3A = arith.constant 0 : i32
      %dma_wait3A_22 = arith.constant 0 : i32
      %dma_wait3A_23 = tpu.memref_slice %arg4[%add3A, %dma_wait3A, %dma_wait3A_22] : memref<32x125x80xi32, #tpu.memory_space<hbm>> -> memref<1x125x80xi32, #tpu.memory_space<hbm>>
      %dma_wait3A_24 = tpu.memref_squeeze %dma_wait3A_23 : memref<1x125x80xi32, #tpu.memory_space<hbm>> -> memref<125x80xi32, #tpu.memory_space<hbm>>
      %dma_wait3A_25 = arith.constant 0 : i32
      %dma_wait3A_26 = arith.constant 0 : i32
      %dma_wait3A_27 = tpu.memref_slice %arg4[%add3A, %dma_wait3A_25, %dma_wait3A_26] : memref<32x125x80xi32, #tpu.memory_space<hbm>> -> memref<1x125x80xi32, #tpu.memory_space<hbm>>
      %dma_wait3A_28 = tpu.memref_squeeze %dma_wait3A_27 : memref<1x125x80xi32, #tpu.memory_space<hbm>> -> memref<125x80xi32, #tpu.memory_space<hbm>>
      tpu.wait_dma2 semaphore(%run_scoped3A : memref<!tpu.dma_semaphore, #tpu.memory_space<semaphore_mem>>) src(%dma_wait3A_28 : memref<125x80xi32, #tpu.memory_space<hbm>>) dst(%arg8 : memref<125x80xi32, #tpu.memory_space<vmem>>)
      tpu.yield
    }) : () -> ()
    "tpu.region"() ({
      %run_scoped3A = tpu.sem_alloc : memref<!tpu.dma_semaphore, #tpu.memory_space<semaphore_mem>>
      %dma_start3A = arith.constant 0 : i32
      %dma_start3A_15 = arith.constant 0 : i32
      %dma_start3A_16 = tpu.memref_slice %arg5[%add3A, %dma_start3A, %dma_start3A_15] : memref<32x125x80xi32, #tpu.memory_space<hbm>> -> memref<1x125x80xi32, #tpu.memory_space<hbm>>
      %dma_start3A_17 = tpu.memref_squeeze %dma_start3A_16 : memref<1x125x80xi32, #tpu.memory_space<hbm>> -> memref<125x80xi32, #tpu.memory_space<hbm>>
      %dma_start3A_18 = arith.constant 0 : i32
      %dma_start3A_19 = arith.constant 0 : i32
      %dma_start3A_20 = tpu.memref_slice %arg5[%add3A, %dma_start3A_18, %dma_start3A_19] : memref<32x125x80xi32, #tpu.memory_space<hbm>> -> memref<1x125x80xi32, #tpu.memory_space<hbm>>
      %dma_start3A_21 = tpu.memref_squeeze %dma_start3A_20 : memref<1x125x80xi32, #tpu.memory_space<hbm>> -> memref<125x80xi32, #tpu.memory_space<hbm>>
      tpu.enqueue_dma source(%dma_start3A_21 : memref<125x80xi32, #tpu.memory_space<hbm>>) target(%arg9 : memref<125x80xi32, #tpu.memory_space<vmem>>) target_semaphore(%run_scoped3A : memref<!tpu.dma_semaphore, #tpu.memory_space<semaphore_mem>>)
      %dma_wait3A = arith.constant 0 : i32
      %dma_wait3A_22 = arith.constant 0 : i32
      %dma_wait3A_23 = tpu.memref_slice %arg5[%add3A, %dma_wait3A, %dma_wait3A_22] : memref<32x125x80xi32, #tpu.memory_space<hbm>> -> memref<1x125x80xi32, #tpu.memory_space<hbm>>
      %dma_wait3A_24 = tpu.memref_squeeze %dma_wait3A_23 : memref<1x125x80xi32, #tpu.memory_space<hbm>> -> memref<125x80xi32, #tpu.memory_space<hbm>>
      %dma_wait3A_25 = arith.constant 0 : i32
      %dma_wait3A_26 = arith.constant 0 : i32
      %dma_wait3A_27 = tpu.memref_slice %arg5[%add3A, %dma_wait3A_25, %dma_wait3A_26] : memref<32x125x80xi32, #tpu.memory_space<hbm>> -> memref<1x125x80xi32, #tpu.memory_space<hbm>>
      %dma_wait3A_28 = tpu.memref_squeeze %dma_wait3A_27 : memref<1x125x80xi32, #tpu.memory_space<hbm>> -> memref<125x80xi32, #tpu.memory_space<hbm>>
      tpu.wait_dma2 semaphore(%run_scoped3A : memref<!tpu.dma_semaphore, #tpu.memory_space<semaphore_mem>>) src(%dma_wait3A_28 : memref<125x80xi32, #tpu.memory_space<hbm>>) dst(%arg9 : memref<125x80xi32, #tpu.memory_space<vmem>>)
      tpu.yield
    }) : () -> ()
    %barrier3A = arith.constant 0 : index
    tpu.barrier barrier_id(%barrier3A)
    %scan3A = arith.constant 0 : i32
    %scan3A_5 = arith.constant 0 : i32
    %scan3A_6 = arith.constant 125 : i32
    %scan3A_7 = arith.addi %scan3A_5, %scan3A_6 : i32
    %scan3A_8 = arith.constant 1 : i32
    scf.for %scan3A_15 = %scan3A_5 to %scan3A_7 step %scan3A_8  : i32 {
      %dma_start3A = arith.constant 0 : i32
      %dma_start3A_16 = tpu.memref_slice %arg8[%scan3A_15, %dma_start3A] : memref<125x80xi32, #tpu.memory_space<vmem>> -> memref<1x80xi32, #tpu.memory_space<vmem>>
      %dma_start3A_17 = tpu.memref_squeeze %dma_start3A_16 : memref<1x80xi32, #tpu.memory_space<vmem>> -> memref<80xi32, #tpu.memory_space<vmem>>
      %dma_start3A_18 = arith.constant 0 : i32
      %dma_start3A_19 = arith.constant 0 : i32
      %dma_start3A_20 = tpu.memref_slice %arg2[%dma_start3A_18, %dma_start3A_19] : memref<10240x144xf32, #tpu.memory_space<hbm>> -> memref<10240x144xf32, #tpu.memory_space<hbm>>
      tpu.enqueue_indirect_dma source(%dma_start3A_20 : memref<10240x144xf32, #tpu.memory_space<hbm>>) target(%arg10 : memref<80x144xf32, #tpu.memory_space<vmem>>) offsets(%dma_start3A_17 : memref<80xi32, #tpu.memory_space<vmem>>) semaphore(%arg13 : memref<!tpu.dma_semaphore, #tpu.memory_space<semaphore_mem>>)
      %dma_wait3A = arith.constant 0 : i32
      %dma_wait3A_21 = tpu.memref_slice %arg8[%scan3A_15, %dma_wait3A] : memref<125x80xi32, #tpu.memory_space<vmem>> -> memref<1x80xi32, #tpu.memory_space<vmem>>
      %dma_wait3A_22 = tpu.memref_squeeze %dma_wait3A_21 : memref<1x80xi32, #tpu.memory_space<vmem>> -> memref<80xi32, #tpu.memory_space<vmem>>
      %dma_wait3A_23 = arith.constant 0 : i32
      %dma_wait3A_24 = arith.constant 0 : i32
      %dma_wait3A_25 = tpu.memref_slice %arg2[%dma_wait3A_23, %dma_wait3A_24] : memref<10240x144xf32, #tpu.memory_space<hbm>> -> memref<10240x144xf32, #tpu.memory_space<hbm>>
      tpu.wait_indirect_dma semaphore(%arg13 : memref<!tpu.dma_semaphore, #tpu.memory_space<semaphore_mem>>) src(%dma_wait3A_25 : memref<10240x144xf32, #tpu.memory_space<hbm>>) dst(%arg10 : memref<80x144xf32, #tpu.memory_space<vmem>>)
      %dma_start3A_26 = arith.constant 0 : i32
      %dma_start3A_27 = tpu.memref_slice %arg9[%scan3A_15, %dma_start3A_26] : memref<125x80xi32, #tpu.memory_space<vmem>> -> memref<1x80xi32, #tpu.memory_space<vmem>>
      %dma_start3A_28 = tpu.memref_squeeze %dma_start3A_27 : memref<1x80xi32, #tpu.memory_space<vmem>> -> memref<80xi32, #tpu.memory_space<vmem>>
      %dma_start3A_29 = arith.constant 0 : i32
      %dma_start3A_30 = arith.constant 0 : i32
      %dma_start3A_31 = tpu.memref_slice %arg3[%dma_start3A_29, %dma_start3A_30] : memref<10240x16xf32, #tpu.memory_space<hbm>> -> memref<10240x16xf32, #tpu.memory_space<hbm>>
      tpu.enqueue_indirect_dma source(%dma_start3A_31 : memref<10240x16xf32, #tpu.memory_space<hbm>>) target(%arg11 : memref<80x16xf32, #tpu.memory_space<vmem>>) offsets(%dma_start3A_28 : memref<80xi32, #tpu.memory_space<vmem>>) semaphore(%arg13 : memref<!tpu.dma_semaphore, #tpu.memory_space<semaphore_mem>>)
      %dma_wait3A_32 = arith.constant 0 : i32
      %dma_wait3A_33 = tpu.memref_slice %arg9[%scan3A_15, %dma_wait3A_32] : memref<125x80xi32, #tpu.memory_space<vmem>> -> memref<1x80xi32, #tpu.memory_space<vmem>>
      %dma_wait3A_34 = tpu.memref_squeeze %dma_wait3A_33 : memref<1x80xi32, #tpu.memory_space<vmem>> -> memref<80xi32, #tpu.memory_space<vmem>>
      %dma_wait3A_35 = arith.constant 0 : i32
      %dma_wait3A_36 = arith.constant 0 : i32
      %dma_wait3A_37 = tpu.memref_slice %arg3[%dma_wait3A_35, %dma_wait3A_36] : memref<10240x16xf32, #tpu.memory_space<hbm>> -> memref<10240x16xf32, #tpu.memory_space<hbm>>
      tpu.wait_indirect_dma semaphore(%arg13 : memref<!tpu.dma_semaphore, #tpu.memory_space<semaphore_mem>>) src(%dma_wait3A_37 : memref<10240x16xf32, #tpu.memory_space<hbm>>) dst(%arg11 : memref<80x16xf32, #tpu.memory_space<vmem>>)
      %scan3A_38 = arith.constant 0 : i32
      %scan3A_39 = arith.constant 0 : i32
      %scan3A_40 = arith.constant 80 : i32
      %scan3A_41 = arith.addi %scan3A_39, %scan3A_40 : i32
      %scan3A_42 = arith.constant 1 : i32
      scf.for %scan3A_44 = %scan3A_39 to %scan3A_41 step %scan3A_42  : i32 {
        %get3A = arith.index_cast %scan3A_44 : i32 to index
        %get3A_45 = arith.constant 128 : index
        %get3A_46 = tpu.vector_load %arg10[%get3A, %get3A_45] {strides = array<i32>} : memref<80x144xf32, #tpu.memory_space<vmem>>, vector<1x16xf32>,
        %get3A_47 = vector.shape_cast %get3A_46 : vector<1x16xf32> to vector<16xf32>
        %get3A_48 = arith.index_cast %scan3A_44 : i32 to index
        %get3A_49 = arith.constant 0 : index
        %get3A_50 = tpu.vector_load %arg11[%get3A_48, %get3A_49] {strides = array<i32>} : memref<80x16xf32, #tpu.memory_space<vmem>>, vector<1x16xf32>,
        %get3A_51 = vector.shape_cast %get3A_50 : vector<1x16xf32> to vector<16xf32>
        %add3A_52 = arith.addf %get3A_47, %get3A_51 : vector<16xf32>
        %mul3A_53 = arith.constant 2.000000e-01 : f32
        %mul3A_54 = vector.broadcast %mul3A_53 : f32 to vector<16xf32>
        %mul3A_55 = arith.mulf %add3A_52, %mul3A_54 : vector<16xf32>
        %max3A = arith.maximumf %add3A_52, %mul3A_55 : vector<16xf32>
        %exp3A = math.exp %max3A : vector<16xf32>
        %swap3A = arith.index_cast %scan3A_44 : i32 to index
        %swap3A_56 = arith.constant 128 : index
        %swap3A_57 = tpu.vector_load %arg10[%swap3A, %swap3A_56] {strides = array<i32>} : memref<80x144xf32, #tpu.memory_space<vmem>>, vector<1x16xf32>,
        %swap3A_58 = vector.shape_cast %swap3A_57 : vector<1x16xf32> to vector<16xf32>
        %swap3A_59 = vector.shape_cast %exp3A : vector<16xf32> to vector<1x16xf32>
        tpu.vector_store %arg10[%swap3A, %swap3A_56], %swap3A_59 {strides = array<i32>} : memref<80x144xf32, #tpu.memory_space<vmem>>, vector<1x16xf32>,
        %broadcast_in_dim3A = arith.constant 0 : i32
        %broadcast_in_dim3A_60 = vector.broadcast %broadcast_in_dim3A : i32 to vector<16xi32>
        %lt3A = arith.constant 0 : i32
        %lt3A_61 = vector.broadcast %lt3A : i32 to vector<16xi32>
        %lt3A_62 = arith.cmpi slt, %broadcast_in_dim3A_60, %lt3A_61 : vector<16xi32>
        %add3A_63 = arith.constant 16 : i32
        %add3A_64 = vector.broadcast %add3A_63 : i32 to vector<16xi32>
        %add3A_65 = arith.addi %broadcast_in_dim3A_60, %add3A_64 : vector<16xi32>
        %select_n3A = arith.select %lt3A_62, %add3A_65, %broadcast_in_dim3A_60 : vector<16xi1>, vector<16xi32>
        %broadcast_in_dim3A_66 = vector.shape_cast %select_n3A : vector<16xi32> to vector<16x1xi32>
        %gather3A = vector.shape_cast %broadcast_in_dim3A_66 : vector<16x1xi32> to vector<16xi32>
        %gather3A_67 = tpu.dynamic_gather %exp3A[%gather3A] in [0] : vector<16xf32>, vector<16xi32> -> vector<16xf32>
        %get3A_68 = arith.index_cast %scan3A_44 : i32 to index
        %get3A_69 = arith.constant 0 : index
        %get3A_70 = tpu.vector_load %arg10[%get3A_68, %get3A_69] {strides = array<i32>} : memref<80x144xf32, #tpu.memory_space<vmem>>, vector<1x16xf32>,
        %get3A_71 = vector.shape_cast %get3A_70 : vector<1x16xf32> to vector<16xf32>
        %mul3A_72 = arith.mulf %get3A_71, %gather3A_67 : vector<16xf32>
        %swap3A_73 = arith.index_cast %scan3A_44 : i32 to index
        %swap3A_74 = arith.constant 0 : index
        %swap3A_75 = tpu.vector_load %arg10[%swap3A_73, %swap3A_74] {strides = array<i32>} : memref<80x144xf32, #tpu.memory_space<vmem>>, vector<1x16xf32>,
        %swap3A_76 = vector.shape_cast %swap3A_75 : vector<1x16xf32> to vector<16xf32>
        %swap3A_77 = vector.shape_cast %mul3A_72 : vector<16xf32> to vector<1x16xf32>
        tpu.vector_store %arg10[%swap3A_73, %swap3A_74], %swap3A_77 {strides = array<i32>} : memref<80x144xf32, #tpu.memory_space<vmem>>, vector<1x16xf32>,
        %broadcast_in_dim3A_78 = arith.constant 1 : i32
        %broadcast_in_dim3A_79 = vector.broadcast %broadcast_in_dim3A_78 : i32 to vector<16xi32>
        %lt3A_80 = arith.constant 0 : i32
        %lt3A_81 = vector.broadcast %lt3A_80 : i32 to vector<16xi32>
        %lt3A_82 = arith.cmpi slt, %broadcast_in_dim3A_79, %lt3A_81 : vector<16xi32>
        %add3A_83 = arith.constant 16 : i32
        %add3A_84 = vector.broadcast %add3A_83 : i32 to vector<16xi32>
        %add3A_85 = arith.addi %broadcast_in_dim3A_79, %add3A_84 : vector<16xi32>
        %select_n3A_86 = arith.select %lt3A_82, %add3A_85, %broadcast_in_dim3A_79 : vector<16xi1>, vector<16xi32>
        %broadcast_in_dim3A_87 = vector.shape_cast %select_n3A_86 : vector<16xi32> to vector<16x1xi32>
        %gather3A_88 = vector.shape_cast %broadcast_in_dim3A_87 : vector<16x1xi32> to vector<16xi32>
        %gather3A_89 = tpu.dynamic_gather %exp3A[%gather3A_88] in [0] : vector<16xf32>, vector<16xi32> -> vector<16xf32>
        %get3A_90 = arith.index_cast %scan3A_44 : i32 to index
        %get3A_91 = arith.constant 16 : index
        %get3A_92 = tpu.vector_load %arg10[%get3A_90, %get3A_91] {strides = array<i32>} : memref<80x144xf32, #tpu.memory_space<vmem>>, vector<1x16xf32>,
        %get3A_93 = vector.shape_cast %get3A_92 : vector<1x16xf32> to vector<16xf32>
        %mul3A_94 = arith.mulf %get3A_93, %gather3A_89 : vector<16xf32>
        %swap3A_95 = arith.index_cast %scan3A_44 : i32 to index
        %swap3A_96 = arith.constant 16 : index
        %swap3A_97 = tpu.vector_load %arg10[%swap3A_95, %swap3A_96] {strides = array<i32>} : memref<80x144xf32, #tpu.memory_space<vmem>>, vector<1x16xf32>,
        %swap3A_98 = vector.shape_cast %swap3A_97 : vector<1x16xf32> to vector<16xf32>
        %swap3A_99 = vector.shape_cast %mul3A_94 : vector<16xf32> to vector<1x16xf32>
        tpu.vector_store %arg10[%swap3A_95, %swap3A_96], %swap3A_99 {strides = array<i32>} : memref<80x144xf32, #tpu.memory_space<vmem>>, vector<1x16xf32>,
        %broadcast_in_dim3A_100 = arith.constant 2 : i32
        %broadcast_in_dim3A_101 = vector.broadcast %broadcast_in_dim3A_100 : i32 to vector<16xi32>
        %lt3A_102 = arith.constant 0 : i32
        %lt3A_103 = vector.broadcast %lt3A_102 : i32 to vector<16xi32>
        %lt3A_104 = arith.cmpi slt, %broadcast_in_dim3A_101, %lt3A_103 : vector<16xi32>
        %add3A_105 = arith.constant 16 : i32
        %add3A_106 = vector.broadcast %add3A_105 : i32 to vector<16xi32>
        %add3A_107 = arith.addi %broadcast_in_dim3A_101, %add3A_106 : vector<16xi32>
        %select_n3A_108 = arith.select %lt3A_104, %add3A_107, %broadcast_in_dim3A_101 : vector<16xi1>, vector<16xi32>
        %broadcast_in_dim3A_109 = vector.shape_cast %select_n3A_108 : vector<16xi32> to vector<16x1xi32>
        %gather3A_110 = vector.shape_cast %broadcast_in_dim3A_109 : vector<16x1xi32> to vector<16xi32>
        %gather3A_111 = tpu.dynamic_gather %exp3A[%gather3A_110] in [0] : vector<16xf32>, vector<16xi32> -> vector<16xf32>
        %get3A_112 = arith.index_cast %scan3A_44 : i32 to index
        %get3A_113 = arith.constant 32 : index
        %get3A_114 = tpu.vector_load %arg10[%get3A_112, %get3A_113] {strides = array<i32>} : memref<80x144xf32, #tpu.memory_space<vmem>>, vector<1x16xf32>,
        %get3A_115 = vector.shape_cast %get3A_114 : vector<1x16xf32> to vector<16xf32>
        %mul3A_116 = arith.mulf %get3A_115, %gather3A_111 : vector<16xf32>
        %swap3A_117 = arith.index_cast %scan3A_44 : i32 to index
        %swap3A_118 = arith.constant 32 : index
        %swap3A_119 = tpu.vector_load %arg10[%swap3A_117, %swap3A_118] {strides = array<i32>} : memref<80x144xf32, #tpu.memory_space<vmem>>, vector<1x16xf32>,
        %swap3A_120 = vector.shape_cast %swap3A_119 : vector<1x16xf32> to vector<16xf32>
        %swap3A_121 = vector.shape_cast %mul3A_116 : vector<16xf32> to vector<1x16xf32>
        tpu.vector_store %arg10[%swap3A_117, %swap3A_118], %swap3A_121 {strides = array<i32>} : memref<80x144xf32, #tpu.memory_space<vmem>>, vector<1x16xf32>,
        %broadcast_in_dim3A_122 = arith.constant 3 : i32
        %broadcast_in_dim3A_123 = vector.broadcast %broadcast_in_dim3A_122 : i32 to vector<16xi32>
        %lt3A_124 = arith.constant 0 : i32
        %lt3A_125 = vector.broadcast %lt3A_124 : i32 to vector<16xi32>
        %lt3A_126 = arith.cmpi slt, %broadcast_in_dim3A_123, %lt3A_125 : vector<16xi32>
        %add3A_127 = arith.constant 16 : i32
        %add3A_128 = vector.broadcast %add3A_127 : i32 to vector<16xi32>
        %add3A_129 = arith.addi %broadcast_in_dim3A_123, %add3A_128 : vector<16xi32>
        %select_n3A_130 = arith.select %lt3A_126, %add3A_129, %broadcast_in_dim3A_123 : vector<16xi1>, vector<16xi32>
        %broadcast_in_dim3A_131 = vector.shape_cast %select_n3A_130 : vector<16xi32> to vector<16x1xi32>
        %gather3A_132 = vector.shape_cast %broadcast_in_dim3A_131 : vector<16x1xi32> to vector<16xi32>
        %gather3A_133 = tpu.dynamic_gather %exp3A[%gather3A_132] in [0] : vector<16xf32>, vector<16xi32> -> vector<16xf32>
        %get3A_134 = arith.index_cast %scan3A_44 : i32 to index
        %get3A_135 = arith.constant 48 : index
        %get3A_136 = tpu.vector_load %arg10[%get3A_134, %get3A_135] {strides = array<i32>} : memref<80x144xf32, #tpu.memory_space<vmem>>, vector<1x16xf32>,
        %get3A_137 = vector.shape_cast %get3A_136 : vector<1x16xf32> to vector<16xf32>
        %mul3A_138 = arith.mulf %get3A_137, %gather3A_133 : vector<16xf32>
        %swap3A_139 = arith.index_cast %scan3A_44 : i32 to index
        %swap3A_140 = arith.constant 48 : index
        %swap3A_141 = tpu.vector_load %arg10[%swap3A_139, %swap3A_140] {strides = array<i32>} : memref<80x144xf32, #tpu.memory_space<vmem>>, vector<1x16xf32>,
        %swap3A_142 = vector.shape_cast %swap3A_141 : vector<1x16xf32> to vector<16xf32>
        %swap3A_143 = vector.shape_cast %mul3A_138 : vector<16xf32> to vector<1x16xf32>
        tpu.vector_store %arg10[%swap3A_139, %swap3A_140], %swap3A_143 {strides = array<i32>} : memref<80x144xf32, #tpu.memory_space<vmem>>, vector<1x16xf32>,
        %broadcast_in_dim3A_144 = arith.constant 4 : i32
        %broadcast_in_dim3A_145 = vector.broadcast %broadcast_in_dim3A_144 : i32 to vector<16xi32>
        %lt3A_146 = arith.constant 0 : i32
        %lt3A_147 = vector.broadcast %lt3A_146 : i32 to vector<16xi32>
        %lt3A_148 = arith.cmpi slt, %broadcast_in_dim3A_145, %lt3A_147 : vector<16xi32>
        %add3A_149 = arith.constant 16 : i32
        %add3A_150 = vector.broadcast %add3A_149 : i32 to vector<16xi32>
        %add3A_151 = arith.addi %broadcast_in_dim3A_145, %add3A_150 : vector<16xi32>
        %select_n3A_152 = arith.select %lt3A_148, %add3A_151, %broadcast_in_dim3A_145 : vector<16xi1>, vector<16xi32>
        %broadcast_in_dim3A_153 = vector.shape_cast %select_n3A_152 : vector<16xi32> to vector<16x1xi32>
        %gather3A_154 = vector.shape_cast %broadcast_in_dim3A_153 : vector<16x1xi32> to vector<16xi32>
        %gather3A_155 = tpu.dynamic_gather %exp3A[%gather3A_154] in [0] : vector<16xf32>, vector<16xi32> -> vector<16xf32>
        %get3A_156 = arith.index_cast %scan3A_44 : i32 to index
        %get3A_157 = arith.constant 64 : index
        %get3A_158 = tpu.vector_load %arg10[%get3A_156, %get3A_157] {strides = array<i32>} : memref<80x144xf32, #tpu.memory_space<vmem>>, vector<1x16xf32>,
        %get3A_159 = vector.shape_cast %get3A_158 : vector<1x16xf32> to vector<16xf32>
        %mul3A_160 = arith.mulf %get3A_159, %gather3A_155 : vector<16xf32>
        %swap3A_161 = arith.index_cast %scan3A_44 : i32 to index
        %swap3A_162 = arith.constant 64 : index
        %swap3A_163 = tpu.vector_load %arg10[%swap3A_161, %swap3A_162] {strides = array<i32>} : memref<80x144xf32, #tpu.memory_space<vmem>>, vector<1x16xf32>,
        %swap3A_164 = vector.shape_cast %swap3A_163 : vector<1x16xf32> to vector<16xf32>
        %swap3A_165 = vector.shape_cast %mul3A_160 : vector<16xf32> to vector<1x16xf32>
        tpu.vector_store %arg10[%swap3A_161, %swap3A_162], %swap3A_165 {strides = array<i32>} : memref<80x144xf32, #tpu.memory_space<vmem>>, vector<1x16xf32>,
        %broadcast_in_dim3A_166 = arith.constant 5 : i32
        %broadcast_in_dim3A_167 = vector.broadcast %broadcast_in_dim3A_166 : i32 to vector<16xi32>
        %lt3A_168 = arith.constant 0 : i32
        %lt3A_169 = vector.broadcast %lt3A_168 : i32 to vector<16xi32>
        %lt3A_170 = arith.cmpi slt, %broadcast_in_dim3A_167, %lt3A_169 : vector<16xi32>
        %add3A_171 = arith.constant 16 : i32
        %add3A_172 = vector.broadcast %add3A_171 : i32 to vector<16xi32>
        %add3A_173 = arith.addi %broadcast_in_dim3A_167, %add3A_172 : vector<16xi32>
        %select_n3A_174 = arith.select %lt3A_170, %add3A_173, %broadcast_in_dim3A_167 : vector<16xi1>, vector<16xi32>
        %broadcast_in_dim3A_175 = vector.shape_cast %select_n3A_174 : vector<16xi32> to vector<16x1xi32>
        %gather3A_176 = vector.shape_cast %broadcast_in_dim3A_175 : vector<16x1xi32> to vector<16xi32>
        %gather3A_177 = tpu.dynamic_gather %exp3A[%gather3A_176] in [0] : vector<16xf32>, vector<16xi32> -> vector<16xf32>
        %get3A_178 = arith.index_cast %scan3A_44 : i32 to index
        %get3A_179 = arith.constant 80 : index
        %get3A_180 = tpu.vector_load %arg10[%get3A_178, %get3A_179] {strides = array<i32>} : memref<80x144xf32, #tpu.memory_space<vmem>>, vector<1x16xf32>,
        %get3A_181 = vector.shape_cast %get3A_180 : vector<1x16xf32> to vector<16xf32>
        %mul3A_182 = arith.mulf %get3A_181, %gather3A_177 : vector<16xf32>
        %swap3A_183 = arith.index_cast %scan3A_44 : i32 to index
        %swap3A_184 = arith.constant 80 : index
        %swap3A_185 = tpu.vector_load %arg10[%swap3A_183, %swap3A_184] {strides = array<i32>} : memref<80x144xf32, #tpu.memory_space<vmem>>, vector<1x16xf32>,
        %swap3A_186 = vector.shape_cast %swap3A_185 : vector<1x16xf32> to vector<16xf32>
        %swap3A_187 = vector.shape_cast %mul3A_182 : vector<16xf32> to vector<1x16xf32>
        tpu.vector_store %arg10[%swap3A_183, %swap3A_184], %swap3A_187 {strides = array<i32>} : memref<80x144xf32, #tpu.memory_space<vmem>>, vector<1x16xf32>,
        %broadcast_in_dim3A_188 = arith.constant 6 : i32
        %broadcast_in_dim3A_189 = vector.broadcast %broadcast_in_dim3A_188 : i32 to vector<16xi32>
        %lt3A_190 = arith.constant 0 : i32
        %lt3A_191 = vector.broadcast %lt3A_190 : i32 to vector<16xi32>
        %lt3A_192 = arith.cmpi slt, %broadcast_in_dim3A_189, %lt3A_191 : vector<16xi32>
        %add3A_193 = arith.constant 16 : i32
        %add3A_194 = vector.broadcast %add3A_193 : i32 to vector<16xi32>
        %add3A_195 = arith.addi %broadcast_in_dim3A_189, %add3A_194 : vector<16xi32>
        %select_n3A_196 = arith.select %lt3A_192, %add3A_195, %broadcast_in_dim3A_189 : vector<16xi1>, vector<16xi32>
        %broadcast_in_dim3A_197 = vector.shape_cast %select_n3A_196 : vector<16xi32> to vector<16x1xi32>
        %gather3A_198 = vector.shape_cast %broadcast_in_dim3A_197 : vector<16x1xi32> to vector<16xi32>
        %gather3A_199 = tpu.dynamic_gather %exp3A[%gather3A_198] in [0] : vector<16xf32>, vector<16xi32> -> vector<16xf32>
        %get3A_200 = arith.index_cast %scan3A_44 : i32 to index
        %get3A_201 = arith.constant 96 : index
        %get3A_202 = tpu.vector_load %arg10[%get3A_200, %get3A_201] {strides = array<i32>} : memref<80x144xf32, #tpu.memory_space<vmem>>, vector<1x16xf32>,
        %get3A_203 = vector.shape_cast %get3A_202 : vector<1x16xf32> to vector<16xf32>
        %mul3A_204 = arith.mulf %get3A_203, %gather3A_199 : vector<16xf32>
        %swap3A_205 = arith.index_cast %scan3A_44 : i32 to index
        %swap3A_206 = arith.constant 96 : index
        %swap3A_207 = tpu.vector_load %arg10[%swap3A_205, %swap3A_206] {strides = array<i32>} : memref<80x144xf32, #tpu.memory_space<vmem>>, vector<1x16xf32>,
        %swap3A_208 = vector.shape_cast %swap3A_207 : vector<1x16xf32> to vector<16xf32>
        %swap3A_209 = vector.shape_cast %mul3A_204 : vector<16xf32> to vector<1x16xf32>
        tpu.vector_store %arg10[%swap3A_205, %swap3A_206], %swap3A_209 {strides = array<i32>} : memref<80x144xf32, #tpu.memory_space<vmem>>, vector<1x16xf32>,
        %broadcast_in_dim3A_210 = arith.constant 7 : i32
        %broadcast_in_dim3A_211 = vector.broadcast %broadcast_in_dim3A_210 : i32 to vector<16xi32>
        %lt3A_212 = arith.constant 0 : i32
        %lt3A_213 = vector.broadcast %lt3A_212 : i32 to vector<16xi32>
        %lt3A_214 = arith.cmpi slt, %broadcast_in_dim3A_211, %lt3A_213 : vector<16xi32>
        %add3A_215 = arith.constant 16 : i32
        %add3A_216 = vector.broadcast %add3A_215 : i32 to vector<16xi32>
        %add3A_217 = arith.addi %broadcast_in_dim3A_211, %add3A_216 : vector<16xi32>
        %select_n3A_218 = arith.select %lt3A_214, %add3A_217, %broadcast_in_dim3A_211 : vector<16xi1>, vector<16xi32>
        %broadcast_in_dim3A_219 = vector.shape_cast %select_n3A_218 : vector<16xi32> to vector<16x1xi32>
        %gather3A_220 = vector.shape_cast %broadcast_in_dim3A_219 : vector<16x1xi32> to vector<16xi32>
        %gather3A_221 = tpu.dynamic_gather %exp3A[%gather3A_220] in [0] : vector<16xf32>, vector<16xi32> -> vector<16xf32>
        %get3A_222 = arith.index_cast %scan3A_44 : i32 to index
        %get3A_223 = arith.constant 112 : index
        %get3A_224 = tpu.vector_load %arg10[%get3A_222, %get3A_223] {strides = array<i32>} : memref<80x144xf32, #tpu.memory_space<vmem>>, vector<1x16xf32>,
        %get3A_225 = vector.shape_cast %get3A_224 : vector<1x16xf32> to vector<16xf32>
        %mul3A_226 = arith.mulf %get3A_225, %gather3A_221 : vector<16xf32>
        %swap3A_227 = arith.index_cast %scan3A_44 : i32 to index
        %swap3A_228 = arith.constant 112 : index
        %swap3A_229 = tpu.vector_load %arg10[%swap3A_227, %swap3A_228] {strides = array<i32>} : memref<80x144xf32, #tpu.memory_space<vmem>>, vector<1x16xf32>,
        %swap3A_230 = vector.shape_cast %swap3A_229 : vector<1x16xf32> to vector<16xf32>
        %swap3A_231 = vector.shape_cast %mul3A_226 : vector<16xf32> to vector<1x16xf32>
        tpu.vector_store %arg10[%swap3A_227, %swap3A_228], %swap3A_231 {strides = array<i32>} : memref<80x144xf32, #tpu.memory_space<vmem>>, vector<1x16xf32>,
      }
      %scan3A_43 = arith.constant 80 : i32
      "tpu.region"() ({
        %run_scoped3A = tpu.sem_alloc : memref<!tpu.dma_semaphore, #tpu.memory_space<semaphore_mem>>
        %dma_start3A_44 = arith.constant 0 : i32
        %dma_start3A_45 = tpu.memref_slice %arg9[%scan3A_15, %dma_start3A_44] : memref<125x80xi32, #tpu.memory_space<vmem>> -> memref<1x80xi32, #tpu.memory_space<vmem>>
        %dma_start3A_46 = tpu.memref_squeeze %dma_start3A_45 : memref<1x80xi32, #tpu.memory_space<vmem>> -> memref<80xi32, #tpu.memory_space<vmem>>
        %dma_start3A_47 = arith.constant 0 : i32
        %dma_start3A_48 = arith.constant 0 : i32
        %dma_start3A_49 = tpu.memref_slice %arg12[%dma_start3A_47, %dma_start3A_48] : memref<10240x144xf32, #tpu.memory_space<vmem_shared>> -> memref<10240x144xf32, #tpu.memory_space<vmem_shared>>
        tpu.enqueue_indirect_dma source(%arg10 : memref<80x144xf32, #tpu.memory_space<vmem>>) target(%dma_start3A_49 : memref<10240x144xf32, #tpu.memory_space<vmem_shared>>) offsets(%dma_start3A_46 : memref<80xi32, #tpu.memory_space<vmem>>) semaphore(%run_scoped3A : memref<!tpu.dma_semaphore, #tpu.memory_space<semaphore_mem>>) {add = true}
        %dma_wait3A_50 = arith.constant 0 : i32
        %dma_wait3A_51 = tpu.memref_slice %arg9[%scan3A_15, %dma_wait3A_50] : memref<125x80xi32, #tpu.memory_space<vmem>> -> memref<1x80xi32, #tpu.memory_space<vmem>>
        %dma_wait3A_52 = tpu.memref_squeeze %dma_wait3A_51 : memref<1x80xi32, #tpu.memory_space<vmem>> -> memref<80xi32, #tpu.memory_space<vmem>>
        %dma_wait3A_53 = arith.constant 0 : i32
        %dma_wait3A_54 = arith.constant 0 : i32
        %dma_wait3A_55 = tpu.memref_slice %arg12[%dma_wait3A_53, %dma_wait3A_54] : memref<10240x144xf32, #tpu.memory_space<vmem_shared>> -> memref<10240x144xf32, #tpu.memory_space<vmem_shared>>
        tpu.wait_indirect_dma semaphore(%run_scoped3A : memref<!tpu.dma_semaphore, #tpu.memory_space<semaphore_mem>>) src(%arg10 : memref<80x144xf32, #tpu.memory_space<vmem>>) dst(%dma_wait3A_55 : memref<10240x144xf32, #tpu.memory_space<vmem_shared>>)
        tpu.yield
      }) : () -> ()
    }
    %scan3A_9 = arith.constant 125 : i32
    %barrier3A_10 = arith.constant 0 : index
    tpu.barrier barrier_id(%barrier3A_10)
    %mul3A_11 = arith.constant 640 : i32
    %mul3A_12 = arith.muli %arg1, %mul3A_11 : i32
    %mul3A_13 = arith.constant 640 : i32
    %mul3A_14 = arith.muli %arg1, %mul3A_13 : i32
    "tpu.region"() ({
      %run_scoped3A = tpu.sem_alloc : memref<!tpu.dma_semaphore, #tpu.memory_space<semaphore_mem>>
      %dma_start3A = arith.constant 0 : i32
      %dma_start3A_15 = arith.constant 0 : i32
      %dma_start3A_16 = tpu.memref_slice %arg7[%arg0, %dma_start3A, %dma_start3A_15] : memref<2x10240x144xf32, #tpu.memory_space<hbm>> -> memref<1x10240x144xf32, #tpu.memory_space<hbm>>
      %dma_start3A_17 = tpu.memref_squeeze %dma_start3A_16 : memref<1x10240x144xf32, #tpu.memory_space<hbm>> -> memref<10240x144xf32, #tpu.memory_space<hbm>>
      %dma_start3A_18 = arith.constant 0 : i32
      %dma_start3A_19 = tpu.memref_slice %dma_start3A_17[%mul3A_14, %dma_start3A_18] : memref<10240x144xf32, #tpu.memory_space<hbm>> -> memref<640x144xf32, #tpu.memory_space<hbm>>
      %dma_start3A_20 = arith.constant 0 : i32
      %dma_start3A_21 = tpu.memref_slice %arg12[%mul3A_12, %dma_start3A_20] : memref<10240x144xf32, #tpu.memory_space<vmem_shared>> -> memref<640x144xf32, #tpu.memory_space<vmem_shared>>
      tpu.enqueue_dma source(%dma_start3A_21 : memref<640x144xf32, #tpu.memory_space<vmem_shared>>) target(%dma_start3A_19 : memref<640x144xf32, #tpu.memory_space<hbm>>) target_semaphore(%run_scoped3A : memref<!tpu.dma_semaphore, #tpu.memory_space<semaphore_mem>>)
      %dma_wait3A = arith.constant 0 : i32
      %dma_wait3A_22 = arith.constant 0 : i32
      %dma_wait3A_23 = tpu.memref_slice %arg7[%arg0, %dma_wait3A, %dma_wait3A_22] : memref<2x10240x144xf32, #tpu.memory_space<hbm>> -> memref<1x10240x144xf32, #tpu.memory_space<hbm>>
      %dma_wait3A_24 = tpu.memref_squeeze %dma_wait3A_23 : memref<1x10240x144xf32, #tpu.memory_space<hbm>> -> memref<10240x144xf32, #tpu.memory_space<hbm>>
      %dma_wait3A_25 = arith.constant 0 : i32
      %dma_wait3A_26 = tpu.memref_slice %dma_wait3A_24[%mul3A_14, %dma_wait3A_25] : memref<10240x144xf32, #tpu.memory_space<hbm>> -> memref<640x144xf32, #tpu.memory_space<hbm>>
      %dma_wait3A_27 = arith.constant 0 : i32
      %dma_wait3A_28 = tpu.memref_slice %arg12[%mul3A_12, %dma_wait3A_27] : memref<10240x144xf32, #tpu.memory_space<vmem_shared>> -> memref<640x144xf32, #tpu.memory_space<vmem_shared>>
      tpu.wait_dma2 semaphore(%run_scoped3A : memref<!tpu.dma_semaphore, #tpu.memory_space<semaphore_mem>>) src(%dma_wait3A_28 : memref<640x144xf32, #tpu.memory_space<vmem_shared>>) dst(%dma_wait3A_26 : memref<640x144xf32, #tpu.memory_space<hbm>>)
      tpu.yield
    }) : () -> ()
    return
  }
}

#map = affine_map<(d0, d1) -> (0, 0)>
#map1 = affine_map<(d0, d1) -> (0, 0, 0)>
module attributes {stable_mosaic.version = 14 : i64} {
  func.func @embed_kernel(%arg0: i32, %arg1: i32, %arg2: memref<10000x128xf32, #tpu.memory_space<hbm>>, %arg3: memref<32x4x80xi32, #tpu.memory_space<hbm>>, %arg4: memref<10240x128xf32, #tpu.memory_space<hbm>>, %arg5: memref<4x80xi32, #tpu.memory_space<vmem>>, %arg6: memref<80x128xf32, #tpu.memory_space<vmem>>, %arg7: memref<!tpu.dma_semaphore, #tpu.memory_space<semaphore_mem>>) attributes {dimension_semantics = [#tpu.dimension_semantics<core_parallel>, #tpu.dimension_semantics<subcore_parallel>], iteration_bounds = array<i64: 2, 16>, scalar_prefetch = 0 : i64, scratch_operands = 3 : i64, tpu.core_type = #tpu.core_type<sc_vector_subcore>, window_params = [{transform_indices = #map}, {transform_indices = #map1}, {transform_indices = #map}]} {
    %mul3A = arith.constant 2 : i32
    %mul3A_0 = arith.muli %arg1, %mul3A : i32
    %add3A = arith.addi %mul3A_0, %arg0 : i32
    "tpu.region"() ({
      %run_scoped3A = tpu.sem_alloc : memref<!tpu.dma_semaphore, #tpu.memory_space<semaphore_mem>>
      %dma_start3A_71 = arith.constant 0 : i32
      %dma_start3A_72 = arith.constant 0 : i32
      %dma_start3A_73 = tpu.memref_slice %arg3[%add3A, %dma_start3A_71, %dma_start3A_72] : memref<32x4x80xi32, #tpu.memory_space<hbm>> -> memref<1x4x80xi32, #tpu.memory_space<hbm>>
      %dma_start3A_74 = tpu.memref_squeeze %dma_start3A_73 : memref<1x4x80xi32, #tpu.memory_space<hbm>> -> memref<4x80xi32, #tpu.memory_space<hbm>>
      %dma_start3A_75 = arith.constant 0 : i32
      %dma_start3A_76 = arith.constant 0 : i32
      %dma_start3A_77 = tpu.memref_slice %arg3[%add3A, %dma_start3A_75, %dma_start3A_76] : memref<32x4x80xi32, #tpu.memory_space<hbm>> -> memref<1x4x80xi32, #tpu.memory_space<hbm>>
      %dma_start3A_78 = tpu.memref_squeeze %dma_start3A_77 : memref<1x4x80xi32, #tpu.memory_space<hbm>> -> memref<4x80xi32, #tpu.memory_space<hbm>>
      tpu.enqueue_dma source(%dma_start3A_78 : memref<4x80xi32, #tpu.memory_space<hbm>>) target(%arg5 : memref<4x80xi32, #tpu.memory_space<vmem>>) target_semaphore(%run_scoped3A : memref<!tpu.dma_semaphore, #tpu.memory_space<semaphore_mem>>)
      %dma_wait3A_79 = arith.constant 0 : i32
      %dma_wait3A_80 = arith.constant 0 : i32
      %dma_wait3A_81 = tpu.memref_slice %arg3[%add3A, %dma_wait3A_79, %dma_wait3A_80] : memref<32x4x80xi32, #tpu.memory_space<hbm>> -> memref<1x4x80xi32, #tpu.memory_space<hbm>>
      %dma_wait3A_82 = tpu.memref_squeeze %dma_wait3A_81 : memref<1x4x80xi32, #tpu.memory_space<hbm>> -> memref<4x80xi32, #tpu.memory_space<hbm>>
      %dma_wait3A_83 = arith.constant 0 : i32
      %dma_wait3A_84 = arith.constant 0 : i32
      %dma_wait3A_85 = tpu.memref_slice %arg3[%add3A, %dma_wait3A_83, %dma_wait3A_84] : memref<32x4x80xi32, #tpu.memory_space<hbm>> -> memref<1x4x80xi32, #tpu.memory_space<hbm>>
      %dma_wait3A_86 = tpu.memref_squeeze %dma_wait3A_85 : memref<1x4x80xi32, #tpu.memory_space<hbm>> -> memref<4x80xi32, #tpu.memory_space<hbm>>
      tpu.wait_dma2 semaphore(%run_scoped3A : memref<!tpu.dma_semaphore, #tpu.memory_space<semaphore_mem>>) src(%dma_wait3A_86 : memref<4x80xi32, #tpu.memory_space<hbm>>) dst(%arg5 : memref<4x80xi32, #tpu.memory_space<vmem>>)
      tpu.yield
    }) : () -> ()
    %dma_start3A = arith.constant 0 : i32
    %dma_start3A_1 = arith.constant 0 : i32
    %dma_start3A_2 = tpu.memref_slice %arg5[%dma_start3A, %dma_start3A_1] : memref<4x80xi32, #tpu.memory_space<vmem>> -> memref<1x80xi32, #tpu.memory_space<vmem>>
    %dma_start3A_3 = tpu.memref_squeeze %dma_start3A_2 : memref<1x80xi32, #tpu.memory_space<vmem>> -> memref<80xi32, #tpu.memory_space<vmem>>
    %dma_start3A_4 = arith.constant 0 : i32
    %dma_start3A_5 = arith.constant 0 : i32
    %dma_start3A_6 = tpu.memref_slice %arg2[%dma_start3A_4, %dma_start3A_5] : memref<10000x128xf32, #tpu.memory_space<hbm>> -> memref<10000x128xf32, #tpu.memory_space<hbm>>
    tpu.enqueue_indirect_dma source(%dma_start3A_6 : memref<10000x128xf32, #tpu.memory_space<hbm>>) target(%arg6 : memref<80x128xf32, #tpu.memory_space<vmem>>) offsets(%dma_start3A_3 : memref<80xi32, #tpu.memory_space<vmem>>) semaphore(%arg7 : memref<!tpu.dma_semaphore, #tpu.memory_space<semaphore_mem>>)
    %dma_wait3A = arith.constant 0 : i32
    %dma_wait3A_7 = arith.constant 0 : i32
    %dma_wait3A_8 = tpu.memref_slice %arg5[%dma_wait3A, %dma_wait3A_7] : memref<4x80xi32, #tpu.memory_space<vmem>> -> memref<1x80xi32, #tpu.memory_space<vmem>>
    %dma_wait3A_9 = tpu.memref_squeeze %dma_wait3A_8 : memref<1x80xi32, #tpu.memory_space<vmem>> -> memref<80xi32, #tpu.memory_space<vmem>>
    %dma_wait3A_10 = arith.constant 0 : i32
    %dma_wait3A_11 = arith.constant 0 : i32
    %dma_wait3A_12 = tpu.memref_slice %arg2[%dma_wait3A_10, %dma_wait3A_11] : memref<10000x128xf32, #tpu.memory_space<hbm>> -> memref<10000x128xf32, #tpu.memory_space<hbm>>
    tpu.wait_indirect_dma semaphore(%arg7 : memref<!tpu.dma_semaphore, #tpu.memory_space<semaphore_mem>>) src(%dma_wait3A_12 : memref<10000x128xf32, #tpu.memory_space<hbm>>) dst(%arg6 : memref<80x128xf32, #tpu.memory_space<vmem>>)
    %mul3A_13 = arith.constant 320 : i32
    %mul3A_14 = arith.muli %add3A, %mul3A_13 : i32
    %add3A_15 = arith.constant 0 : i32
    %add3A_16 = arith.addi %mul3A_14, %add3A_15 : i32
    "tpu.region"() ({
      %run_scoped3A = tpu.sem_alloc : memref<!tpu.dma_semaphore, #tpu.memory_space<semaphore_mem>>
      %dma_start3A_71 = arith.constant 0 : i32
      %dma_start3A_72 = tpu.memref_slice %arg4[%add3A_16, %dma_start3A_71] : memref<10240x128xf32, #tpu.memory_space<hbm>> -> memref<80x128xf32, #tpu.memory_space<hbm>>
      %dma_start3A_73 = arith.constant 0 : i32
      %dma_start3A_74 = tpu.memref_slice %arg4[%add3A_16, %dma_start3A_73] : memref<10240x128xf32, #tpu.memory_space<hbm>> -> memref<80x128xf32, #tpu.memory_space<hbm>>
      tpu.enqueue_dma source(%arg6 : memref<80x128xf32, #tpu.memory_space<vmem>>) target(%dma_start3A_74 : memref<80x128xf32, #tpu.memory_space<hbm>>) target_semaphore(%run_scoped3A : memref<!tpu.dma_semaphore, #tpu.memory_space<semaphore_mem>>)
      %dma_wait3A_75 = arith.constant 0 : i32
      %dma_wait3A_76 = tpu.memref_slice %arg4[%add3A_16, %dma_wait3A_75] : memref<10240x128xf32, #tpu.memory_space<hbm>> -> memref<80x128xf32, #tpu.memory_space<hbm>>
      %dma_wait3A_77 = arith.constant 0 : i32
      %dma_wait3A_78 = tpu.memref_slice %arg4[%add3A_16, %dma_wait3A_77] : memref<10240x128xf32, #tpu.memory_space<hbm>> -> memref<80x128xf32, #tpu.memory_space<hbm>>
      tpu.wait_dma2 semaphore(%run_scoped3A : memref<!tpu.dma_semaphore, #tpu.memory_space<semaphore_mem>>) src(%arg6 : memref<80x128xf32, #tpu.memory_space<vmem>>) dst(%dma_wait3A_78 : memref<80x128xf32, #tpu.memory_space<hbm>>)
      tpu.yield
    }) : () -> ()
    %dma_start3A_17 = arith.constant 1 : i32
    %dma_start3A_18 = arith.constant 0 : i32
    %dma_start3A_19 = tpu.memref_slice %arg5[%dma_start3A_17, %dma_start3A_18] : memref<4x80xi32, #tpu.memory_space<vmem>> -> memref<1x80xi32, #tpu.memory_space<vmem>>
    %dma_start3A_20 = tpu.memref_squeeze %dma_start3A_19 : memref<1x80xi32, #tpu.memory_space<vmem>> -> memref<80xi32, #tpu.memory_space<vmem>>
    %dma_start3A_21 = arith.constant 0 : i32
    %dma_start3A_22 = arith.constant 0 : i32
    %dma_start3A_23 = tpu.memref_slice %arg2[%dma_start3A_21, %dma_start3A_22] : memref<10000x128xf32, #tpu.memory_space<hbm>> -> memref<10000x128xf32, #tpu.memory_space<hbm>>
    tpu.enqueue_indirect_dma source(%dma_start3A_23 : memref<10000x128xf32, #tpu.memory_space<hbm>>) target(%arg6 : memref<80x128xf32, #tpu.memory_space<vmem>>) offsets(%dma_start3A_20 : memref<80xi32, #tpu.memory_space<vmem>>) semaphore(%arg7 : memref<!tpu.dma_semaphore, #tpu.memory_space<semaphore_mem>>)
    %dma_wait3A_24 = arith.constant 1 : i32
    %dma_wait3A_25 = arith.constant 0 : i32
    %dma_wait3A_26 = tpu.memref_slice %arg5[%dma_wait3A_24, %dma_wait3A_25] : memref<4x80xi32, #tpu.memory_space<vmem>> -> memref<1x80xi32, #tpu.memory_space<vmem>>
    %dma_wait3A_27 = tpu.memref_squeeze %dma_wait3A_26 : memref<1x80xi32, #tpu.memory_space<vmem>> -> memref<80xi32, #tpu.memory_space<vmem>>
    %dma_wait3A_28 = arith.constant 0 : i32
    %dma_wait3A_29 = arith.constant 0 : i32
    %dma_wait3A_30 = tpu.memref_slice %arg2[%dma_wait3A_28, %dma_wait3A_29] : memref<10000x128xf32, #tpu.memory_space<hbm>> -> memref<10000x128xf32, #tpu.memory_space<hbm>>
    tpu.wait_indirect_dma semaphore(%arg7 : memref<!tpu.dma_semaphore, #tpu.memory_space<semaphore_mem>>) src(%dma_wait3A_30 : memref<10000x128xf32, #tpu.memory_space<hbm>>) dst(%arg6 : memref<80x128xf32, #tpu.memory_space<vmem>>)
    %mul3A_31 = arith.constant 320 : i32
    %mul3A_32 = arith.muli %add3A, %mul3A_31 : i32
    %add3A_33 = arith.constant 80 : i32
    %add3A_34 = arith.addi %mul3A_32, %add3A_33 : i32
    "tpu.region"() ({
      %run_scoped3A = tpu.sem_alloc : memref<!tpu.dma_semaphore, #tpu.memory_space<semaphore_mem>>
      %dma_start3A_71 = arith.constant 0 : i32
      %dma_start3A_72 = tpu.memref_slice %arg4[%add3A_34, %dma_start3A_71] : memref<10240x128xf32, #tpu.memory_space<hbm>> -> memref<80x128xf32, #tpu.memory_space<hbm>>
      %dma_start3A_73 = arith.constant 0 : i32
      %dma_start3A_74 = tpu.memref_slice %arg4[%add3A_34, %dma_start3A_73] : memref<10240x128xf32, #tpu.memory_space<hbm>> -> memref<80x128xf32, #tpu.memory_space<hbm>>
      tpu.enqueue_dma source(%arg6 : memref<80x128xf32, #tpu.memory_space<vmem>>) target(%dma_start3A_74 : memref<80x128xf32, #tpu.memory_space<hbm>>) target_semaphore(%run_scoped3A : memref<!tpu.dma_semaphore, #tpu.memory_space<semaphore_mem>>)
      %dma_wait3A_75 = arith.constant 0 : i32
      %dma_wait3A_76 = tpu.memref_slice %arg4[%add3A_34, %dma_wait3A_75] : memref<10240x128xf32, #tpu.memory_space<hbm>> -> memref<80x128xf32, #tpu.memory_space<hbm>>
      %dma_wait3A_77 = arith.constant 0 : i32
      %dma_wait3A_78 = tpu.memref_slice %arg4[%add3A_34, %dma_wait3A_77] : memref<10240x128xf32, #tpu.memory_space<hbm>> -> memref<80x128xf32, #tpu.memory_space<hbm>>
      tpu.wait_dma2 semaphore(%run_scoped3A : memref<!tpu.dma_semaphore, #tpu.memory_space<semaphore_mem>>) src(%arg6 : memref<80x128xf32, #tpu.memory_space<vmem>>) dst(%dma_wait3A_78 : memref<80x128xf32, #tpu.memory_space<hbm>>)
      tpu.yield
    }) : () -> ()
    %dma_start3A_35 = arith.constant 2 : i32
    %dma_start3A_36 = arith.constant 0 : i32
    %dma_start3A_37 = tpu.memref_slice %arg5[%dma_start3A_35, %dma_start3A_36] : memref<4x80xi32, #tpu.memory_space<vmem>> -> memref<1x80xi32, #tpu.memory_space<vmem>>
    %dma_start3A_38 = tpu.memref_squeeze %dma_start3A_37 : memref<1x80xi32, #tpu.memory_space<vmem>> -> memref<80xi32, #tpu.memory_space<vmem>>
    %dma_start3A_39 = arith.constant 0 : i32
    %dma_start3A_40 = arith.constant 0 : i32
    %dma_start3A_41 = tpu.memref_slice %arg2[%dma_start3A_39, %dma_start3A_40] : memref<10000x128xf32, #tpu.memory_space<hbm>> -> memref<10000x128xf32, #tpu.memory_space<hbm>>
    tpu.enqueue_indirect_dma source(%dma_start3A_41 : memref<10000x128xf32, #tpu.memory_space<hbm>>) target(%arg6 : memref<80x128xf32, #tpu.memory_space<vmem>>) offsets(%dma_start3A_38 : memref<80xi32, #tpu.memory_space<vmem>>) semaphore(%arg7 : memref<!tpu.dma_semaphore, #tpu.memory_space<semaphore_mem>>)
    %dma_wait3A_42 = arith.constant 2 : i32
    %dma_wait3A_43 = arith.constant 0 : i32
    %dma_wait3A_44 = tpu.memref_slice %arg5[%dma_wait3A_42, %dma_wait3A_43] : memref<4x80xi32, #tpu.memory_space<vmem>> -> memref<1x80xi32, #tpu.memory_space<vmem>>
    %dma_wait3A_45 = tpu.memref_squeeze %dma_wait3A_44 : memref<1x80xi32, #tpu.memory_space<vmem>> -> memref<80xi32, #tpu.memory_space<vmem>>
    %dma_wait3A_46 = arith.constant 0 : i32
    %dma_wait3A_47 = arith.constant 0 : i32
    %dma_wait3A_48 = tpu.memref_slice %arg2[%dma_wait3A_46, %dma_wait3A_47] : memref<10000x128xf32, #tpu.memory_space<hbm>> -> memref<10000x128xf32, #tpu.memory_space<hbm>>
    tpu.wait_indirect_dma semaphore(%arg7 : memref<!tpu.dma_semaphore, #tpu.memory_space<semaphore_mem>>) src(%dma_wait3A_48 : memref<10000x128xf32, #tpu.memory_space<hbm>>) dst(%arg6 : memref<80x128xf32, #tpu.memory_space<vmem>>)
    %mul3A_49 = arith.constant 320 : i32
    %mul3A_50 = arith.muli %add3A, %mul3A_49 : i32
    %add3A_51 = arith.constant 160 : i32
    %add3A_52 = arith.addi %mul3A_50, %add3A_51 : i32
    "tpu.region"() ({
      %run_scoped3A = tpu.sem_alloc : memref<!tpu.dma_semaphore, #tpu.memory_space<semaphore_mem>>
      %dma_start3A_71 = arith.constant 0 : i32
      %dma_start3A_72 = tpu.memref_slice %arg4[%add3A_52, %dma_start3A_71] : memref<10240x128xf32, #tpu.memory_space<hbm>> -> memref<80x128xf32, #tpu.memory_space<hbm>>
      %dma_start3A_73 = arith.constant 0 : i32
      %dma_start3A_74 = tpu.memref_slice %arg4[%add3A_52, %dma_start3A_73] : memref<10240x128xf32, #tpu.memory_space<hbm>> -> memref<80x128xf32, #tpu.memory_space<hbm>>
      tpu.enqueue_dma source(%arg6 : memref<80x128xf32, #tpu.memory_space<vmem>>) target(%dma_start3A_74 : memref<80x128xf32, #tpu.memory_space<hbm>>) target_semaphore(%run_scoped3A : memref<!tpu.dma_semaphore, #tpu.memory_space<semaphore_mem>>)
      %dma_wait3A_75 = arith.constant 0 : i32
      %dma_wait3A_76 = tpu.memref_slice %arg4[%add3A_52, %dma_wait3A_75] : memref<10240x128xf32, #tpu.memory_space<hbm>> -> memref<80x128xf32, #tpu.memory_space<hbm>>
      %dma_wait3A_77 = arith.constant 0 : i32
      %dma_wait3A_78 = tpu.memref_slice %arg4[%add3A_52, %dma_wait3A_77] : memref<10240x128xf32, #tpu.memory_space<hbm>> -> memref<80x128xf32, #tpu.memory_space<hbm>>
      tpu.wait_dma2 semaphore(%run_scoped3A : memref<!tpu.dma_semaphore, #tpu.memory_space<semaphore_mem>>) src(%arg6 : memref<80x128xf32, #tpu.memory_space<vmem>>) dst(%dma_wait3A_78 : memref<80x128xf32, #tpu.memory_space<hbm>>)
      tpu.yield
    }) : () -> ()
    %dma_start3A_53 = arith.constant 3 : i32
    %dma_start3A_54 = arith.constant 0 : i32
    %dma_start3A_55 = tpu.memref_slice %arg5[%dma_start3A_53, %dma_start3A_54] : memref<4x80xi32, #tpu.memory_space<vmem>> -> memref<1x80xi32, #tpu.memory_space<vmem>>
    %dma_start3A_56 = tpu.memref_squeeze %dma_start3A_55 : memref<1x80xi32, #tpu.memory_space<vmem>> -> memref<80xi32, #tpu.memory_space<vmem>>
    %dma_start3A_57 = arith.constant 0 : i32
    %dma_start3A_58 = arith.constant 0 : i32
    %dma_start3A_59 = tpu.memref_slice %arg2[%dma_start3A_57, %dma_start3A_58] : memref<10000x128xf32, #tpu.memory_space<hbm>> -> memref<10000x128xf32, #tpu.memory_space<hbm>>
    tpu.enqueue_indirect_dma source(%dma_start3A_59 : memref<10000x128xf32, #tpu.memory_space<hbm>>) target(%arg6 : memref<80x128xf32, #tpu.memory_space<vmem>>) offsets(%dma_start3A_56 : memref<80xi32, #tpu.memory_space<vmem>>) semaphore(%arg7 : memref<!tpu.dma_semaphore, #tpu.memory_space<semaphore_mem>>)
    %dma_wait3A_60 = arith.constant 3 : i32
    %dma_wait3A_61 = arith.constant 0 : i32
    %dma_wait3A_62 = tpu.memref_slice %arg5[%dma_wait3A_60, %dma_wait3A_61] : memref<4x80xi32, #tpu.memory_space<vmem>> -> memref<1x80xi32, #tpu.memory_space<vmem>>
    %dma_wait3A_63 = tpu.memref_squeeze %dma_wait3A_62 : memref<1x80xi32, #tpu.memory_space<vmem>> -> memref<80xi32, #tpu.memory_space<vmem>>
    %dma_wait3A_64 = arith.constant 0 : i32
    %dma_wait3A_65 = arith.constant 0 : i32
    %dma_wait3A_66 = tpu.memref_slice %arg2[%dma_wait3A_64, %dma_wait3A_65] : memref<10000x128xf32, #tpu.memory_space<hbm>> -> memref<10000x128xf32, #tpu.memory_space<hbm>>
    tpu.wait_indirect_dma semaphore(%arg7 : memref<!tpu.dma_semaphore, #tpu.memory_space<semaphore_mem>>) src(%dma_wait3A_66 : memref<10000x128xf32, #tpu.memory_space<hbm>>) dst(%arg6 : memref<80x128xf32, #tpu.memory_space<vmem>>)
    %mul3A_67 = arith.constant 320 : i32
    %mul3A_68 = arith.muli %add3A, %mul3A_67 : i32
    %add3A_69 = arith.constant 240 : i32
    %add3A_70 = arith.addi %mul3A_68, %add3A_69 : i32
    "tpu.region"() ({
      %run_scoped3A = tpu.sem_alloc : memref<!tpu.dma_semaphore, #tpu.memory_space<semaphore_mem>>
      %dma_start3A_71 = arith.constant 0 : i32
      %dma_start3A_72 = tpu.memref_slice %arg4[%add3A_70, %dma_start3A_71] : memref<10240x128xf32, #tpu.memory_space<hbm>> -> memref<80x128xf32, #tpu.memory_space<hbm>>
      %dma_start3A_73 = arith.constant 0 : i32
      %dma_start3A_74 = tpu.memref_slice %arg4[%add3A_70, %dma_start3A_73] : memref<10240x128xf32, #tpu.memory_space<hbm>> -> memref<80x128xf32, #tpu.memory_space<hbm>>
      tpu.enqueue_dma source(%arg6 : memref<80x128xf32, #tpu.memory_space<vmem>>) target(%dma_start3A_74 : memref<80x128xf32, #tpu.memory_space<hbm>>) target_semaphore(%run_scoped3A : memref<!tpu.dma_semaphore, #tpu.memory_space<semaphore_mem>>)
      %dma_wait3A_75 = arith.constant 0 : i32
      %dma_wait3A_76 = tpu.memref_slice %arg4[%add3A_70, %dma_wait3A_75] : memref<10240x128xf32, #tpu.memory_space<hbm>> -> memref<80x128xf32, #tpu.memory_space<hbm>>
      %dma_wait3A_77 = arith.constant 0 : i32
      %dma_wait3A_78 = tpu.memref_slice %arg4[%add3A_70, %dma_wait3A_77] : memref<10240x128xf32, #tpu.memory_space<hbm>> -> memref<80x128xf32, #tpu.memory_space<hbm>>
      tpu.wait_dma2 semaphore(%run_scoped3A : memref<!tpu.dma_semaphore, #tpu.memory_space<semaphore_mem>>) src(%arg6 : memref<80x128xf32, #tpu.memory_space<vmem>>) dst(%dma_wait3A_78 : memref<80x128xf32, #tpu.memory_space<hbm>>)
      tpu.yield
    }) : () -> ()
    return
  }
}

#map = affine_map<(d0, d1) -> (0, 0)>
#map1 = affine_map<(d0, d1) -> (0, 0, 0)>
module attributes {stable_mosaic.version = 14 : i64} {
  func.func @edge_kernel(%arg0: i32, %arg1: i32, %arg2: memref<10240x64xf32, #tpu.memory_space<hbm>>, %arg3: memref<10240x16xf32, #tpu.memory_space<hbm>>, %arg4: memref<32x125x80xi32, #tpu.memory_space<hbm>>, %arg5: memref<32x125x80xi32, #tpu.memory_space<hbm>>, %arg6: memref<10240x64xf32, #tpu.memory_space<hbm>>, %arg7: memref<2x10240x64xf32, #tpu.memory_space<hbm>>, %arg8: memref<125x80xi32, #tpu.memory_space<vmem>>, %arg9: memref<125x80xi32, #tpu.memory_space<vmem>>, %arg10: memref<80x64xf32, #tpu.memory_space<vmem>>, %arg11: memref<80x16xf32, #tpu.memory_space<vmem>>, %arg12: memref<10240x64xf32, #tpu.memory_space<vmem_shared>>, %arg13: memref<!tpu.dma_semaphore, #tpu.memory_space<semaphore_mem>>) attributes {dimension_semantics = [#tpu.dimension_semantics<core_parallel>, #tpu.dimension_semantics<subcore_parallel>], iteration_bounds = array<i64: 2, 16>, scalar_prefetch = 0 : i64, scratch_operands = 6 : i64, tpu.core_type = #tpu.core_type<sc_vector_subcore>, window_params = [{transform_indices = #map}, {transform_indices = #map}, {transform_indices = #map1}, {transform_indices = #map1}, {transform_indices = #map}, {transform_indices = #map1}]} {
    %mul3A = arith.constant 2 : i32
    %mul3A_0 = arith.muli %arg1, %mul3A : i32
    %add3A = arith.addi %mul3A_0, %arg0 : i32
    %mul3A_1 = arith.constant 640 : i32
    %mul3A_2 = arith.muli %arg1, %mul3A_1 : i32
    %mul3A_3 = arith.constant 640 : i32
    %mul3A_4 = arith.muli %arg1, %mul3A_3 : i32
    "tpu.region"() ({
      %run_scoped3A = tpu.sem_alloc : memref<!tpu.dma_semaphore, #tpu.memory_space<semaphore_mem>>
      %dma_start3A = arith.constant 0 : i32
      %dma_start3A_15 = tpu.memref_slice %arg12[%mul3A_4, %dma_start3A] : memref<10240x64xf32, #tpu.memory_space<vmem_shared>> -> memref<640x64xf32, #tpu.memory_space<vmem_shared>>
      %dma_start3A_16 = arith.constant 0 : i32
      %dma_start3A_17 = tpu.memref_slice %arg6[%mul3A_2, %dma_start3A_16] : memref<10240x64xf32, #tpu.memory_space<hbm>> -> memref<640x64xf32, #tpu.memory_space<hbm>>
      tpu.enqueue_dma source(%dma_start3A_17 : memref<640x64xf32, #tpu.memory_space<hbm>>) target(%dma_start3A_15 : memref<640x64xf32, #tpu.memory_space<vmem_shared>>) target_semaphore(%run_scoped3A : memref<!tpu.dma_semaphore, #tpu.memory_space<semaphore_mem>>)
      %dma_wait3A = arith.constant 0 : i32
      %dma_wait3A_18 = tpu.memref_slice %arg12[%mul3A_4, %dma_wait3A] : memref<10240x64xf32, #tpu.memory_space<vmem_shared>> -> memref<640x64xf32, #tpu.memory_space<vmem_shared>>
      %dma_wait3A_19 = arith.constant 0 : i32
      %dma_wait3A_20 = tpu.memref_slice %arg6[%mul3A_2, %dma_wait3A_19] : memref<10240x64xf32, #tpu.memory_space<hbm>> -> memref<640x64xf32, #tpu.memory_space<hbm>>
      tpu.wait_dma2 semaphore(%run_scoped3A : memref<!tpu.dma_semaphore, #tpu.memory_space<semaphore_mem>>) src(%dma_wait3A_20 : memref<640x64xf32, #tpu.memory_space<hbm>>) dst(%dma_wait3A_18 : memref<640x64xf32, #tpu.memory_space<vmem_shared>>)
      tpu.yield
    }) : () -> ()
    "tpu.region"() ({
      %run_scoped3A = tpu.sem_alloc : memref<!tpu.dma_semaphore, #tpu.memory_space<semaphore_mem>>
      %dma_start3A = arith.constant 0 : i32
      %dma_start3A_15 = arith.constant 0 : i32
      %dma_start3A_16 = tpu.memref_slice %arg4[%add3A, %dma_start3A, %dma_start3A_15] : memref<32x125x80xi32, #tpu.memory_space<hbm>> -> memref<1x125x80xi32, #tpu.memory_space<hbm>>
      %dma_start3A_17 = tpu.memref_squeeze %dma_start3A_16 : memref<1x125x80xi32, #tpu.memory_space<hbm>> -> memref<125x80xi32, #tpu.memory_space<hbm>>
      %dma_start3A_18 = arith.constant 0 : i32
      %dma_start3A_19 = arith.constant 0 : i32
      %dma_start3A_20 = tpu.memref_slice %arg4[%add3A, %dma_start3A_18, %dma_start3A_19] : memref<32x125x80xi32, #tpu.memory_space<hbm>> -> memref<1x125x80xi32, #tpu.memory_space<hbm>>
      %dma_start3A_21 = tpu.memref_squeeze %dma_start3A_20 : memref<1x125x80xi32, #tpu.memory_space<hbm>> -> memref<125x80xi32, #tpu.memory_space<hbm>>
      tpu.enqueue_dma source(%dma_start3A_21 : memref<125x80xi32, #tpu.memory_space<hbm>>) target(%arg8 : memref<125x80xi32, #tpu.memory_space<vmem>>) target_semaphore(%run_scoped3A : memref<!tpu.dma_semaphore, #tpu.memory_space<semaphore_mem>>)
      %dma_wait3A = arith.constant 0 : i32
      %dma_wait3A_22 = arith.constant 0 : i32
      %dma_wait3A_23 = tpu.memref_slice %arg4[%add3A, %dma_wait3A, %dma_wait3A_22] : memref<32x125x80xi32, #tpu.memory_space<hbm>> -> memref<1x125x80xi32, #tpu.memory_space<hbm>>
      %dma_wait3A_24 = tpu.memref_squeeze %dma_wait3A_23 : memref<1x125x80xi32, #tpu.memory_space<hbm>> -> memref<125x80xi32, #tpu.memory_space<hbm>>
      %dma_wait3A_25 = arith.constant 0 : i32
      %dma_wait3A_26 = arith.constant 0 : i32
      %dma_wait3A_27 = tpu.memref_slice %arg4[%add3A, %dma_wait3A_25, %dma_wait3A_26] : memref<32x125x80xi32, #tpu.memory_space<hbm>> -> memref<1x125x80xi32, #tpu.memory_space<hbm>>
      %dma_wait3A_28 = tpu.memref_squeeze %dma_wait3A_27 : memref<1x125x80xi32, #tpu.memory_space<hbm>> -> memref<125x80xi32, #tpu.memory_space<hbm>>
      tpu.wait_dma2 semaphore(%run_scoped3A : memref<!tpu.dma_semaphore, #tpu.memory_space<semaphore_mem>>) src(%dma_wait3A_28 : memref<125x80xi32, #tpu.memory_space<hbm>>) dst(%arg8 : memref<125x80xi32, #tpu.memory_space<vmem>>)
      tpu.yield
    }) : () -> ()
    "tpu.region"() ({
      %run_scoped3A = tpu.sem_alloc : memref<!tpu.dma_semaphore, #tpu.memory_space<semaphore_mem>>
      %dma_start3A = arith.constant 0 : i32
      %dma_start3A_15 = arith.constant 0 : i32
      %dma_start3A_16 = tpu.memref_slice %arg5[%add3A, %dma_start3A, %dma_start3A_15] : memref<32x125x80xi32, #tpu.memory_space<hbm>> -> memref<1x125x80xi32, #tpu.memory_space<hbm>>
      %dma_start3A_17 = tpu.memref_squeeze %dma_start3A_16 : memref<1x125x80xi32, #tpu.memory_space<hbm>> -> memref<125x80xi32, #tpu.memory_space<hbm>>
      %dma_start3A_18 = arith.constant 0 : i32
      %dma_start3A_19 = arith.constant 0 : i32
      %dma_start3A_20 = tpu.memref_slice %arg5[%add3A, %dma_start3A_18, %dma_start3A_19] : memref<32x125x80xi32, #tpu.memory_space<hbm>> -> memref<1x125x80xi32, #tpu.memory_space<hbm>>
      %dma_start3A_21 = tpu.memref_squeeze %dma_start3A_20 : memref<1x125x80xi32, #tpu.memory_space<hbm>> -> memref<125x80xi32, #tpu.memory_space<hbm>>
      tpu.enqueue_dma source(%dma_start3A_21 : memref<125x80xi32, #tpu.memory_space<hbm>>) target(%arg9 : memref<125x80xi32, #tpu.memory_space<vmem>>) target_semaphore(%run_scoped3A : memref<!tpu.dma_semaphore, #tpu.memory_space<semaphore_mem>>)
      %dma_wait3A = arith.constant 0 : i32
      %dma_wait3A_22 = arith.constant 0 : i32
      %dma_wait3A_23 = tpu.memref_slice %arg5[%add3A, %dma_wait3A, %dma_wait3A_22] : memref<32x125x80xi32, #tpu.memory_space<hbm>> -> memref<1x125x80xi32, #tpu.memory_space<hbm>>
      %dma_wait3A_24 = tpu.memref_squeeze %dma_wait3A_23 : memref<1x125x80xi32, #tpu.memory_space<hbm>> -> memref<125x80xi32, #tpu.memory_space<hbm>>
      %dma_wait3A_25 = arith.constant 0 : i32
      %dma_wait3A_26 = arith.constant 0 : i32
      %dma_wait3A_27 = tpu.memref_slice %arg5[%add3A, %dma_wait3A_25, %dma_wait3A_26] : memref<32x125x80xi32, #tpu.memory_space<hbm>> -> memref<1x125x80xi32, #tpu.memory_space<hbm>>
      %dma_wait3A_28 = tpu.memref_squeeze %dma_wait3A_27 : memref<1x125x80xi32, #tpu.memory_space<hbm>> -> memref<125x80xi32, #tpu.memory_space<hbm>>
      tpu.wait_dma2 semaphore(%run_scoped3A : memref<!tpu.dma_semaphore, #tpu.memory_space<semaphore_mem>>) src(%dma_wait3A_28 : memref<125x80xi32, #tpu.memory_space<hbm>>) dst(%arg9 : memref<125x80xi32, #tpu.memory_space<vmem>>)
      tpu.yield
    }) : () -> ()
    %barrier3A = arith.constant 0 : index
    tpu.barrier barrier_id(%barrier3A)
    %scan3A = arith.constant 0 : i32
    %scan3A_5 = arith.constant 0 : i32
    %scan3A_6 = arith.constant 125 : i32
    %scan3A_7 = arith.addi %scan3A_5, %scan3A_6 : i32
    %scan3A_8 = arith.constant 1 : i32
    scf.for %scan3A_15 = %scan3A_5 to %scan3A_7 step %scan3A_8  : i32 {
      %dma_start3A = arith.constant 0 : i32
      %dma_start3A_16 = tpu.memref_slice %arg8[%scan3A_15, %dma_start3A] : memref<125x80xi32, #tpu.memory_space<vmem>> -> memref<1x80xi32, #tpu.memory_space<vmem>>
      %dma_start3A_17 = tpu.memref_squeeze %dma_start3A_16 : memref<1x80xi32, #tpu.memory_space<vmem>> -> memref<80xi32, #tpu.memory_space<vmem>>
      %dma_start3A_18 = arith.constant 0 : i32
      %dma_start3A_19 = arith.constant 0 : i32
      %dma_start3A_20 = tpu.memref_slice %arg2[%dma_start3A_18, %dma_start3A_19] : memref<10240x64xf32, #tpu.memory_space<hbm>> -> memref<10240x64xf32, #tpu.memory_space<hbm>>
      tpu.enqueue_indirect_dma source(%dma_start3A_20 : memref<10240x64xf32, #tpu.memory_space<hbm>>) target(%arg10 : memref<80x64xf32, #tpu.memory_space<vmem>>) offsets(%dma_start3A_17 : memref<80xi32, #tpu.memory_space<vmem>>) semaphore(%arg13 : memref<!tpu.dma_semaphore, #tpu.memory_space<semaphore_mem>>)
      %dma_wait3A = arith.constant 0 : i32
      %dma_wait3A_21 = tpu.memref_slice %arg8[%scan3A_15, %dma_wait3A] : memref<125x80xi32, #tpu.memory_space<vmem>> -> memref<1x80xi32, #tpu.memory_space<vmem>>
      %dma_wait3A_22 = tpu.memref_squeeze %dma_wait3A_21 : memref<1x80xi32, #tpu.memory_space<vmem>> -> memref<80xi32, #tpu.memory_space<vmem>>
      %dma_wait3A_23 = arith.constant 0 : i32
      %dma_wait3A_24 = arith.constant 0 : i32
      %dma_wait3A_25 = tpu.memref_slice %arg2[%dma_wait3A_23, %dma_wait3A_24] : memref<10240x64xf32, #tpu.memory_space<hbm>> -> memref<10240x64xf32, #tpu.memory_space<hbm>>
      tpu.wait_indirect_dma semaphore(%arg13 : memref<!tpu.dma_semaphore, #tpu.memory_space<semaphore_mem>>) src(%dma_wait3A_25 : memref<10240x64xf32, #tpu.memory_space<hbm>>) dst(%arg10 : memref<80x64xf32, #tpu.memory_space<vmem>>)
      %dma_start3A_26 = arith.constant 0 : i32
      %dma_start3A_27 = tpu.memref_slice %arg9[%scan3A_15, %dma_start3A_26] : memref<125x80xi32, #tpu.memory_space<vmem>> -> memref<1x80xi32, #tpu.memory_space<vmem>>
      %dma_start3A_28 = tpu.memref_squeeze %dma_start3A_27 : memref<1x80xi32, #tpu.memory_space<vmem>> -> memref<80xi32, #tpu.memory_space<vmem>>
      %dma_start3A_29 = arith.constant 0 : i32
      %dma_start3A_30 = arith.constant 0 : i32
      %dma_start3A_31 = tpu.memref_slice %arg3[%dma_start3A_29, %dma_start3A_30] : memref<10240x16xf32, #tpu.memory_space<hbm>> -> memref<10240x16xf32, #tpu.memory_space<hbm>>
      tpu.enqueue_indirect_dma source(%dma_start3A_31 : memref<10240x16xf32, #tpu.memory_space<hbm>>) target(%arg11 : memref<80x16xf32, #tpu.memory_space<vmem>>) offsets(%dma_start3A_28 : memref<80xi32, #tpu.memory_space<vmem>>) semaphore(%arg13 : memref<!tpu.dma_semaphore, #tpu.memory_space<semaphore_mem>>)
      %dma_wait3A_32 = arith.constant 0 : i32
      %dma_wait3A_33 = tpu.memref_slice %arg9[%scan3A_15, %dma_wait3A_32] : memref<125x80xi32, #tpu.memory_space<vmem>> -> memref<1x80xi32, #tpu.memory_space<vmem>>
      %dma_wait3A_34 = tpu.memref_squeeze %dma_wait3A_33 : memref<1x80xi32, #tpu.memory_space<vmem>> -> memref<80xi32, #tpu.memory_space<vmem>>
      %dma_wait3A_35 = arith.constant 0 : i32
      %dma_wait3A_36 = arith.constant 0 : i32
      %dma_wait3A_37 = tpu.memref_slice %arg3[%dma_wait3A_35, %dma_wait3A_36] : memref<10240x16xf32, #tpu.memory_space<hbm>> -> memref<10240x16xf32, #tpu.memory_space<hbm>>
      tpu.wait_indirect_dma semaphore(%arg13 : memref<!tpu.dma_semaphore, #tpu.memory_space<semaphore_mem>>) src(%dma_wait3A_37 : memref<10240x16xf32, #tpu.memory_space<hbm>>) dst(%arg11 : memref<80x16xf32, #tpu.memory_space<vmem>>)
      %scan3A_38 = arith.constant 0 : i32
      %scan3A_39 = arith.constant 0 : i32
      %scan3A_40 = arith.constant 80 : i32
      %scan3A_41 = arith.addi %scan3A_39, %scan3A_40 : i32
      %scan3A_42 = arith.constant 1 : i32
      scf.for %scan3A_44 = %scan3A_39 to %scan3A_41 step %scan3A_42  : i32 {
        %get3A = arith.index_cast %scan3A_44 : i32 to index
        %get3A_45 = arith.constant 48 : index
        %get3A_46 = tpu.vector_load %arg10[%get3A, %get3A_45] {strides = array<i32>} : memref<80x64xf32, #tpu.memory_space<vmem>>, vector<1x16xf32>,
        %get3A_47 = vector.shape_cast %get3A_46 : vector<1x16xf32> to vector<16xf32>
        %get3A_48 = arith.index_cast %scan3A_44 : i32 to index
        %get3A_49 = arith.constant 0 : index
        %get3A_50 = tpu.vector_load %arg11[%get3A_48, %get3A_49] {strides = array<i32>} : memref<80x16xf32, #tpu.memory_space<vmem>>, vector<1x16xf32>,
        %get3A_51 = vector.shape_cast %get3A_50 : vector<1x16xf32> to vector<16xf32>
        %add3A_52 = arith.addf %get3A_47, %get3A_51 : vector<16xf32>
        %mul3A_53 = arith.constant 2.000000e-01 : f32
        %mul3A_54 = vector.broadcast %mul3A_53 : f32 to vector<16xf32>
        %mul3A_55 = arith.mulf %add3A_52, %mul3A_54 : vector<16xf32>
        %max3A = arith.maximumf %add3A_52, %mul3A_55 : vector<16xf32>
        %exp3A = math.exp %max3A : vector<16xf32>
        %swap3A = arith.index_cast %scan3A_44 : i32 to index
        %swap3A_56 = arith.constant 48 : index
        %swap3A_57 = tpu.vector_load %arg10[%swap3A, %swap3A_56] {strides = array<i32>} : memref<80x64xf32, #tpu.memory_space<vmem>>, vector<1x16xf32>,
        %swap3A_58 = vector.shape_cast %swap3A_57 : vector<1x16xf32> to vector<16xf32>
        %swap3A_59 = vector.shape_cast %exp3A : vector<16xf32> to vector<1x16xf32>
        tpu.vector_store %arg10[%swap3A, %swap3A_56], %swap3A_59 {strides = array<i32>} : memref<80x64xf32, #tpu.memory_space<vmem>>, vector<1x16xf32>,
        %broadcast_in_dim3A = arith.constant 0 : i32
        %broadcast_in_dim3A_60 = vector.broadcast %broadcast_in_dim3A : i32 to vector<16xi32>
        %lt3A = arith.constant 0 : i32
        %lt3A_61 = vector.broadcast %lt3A : i32 to vector<16xi32>
        %lt3A_62 = arith.cmpi slt, %broadcast_in_dim3A_60, %lt3A_61 : vector<16xi32>
        %add3A_63 = arith.constant 16 : i32
        %add3A_64 = vector.broadcast %add3A_63 : i32 to vector<16xi32>
        %add3A_65 = arith.addi %broadcast_in_dim3A_60, %add3A_64 : vector<16xi32>
        %select_n3A = arith.select %lt3A_62, %add3A_65, %broadcast_in_dim3A_60 : vector<16xi1>, vector<16xi32>
        %broadcast_in_dim3A_66 = vector.shape_cast %select_n3A : vector<16xi32> to vector<16x1xi32>
        %gather3A = vector.shape_cast %broadcast_in_dim3A_66 : vector<16x1xi32> to vector<16xi32>
        %gather3A_67 = tpu.dynamic_gather %exp3A[%gather3A] in [0] : vector<16xf32>, vector<16xi32> -> vector<16xf32>
        %get3A_68 = arith.index_cast %scan3A_44 : i32 to index
        %get3A_69 = arith.constant 0 : index
        %get3A_70 = tpu.vector_load %arg10[%get3A_68, %get3A_69] {strides = array<i32>} : memref<80x64xf32, #tpu.memory_space<vmem>>, vector<1x16xf32>,
        %get3A_71 = vector.shape_cast %get3A_70 : vector<1x16xf32> to vector<16xf32>
        %mul3A_72 = arith.mulf %get3A_71, %gather3A_67 : vector<16xf32>
        %swap3A_73 = arith.index_cast %scan3A_44 : i32 to index
        %swap3A_74 = arith.constant 0 : index
        %swap3A_75 = tpu.vector_load %arg10[%swap3A_73, %swap3A_74] {strides = array<i32>} : memref<80x64xf32, #tpu.memory_space<vmem>>, vector<1x16xf32>,
        %swap3A_76 = vector.shape_cast %swap3A_75 : vector<1x16xf32> to vector<16xf32>
        %swap3A_77 = vector.shape_cast %mul3A_72 : vector<16xf32> to vector<1x16xf32>
        tpu.vector_store %arg10[%swap3A_73, %swap3A_74], %swap3A_77 {strides = array<i32>} : memref<80x64xf32, #tpu.memory_space<vmem>>, vector<1x16xf32>,
        %broadcast_in_dim3A_78 = arith.constant 0 : i32
        %broadcast_in_dim3A_79 = vector.broadcast %broadcast_in_dim3A_78 : i32 to vector<16xi32>
        %lt3A_80 = arith.constant 0 : i32
        %lt3A_81 = vector.broadcast %lt3A_80 : i32 to vector<16xi32>
        %lt3A_82 = arith.cmpi slt, %broadcast_in_dim3A_79, %lt3A_81 : vector<16xi32>
        %add3A_83 = arith.constant 16 : i32
        %add3A_84 = vector.broadcast %add3A_83 : i32 to vector<16xi32>
        %add3A_85 = arith.addi %broadcast_in_dim3A_79, %add3A_84 : vector<16xi32>
        %select_n3A_86 = arith.select %lt3A_82, %add3A_85, %broadcast_in_dim3A_79 : vector<16xi1>, vector<16xi32>
        %broadcast_in_dim3A_87 = vector.shape_cast %select_n3A_86 : vector<16xi32> to vector<16x1xi32>
        %gather3A_88 = vector.shape_cast %broadcast_in_dim3A_87 : vector<16x1xi32> to vector<16xi32>
        %gather3A_89 = tpu.dynamic_gather %exp3A[%gather3A_88] in [0] : vector<16xf32>, vector<16xi32> -> vector<16xf32>
        %get3A_90 = arith.index_cast %scan3A_44 : i32 to index
        %get3A_91 = arith.constant 16 : index
        %get3A_92 = tpu.vector_load %arg10[%get3A_90, %get3A_91] {strides = array<i32>} : memref<80x64xf32, #tpu.memory_space<vmem>>, vector<1x16xf32>,
        %get3A_93 = vector.shape_cast %get3A_92 : vector<1x16xf32> to vector<16xf32>
        %mul3A_94 = arith.mulf %get3A_93, %gather3A_89 : vector<16xf32>
        %swap3A_95 = arith.index_cast %scan3A_44 : i32 to index
        %swap3A_96 = arith.constant 16 : index
        %swap3A_97 = tpu.vector_load %arg10[%swap3A_95, %swap3A_96] {strides = array<i32>} : memref<80x64xf32, #tpu.memory_space<vmem>>, vector<1x16xf32>,
        %swap3A_98 = vector.shape_cast %swap3A_97 : vector<1x16xf32> to vector<16xf32>
        %swap3A_99 = vector.shape_cast %mul3A_94 : vector<16xf32> to vector<1x16xf32>
        tpu.vector_store %arg10[%swap3A_95, %swap3A_96], %swap3A_99 {strides = array<i32>} : memref<80x64xf32, #tpu.memory_space<vmem>>, vector<1x16xf32>,
        %broadcast_in_dim3A_100 = arith.constant 0 : i32
        %broadcast_in_dim3A_101 = vector.broadcast %broadcast_in_dim3A_100 : i32 to vector<16xi32>
        %lt3A_102 = arith.constant 0 : i32
        %lt3A_103 = vector.broadcast %lt3A_102 : i32 to vector<16xi32>
        %lt3A_104 = arith.cmpi slt, %broadcast_in_dim3A_101, %lt3A_103 : vector<16xi32>
        %add3A_105 = arith.constant 16 : i32
        %add3A_106 = vector.broadcast %add3A_105 : i32 to vector<16xi32>
        %add3A_107 = arith.addi %broadcast_in_dim3A_101, %add3A_106 : vector<16xi32>
        %select_n3A_108 = arith.select %lt3A_104, %add3A_107, %broadcast_in_dim3A_101 : vector<16xi1>, vector<16xi32>
        %broadcast_in_dim3A_109 = vector.shape_cast %select_n3A_108 : vector<16xi32> to vector<16x1xi32>
        %gather3A_110 = vector.shape_cast %broadcast_in_dim3A_109 : vector<16x1xi32> to vector<16xi32>
        %gather3A_111 = tpu.dynamic_gather %exp3A[%gather3A_110] in [0] : vector<16xf32>, vector<16xi32> -> vector<16xf32>
        %get3A_112 = arith.index_cast %scan3A_44 : i32 to index
        %get3A_113 = arith.constant 32 : index
        %get3A_114 = tpu.vector_load %arg10[%get3A_112, %get3A_113] {strides = array<i32>} : memref<80x64xf32, #tpu.memory_space<vmem>>, vector<1x16xf32>,
        %get3A_115 = vector.shape_cast %get3A_114 : vector<1x16xf32> to vector<16xf32>
        %mul3A_116 = arith.mulf %get3A_115, %gather3A_111 : vector<16xf32>
        %swap3A_117 = arith.index_cast %scan3A_44 : i32 to index
        %swap3A_118 = arith.constant 32 : index
        %swap3A_119 = tpu.vector_load %arg10[%swap3A_117, %swap3A_118] {strides = array<i32>} : memref<80x64xf32, #tpu.memory_space<vmem>>, vector<1x16xf32>,
        %swap3A_120 = vector.shape_cast %swap3A_119 : vector<1x16xf32> to vector<16xf32>
        %swap3A_121 = vector.shape_cast %mul3A_116 : vector<16xf32> to vector<1x16xf32>
        tpu.vector_store %arg10[%swap3A_117, %swap3A_118], %swap3A_121 {strides = array<i32>} : memref<80x64xf32, #tpu.memory_space<vmem>>, vector<1x16xf32>,
      }
      %scan3A_43 = arith.constant 80 : i32
      "tpu.region"() ({
        %run_scoped3A = tpu.sem_alloc : memref<!tpu.dma_semaphore, #tpu.memory_space<semaphore_mem>>
        %dma_start3A_44 = arith.constant 0 : i32
        %dma_start3A_45 = tpu.memref_slice %arg9[%scan3A_15, %dma_start3A_44] : memref<125x80xi32, #tpu.memory_space<vmem>> -> memref<1x80xi32, #tpu.memory_space<vmem>>
        %dma_start3A_46 = tpu.memref_squeeze %dma_start3A_45 : memref<1x80xi32, #tpu.memory_space<vmem>> -> memref<80xi32, #tpu.memory_space<vmem>>
        %dma_start3A_47 = arith.constant 0 : i32
        %dma_start3A_48 = arith.constant 0 : i32
        %dma_start3A_49 = tpu.memref_slice %arg12[%dma_start3A_47, %dma_start3A_48] : memref<10240x64xf32, #tpu.memory_space<vmem_shared>> -> memref<10240x64xf32, #tpu.memory_space<vmem_shared>>
        tpu.enqueue_indirect_dma source(%arg10 : memref<80x64xf32, #tpu.memory_space<vmem>>) target(%dma_start3A_49 : memref<10240x64xf32, #tpu.memory_space<vmem_shared>>) offsets(%dma_start3A_46 : memref<80xi32, #tpu.memory_space<vmem>>) semaphore(%run_scoped3A : memref<!tpu.dma_semaphore, #tpu.memory_space<semaphore_mem>>) {add = true}
        %dma_wait3A_50 = arith.constant 0 : i32
        %dma_wait3A_51 = tpu.memref_slice %arg9[%scan3A_15, %dma_wait3A_50] : memref<125x80xi32, #tpu.memory_space<vmem>> -> memref<1x80xi32, #tpu.memory_space<vmem>>
        %dma_wait3A_52 = tpu.memref_squeeze %dma_wait3A_51 : memref<1x80xi32, #tpu.memory_space<vmem>> -> memref<80xi32, #tpu.memory_space<vmem>>
        %dma_wait3A_53 = arith.constant 0 : i32
        %dma_wait3A_54 = arith.constant 0 : i32
        %dma_wait3A_55 = tpu.memref_slice %arg12[%dma_wait3A_53, %dma_wait3A_54] : memref<10240x64xf32, #tpu.memory_space<vmem_shared>> -> memref<10240x64xf32, #tpu.memory_space<vmem_shared>>
        tpu.wait_indirect_dma semaphore(%run_scoped3A : memref<!tpu.dma_semaphore, #tpu.memory_space<semaphore_mem>>) src(%arg10 : memref<80x64xf32, #tpu.memory_space<vmem>>) dst(%dma_wait3A_55 : memref<10240x64xf32, #tpu.memory_space<vmem_shared>>)
        tpu.yield
      }) : () -> ()
    }
    %scan3A_9 = arith.constant 125 : i32
    %barrier3A_10 = arith.constant 0 : index
    tpu.barrier barrier_id(%barrier3A_10)
    %mul3A_11 = arith.constant 640 : i32
    %mul3A_12 = arith.muli %arg1, %mul3A_11 : i32
    %mul3A_13 = arith.constant 640 : i32
    %mul3A_14 = arith.muli %arg1, %mul3A_13 : i32
    "tpu.region"() ({
      %run_scoped3A = tpu.sem_alloc : memref<!tpu.dma_semaphore, #tpu.memory_space<semaphore_mem>>
      %dma_start3A = arith.constant 0 : i32
      %dma_start3A_15 = arith.constant 0 : i32
      %dma_start3A_16 = tpu.memref_slice %arg7[%arg0, %dma_start3A, %dma_start3A_15] : memref<2x10240x64xf32, #tpu.memory_space<hbm>> -> memref<1x10240x64xf32, #tpu.memory_space<hbm>>
      %dma_start3A_17 = tpu.memref_squeeze %dma_start3A_16 : memref<1x10240x64xf32, #tpu.memory_space<hbm>> -> memref<10240x64xf32, #tpu.memory_space<hbm>>
      %dma_start3A_18 = arith.constant 0 : i32
      %dma_start3A_19 = tpu.memref_slice %dma_start3A_17[%mul3A_14, %dma_start3A_18] : memref<10240x64xf32, #tpu.memory_space<hbm>> -> memref<640x64xf32, #tpu.memory_space<hbm>>
      %dma_start3A_20 = arith.constant 0 : i32
      %dma_start3A_21 = tpu.memref_slice %arg12[%mul3A_12, %dma_start3A_20] : memref<10240x64xf32, #tpu.memory_space<vmem_shared>> -> memref<640x64xf32, #tpu.memory_space<vmem_shared>>
      tpu.enqueue_dma source(%dma_start3A_21 : memref<640x64xf32, #tpu.memory_space<vmem_shared>>) target(%dma_start3A_19 : memref<640x64xf32, #tpu.memory_space<hbm>>) target_semaphore(%run_scoped3A : memref<!tpu.dma_semaphore, #tpu.memory_space<semaphore_mem>>)
      %dma_wait3A = arith.constant 0 : i32
      %dma_wait3A_22 = arith.constant 0 : i32
      %dma_wait3A_23 = tpu.memref_slice %arg7[%arg0, %dma_wait3A, %dma_wait3A_22] : memref<2x10240x64xf32, #tpu.memory_space<hbm>> -> memref<1x10240x64xf32, #tpu.memory_space<hbm>>
      %dma_wait3A_24 = tpu.memref_squeeze %dma_wait3A_23 : memref<1x10240x64xf32, #tpu.memory_space<hbm>> -> memref<10240x64xf32, #tpu.memory_space<hbm>>
      %dma_wait3A_25 = arith.constant 0 : i32
      %dma_wait3A_26 = tpu.memref_slice %dma_wait3A_24[%mul3A_14, %dma_wait3A_25] : memref<10240x64xf32, #tpu.memory_space<hbm>> -> memref<640x64xf32, #tpu.memory_space<hbm>>
      %dma_wait3A_27 = arith.constant 0 : i32
      %dma_wait3A_28 = tpu.memref_slice %arg12[%mul3A_12, %dma_wait3A_27] : memref<10240x64xf32, #tpu.memory_space<vmem_shared>> -> memref<640x64xf32, #tpu.memory_space<vmem_shared>>
      tpu.wait_dma2 semaphore(%run_scoped3A : memref<!tpu.dma_semaphore, #tpu.memory_space<semaphore_mem>>) src(%dma_wait3A_28 : memref<640x64xf32, #tpu.memory_space<vmem_shared>>) dst(%dma_wait3A_26 : memref<640x64xf32, #tpu.memory_space<hbm>>)
      tpu.yield
    }) : () -> ()
    return
  }
}

module attributes {stable_mosaic.version = 14 : i64} {
  func.func @_prep0_body(%arg0: i32, %arg1: memref<1024x128xf32, #tpu.memory_space<vmem>>, %arg2: memref<128x144xf32, #tpu.memory_space<vmem>>, %arg3: memref<128x16xf32, #tpu.memory_space<vmem>>, %arg4: memref<1024x144xf32, #tpu.memory_space<vmem>>, %arg5: memref<1024x16xf32, #tpu.memory_space<vmem>>) attributes {dimension_semantics = [#tpu.dimension_semantics<arbitrary>], iteration_bounds = array<i64: 10>, scalar_prefetch = 0 : i64, scratch_operands = 0 : i64, tpu.core_type = #tpu.core_type<tc>, window_params = [{transform_indices = @transform_0, window_bounds = array<i64: 1024, 128>}, {pipeline_mode = #tpu.pipeline_mode<synchronous>, transform_indices = @transform_1, window_bounds = array<i64: 128, 144>}, {pipeline_mode = #tpu.pipeline_mode<synchronous>, transform_indices = @transform_2, window_bounds = array<i64: 128, 16>}, {transform_indices = @transform_3, window_bounds = array<i64: 1024, 144>}, {transform_indices = @transform_4, window_bounds = array<i64: 1024, 16>}]} {
    %get3A = arith.constant 0 : index
    %get3A_0 = arith.constant 0 : index
    %get3A_1 = vector.load %arg1[%get3A, %get3A_0] : memref<1024x128xf32, #tpu.memory_space<vmem>>, vector<1024x128xf32>
    %get3A_2 = arith.constant 0 : index
    %get3A_3 = arith.constant 0 : index
    %get3A_4 = vector.load %arg2[%get3A_2, %get3A_3] : memref<128x144xf32, #tpu.memory_space<vmem>>, vector<128x144xf32>
    %dot_general3A = arith.constant dense<0.000000e+00> : vector<1024x144xf32>
    %dot_general3A_5 = tpu.matmul %get3A_1, %get3A_4, %dot_general3A {dimension_numbers = #tpu.dot_dimension_numbers<[1], [0], [0], [1], [0, 0, 1, 1], [], []>, precision = #tpu.contract_precision<fp32>, transpose_lhs_hint = false} : vector<1024x128xf32>, vector<128x144xf32>, vector<1024x144xf32> -> vector<1024x144xf32>
    %swap3A = arith.constant 0 : index
    %swap3A_6 = arith.constant 0 : index
    %swap3A_7 = vector.load %arg4[%swap3A, %swap3A_6] : memref<1024x144xf32, #tpu.memory_space<vmem>>, vector<1024x144xf32>
    tpu.vector_store %arg4[%swap3A, %swap3A_6], %dot_general3A_5 {strides = array<i32>} : memref<1024x144xf32, #tpu.memory_space<vmem>>, vector<1024x144xf32>,
    %get3A_8 = arith.constant 0 : index
    %get3A_9 = arith.constant 0 : index
    %get3A_10 = vector.load %arg3[%get3A_8, %get3A_9] : memref<128x16xf32, #tpu.memory_space<vmem>>, vector<128x16xf32>
    %dot_general3A_11 = arith.constant dense<0.000000e+00> : vector<1024x16xf32>
    %dot_general3A_12 = tpu.matmul %get3A_1, %get3A_10, %dot_general3A_11 {dimension_numbers = #tpu.dot_dimension_numbers<[1], [0], [0], [1], [0, 0, 1, 1], [], []>, precision = #tpu.contract_precision<fp32>, transpose_lhs_hint = false} : vector<1024x128xf32>, vector<128x16xf32>, vector<1024x16xf32> -> vector<1024x16xf32>
    %swap3A_13 = arith.constant 0 : index
    %swap3A_14 = arith.constant 0 : index
    %swap3A_15 = vector.load %arg5[%swap3A_13, %swap3A_14] : memref<1024x16xf32, #tpu.memory_space<vmem>>, vector<1024x16xf32>
    tpu.vector_store %arg5[%swap3A_13, %swap3A_14], %dot_general3A_12 {strides = array<i32>} : memref<1024x16xf32, #tpu.memory_space<vmem>>, vector<1024x16xf32>,
    return
  }
  func.func @transform_0(%arg0: i32) -> (i32, i32) {
    %c0_i32 = arith.constant 0 : i32
    %c0_i32_0 = arith.constant 0 : i32
    return %arg0, %c0_i32 : i32, i32
  }
  func.func @transform_1(%arg0: i32) -> (i32, i32) {
    %c0_i32 = arith.constant 0 : i32
    %c0_i32_0 = arith.constant 0 : i32
    %c0_i32_1 = arith.constant 0 : i32
    return %c0_i32, %c0_i32_0 : i32, i32
  }
  func.func @transform_2(%arg0: i32) -> (i32, i32) {
    %c0_i32 = arith.constant 0 : i32
    %c0_i32_0 = arith.constant 0 : i32
    %c0_i32_1 = arith.constant 0 : i32
    return %c0_i32, %c0_i32_0 : i32, i32
  }
  func.func @transform_3(%arg0: i32) -> (i32, i32) {
    %c0_i32 = arith.constant 0 : i32
    %c0_i32_0 = arith.constant 0 : i32
    return %arg0, %c0_i32 : i32, i32
  }
  func.func @transform_4(%arg0: i32) -> (i32, i32) {
    %c0_i32 = arith.constant 0 : i32
    %c0_i32_0 = arith.constant 0 : i32
    return %arg0, %c0_i32 : i32, i32
  }
}

module attributes {stable_mosaic.version = 14 : i64} {
  func.func @_prep_mid_body(%arg0: i32, %arg1: memref<2x1024x144xf32, #tpu.memory_space<vmem>>, %arg2: memref<1x128xf32, #tpu.memory_space<vmem>>, %arg3: memref<8x128xf32, #tpu.memory_space<vmem>>, %arg4: memref<128x144xf32, #tpu.memory_space<vmem>>, %arg5: memref<128x16xf32, #tpu.memory_space<vmem>>, %arg6: memref<1024x144xf32, #tpu.memory_space<vmem>>, %arg7: memref<1024x16xf32, #tpu.memory_space<vmem>>) attributes {dimension_semantics = [#tpu.dimension_semantics<arbitrary>], iteration_bounds = array<i64: 10>, scalar_prefetch = 0 : i64, scratch_operands = 0 : i64, tpu.core_type = #tpu.core_type<tc>, window_params = [{transform_indices = @transform_0, window_bounds = array<i64: 2, 1024, 144>}, {pipeline_mode = #tpu.pipeline_mode<synchronous>, transform_indices = @transform_1, window_bounds = array<i64: 1, 128>}, {pipeline_mode = #tpu.pipeline_mode<synchronous>, transform_indices = @transform_2, window_bounds = array<i64: 8, 128>}, {pipeline_mode = #tpu.pipeline_mode<synchronous>, transform_indices = @transform_3, window_bounds = array<i64: 128, 144>}, {pipeline_mode = #tpu.pipeline_mode<synchronous>, transform_indices = @transform_4, window_bounds = array<i64: 128, 16>}, {transform_indices = @transform_5, window_bounds = array<i64: 1024, 144>}, {transform_indices = @transform_6, window_bounds = array<i64: 1024, 16>}]} {
    %get3A = arith.constant 0 : index
    %get3A_0 = arith.constant 0 : index
    %get3A_1 = arith.constant 0 : index
    %get3A_2 = vector.load %arg1[%get3A, %get3A_0, %get3A_1] : memref<2x1024x144xf32, #tpu.memory_space<vmem>>, vector<1x1024x144xf32>
    %get3A_3 = vector.shape_cast %get3A_2 : vector<1x1024x144xf32> to vector<1024x144xf32>
    %get3A_4 = arith.constant 1 : index
    %get3A_5 = arith.constant 0 : index
    %get3A_6 = arith.constant 0 : index
    %get3A_7 = vector.load %arg1[%get3A_4, %get3A_5, %get3A_6] : memref<2x1024x144xf32, #tpu.memory_space<vmem>>, vector<1x1024x144xf32>
    %get3A_8 = vector.shape_cast %get3A_7 : vector<1x1024x144xf32> to vector<1024x144xf32>
    %add3A = arith.addf %get3A_3, %get3A_8 : vector<1024x144xf32>
    %slice3A = vector.extract_strided_slice %add3A {offsets = [0, 0], sizes = [1024, 128], strides = [1, 1]} : vector<1024x144xf32> to vector<1024x128xf32>
    %slice3A_9 = vector.extract_strided_slice %add3A {offsets = [0, 128], sizes = [1024, 8], strides = [1, 1]} : vector<1024x144xf32> to vector<1024x8xf32>
    %add3A_10 = arith.constant 1.000000e-16 : f32
    %add3A_11 = vector.broadcast %add3A_10 : f32 to vector<1024x8xf32>
    %add3A_12 = arith.addf %slice3A_9, %add3A_11 : vector<1024x8xf32>
    %div3A = arith.constant 1.000000e+00 : f32
    %div3A_13 = vector.broadcast %div3A : f32 to vector<1024x8xf32>
    %div3A_14 = arith.divf %div3A_13, %add3A_12 : vector<1024x8xf32>
    %get3A_15 = arith.constant 0 : index
    %get3A_16 = arith.constant 0 : index
    %get3A_17 = vector.load %arg3[%get3A_15, %get3A_16] : memref<8x128xf32, #tpu.memory_space<vmem>>, vector<8x128xf32>
    %dot_general3A = arith.constant dense<0.000000e+00> : vector<1024x128xf32>
    %dot_general3A_18 = tpu.matmul %div3A_14, %get3A_17, %dot_general3A {dimension_numbers = #tpu.dot_dimension_numbers<[1], [0], [0], [1], [0, 0, 1, 1], [], []>, precision = #tpu.contract_precision<fp32>, transpose_lhs_hint = false} : vector<1024x8xf32>, vector<8x128xf32>, vector<1024x128xf32> -> vector<1024x128xf32>
    %mul3A = arith.mulf %slice3A, %dot_general3A_18 : vector<1024x128xf32>
    %get3A_19 = arith.constant 0 : index
    %get3A_20 = arith.constant 0 : index
    %get3A_21 = vector.load %arg2[%get3A_19, %get3A_20] : memref<1x128xf32, #tpu.memory_space<vmem>>, vector<1x128xf32>
    %add3A_22 = vector.broadcast %get3A_21 : vector<1x128xf32> to vector<1024x128xf32>
    %add3A_23 = arith.addf %mul3A, %add3A_22 : vector<1024x128xf32>
    %mul3A_24 = arith.constant 0.00999999977 : f32
    %mul3A_25 = vector.broadcast %mul3A_24 : f32 to vector<1024x128xf32>
    %mul3A_26 = arith.mulf %mul3A_25, %add3A_23 : vector<1024x128xf32>
    %max3A = arith.maximumf %add3A_23, %mul3A_26 : vector<1024x128xf32>
    %get3A_27 = arith.constant 0 : index
    %get3A_28 = arith.constant 0 : index
    %get3A_29 = vector.load %arg4[%get3A_27, %get3A_28] : memref<128x144xf32, #tpu.memory_space<vmem>>, vector<128x144xf32>
    %dot_general3A_30 = arith.constant dense<0.000000e+00> : vector<1024x144xf32>
    %dot_general3A_31 = tpu.matmul %max3A, %get3A_29, %dot_general3A_30 {dimension_numbers = #tpu.dot_dimension_numbers<[1], [0], [0], [1], [0, 0, 1, 1], [], []>, precision = #tpu.contract_precision<fp32>, transpose_lhs_hint = false} : vector<1024x128xf32>, vector<128x144xf32>, vector<1024x144xf32> -> vector<1024x144xf32>
    %swap3A = arith.constant 0 : index
    %swap3A_32 = arith.constant 0 : index
    %swap3A_33 = vector.load %arg6[%swap3A, %swap3A_32] : memref<1024x144xf32, #tpu.memory_space<vmem>>, vector<1024x144xf32>
    tpu.vector_store %arg6[%swap3A, %swap3A_32], %dot_general3A_31 {strides = array<i32>} : memref<1024x144xf32, #tpu.memory_space<vmem>>, vector<1024x144xf32>,
    %get3A_34 = arith.constant 0 : index
    %get3A_35 = arith.constant 0 : index
    %get3A_36 = vector.load %arg5[%get3A_34, %get3A_35] : memref<128x16xf32, #tpu.memory_space<vmem>>, vector<128x16xf32>
    %dot_general3A_37 = arith.constant dense<0.000000e+00> : vector<1024x16xf32>
    %dot_general3A_38 = tpu.matmul %max3A, %get3A_36, %dot_general3A_37 {dimension_numbers = #tpu.dot_dimension_numbers<[1], [0], [0], [1], [0, 0, 1, 1], [], []>, precision = #tpu.contract_precision<fp32>, transpose_lhs_hint = false} : vector<1024x128xf32>, vector<128x16xf32>, vector<1024x16xf32> -> vector<1024x16xf32>
    %swap3A_39 = arith.constant 0 : index
    %swap3A_40 = arith.constant 0 : index
    %swap3A_41 = vector.load %arg7[%swap3A_39, %swap3A_40] : memref<1024x16xf32, #tpu.memory_space<vmem>>, vector<1024x16xf32>
    tpu.vector_store %arg7[%swap3A_39, %swap3A_40], %dot_general3A_38 {strides = array<i32>} : memref<1024x16xf32, #tpu.memory_space<vmem>>, vector<1024x16xf32>,
    return
  }
  func.func @transform_0(%arg0: i32) -> (i32, i32, i32) {
    %c0_i32 = arith.constant 0 : i32
    %c0_i32_0 = arith.constant 0 : i32
    %c0_i32_1 = arith.constant 0 : i32
    return %c0_i32, %arg0, %c0_i32_0 : i32, i32, i32
  }
  func.func @transform_1(%arg0: i32) -> (i32, i32) {
    %c0_i32 = arith.constant 0 : i32
    %c0_i32_0 = arith.constant 0 : i32
    %c0_i32_1 = arith.constant 0 : i32
    return %c0_i32, %c0_i32_0 : i32, i32
  }
  func.func @transform_2(%arg0: i32) -> (i32, i32) {
    %c0_i32 = arith.constant 0 : i32
    %c0_i32_0 = arith.constant 0 : i32
    %c0_i32_1 = arith.constant 0 : i32
    return %c0_i32, %c0_i32_0 : i32, i32
  }
  func.func @transform_3(%arg0: i32) -> (i32, i32) {
    %c0_i32 = arith.constant 0 : i32
    %c0_i32_0 = arith.constant 0 : i32
    %c0_i32_1 = arith.constant 0 : i32
    return %c0_i32, %c0_i32_0 : i32, i32
  }
  func.func @transform_4(%arg0: i32) -> (i32, i32) {
    %c0_i32 = arith.constant 0 : i32
    %c0_i32_0 = arith.constant 0 : i32
    %c0_i32_1 = arith.constant 0 : i32
    return %c0_i32, %c0_i32_0 : i32, i32
  }
  func.func @transform_5(%arg0: i32) -> (i32, i32) {
    %c0_i32 = arith.constant 0 : i32
    %c0_i32_0 = arith.constant 0 : i32
    return %arg0, %c0_i32 : i32, i32
  }
  func.func @transform_6(%arg0: i32) -> (i32, i32) {
    %c0_i32 = arith.constant 0 : i32
    %c0_i32_0 = arith.constant 0 : i32
    return %arg0, %c0_i32 : i32, i32
  }
}

module attributes {stable_mosaic.version = 14 : i64} {
  func.func @_prep_mid_body(%arg0: i32, %arg1: memref<2x1024x144xf32, #tpu.memory_space<vmem>>, %arg2: memref<1x128xf32, #tpu.memory_space<vmem>>, %arg3: memref<8x128xf32, #tpu.memory_space<vmem>>, %arg4: memref<128x64xf32, #tpu.memory_space<vmem>>, %arg5: memref<128x16xf32, #tpu.memory_space<vmem>>, %arg6: memref<1024x64xf32, #tpu.memory_space<vmem>>, %arg7: memref<1024x16xf32, #tpu.memory_space<vmem>>) attributes {dimension_semantics = [#tpu.dimension_semantics<arbitrary>], iteration_bounds = array<i64: 10>, scalar_prefetch = 0 : i64, scratch_operands = 0 : i64, tpu.core_type = #tpu.core_type<tc>, window_params = [{transform_indices = @transform_0, window_bounds = array<i64: 2, 1024, 144>}, {pipeline_mode = #tpu.pipeline_mode<synchronous>, transform_indices = @transform_1, window_bounds = array<i64: 1, 128>}, {pipeline_mode = #tpu.pipeline_mode<synchronous>, transform_indices = @transform_2, window_bounds = array<i64: 8, 128>}, {pipeline_mode = #tpu.pipeline_mode<synchronous>, transform_indices = @transform_3, window_bounds = array<i64: 128, 64>}, {pipeline_mode = #tpu.pipeline_mode<synchronous>, transform_indices = @transform_4, window_bounds = array<i64: 128, 16>}, {transform_indices = @transform_5, window_bounds = array<i64: 1024, 64>}, {transform_indices = @transform_6, window_bounds = array<i64: 1024, 16>}]} {
    %get3A = arith.constant 0 : index
    %get3A_0 = arith.constant 0 : index
    %get3A_1 = arith.constant 0 : index
    %get3A_2 = vector.load %arg1[%get3A, %get3A_0, %get3A_1] : memref<2x1024x144xf32, #tpu.memory_space<vmem>>, vector<1x1024x144xf32>
    %get3A_3 = vector.shape_cast %get3A_2 : vector<1x1024x144xf32> to vector<1024x144xf32>
    %get3A_4 = arith.constant 1 : index
    %get3A_5 = arith.constant 0 : index
    %get3A_6 = arith.constant 0 : index
    %get3A_7 = vector.load %arg1[%get3A_4, %get3A_5, %get3A_6] : memref<2x1024x144xf32, #tpu.memory_space<vmem>>, vector<1x1024x144xf32>
    %get3A_8 = vector.shape_cast %get3A_7 : vector<1x1024x144xf32> to vector<1024x144xf32>
    %add3A = arith.addf %get3A_3, %get3A_8 : vector<1024x144xf32>
    %slice3A = vector.extract_strided_slice %add3A {offsets = [0, 0], sizes = [1024, 128], strides = [1, 1]} : vector<1024x144xf32> to vector<1024x128xf32>
    %slice3A_9 = vector.extract_strided_slice %add3A {offsets = [0, 128], sizes = [1024, 8], strides = [1, 1]} : vector<1024x144xf32> to vector<1024x8xf32>
    %add3A_10 = arith.constant 1.000000e-16 : f32
    %add3A_11 = vector.broadcast %add3A_10 : f32 to vector<1024x8xf32>
    %add3A_12 = arith.addf %slice3A_9, %add3A_11 : vector<1024x8xf32>
    %div3A = arith.constant 1.000000e+00 : f32
    %div3A_13 = vector.broadcast %div3A : f32 to vector<1024x8xf32>
    %div3A_14 = arith.divf %div3A_13, %add3A_12 : vector<1024x8xf32>
    %get3A_15 = arith.constant 0 : index
    %get3A_16 = arith.constant 0 : index
    %get3A_17 = vector.load %arg3[%get3A_15, %get3A_16] : memref<8x128xf32, #tpu.memory_space<vmem>>, vector<8x128xf32>
    %dot_general3A = arith.constant dense<0.000000e+00> : vector<1024x128xf32>
    %dot_general3A_18 = tpu.matmul %div3A_14, %get3A_17, %dot_general3A {dimension_numbers = #tpu.dot_dimension_numbers<[1], [0], [0], [1], [0, 0, 1, 1], [], []>, precision = #tpu.contract_precision<fp32>, transpose_lhs_hint = false} : vector<1024x8xf32>, vector<8x128xf32>, vector<1024x128xf32> -> vector<1024x128xf32>
    %mul3A = arith.mulf %slice3A, %dot_general3A_18 : vector<1024x128xf32>
    %get3A_19 = arith.constant 0 : index
    %get3A_20 = arith.constant 0 : index
    %get3A_21 = vector.load %arg2[%get3A_19, %get3A_20] : memref<1x128xf32, #tpu.memory_space<vmem>>, vector<1x128xf32>
    %add3A_22 = vector.broadcast %get3A_21 : vector<1x128xf32> to vector<1024x128xf32>
    %add3A_23 = arith.addf %mul3A, %add3A_22 : vector<1024x128xf32>
    %mul3A_24 = arith.constant 0.00999999977 : f32
    %mul3A_25 = vector.broadcast %mul3A_24 : f32 to vector<1024x128xf32>
    %mul3A_26 = arith.mulf %mul3A_25, %add3A_23 : vector<1024x128xf32>
    %max3A = arith.maximumf %add3A_23, %mul3A_26 : vector<1024x128xf32>
    %get3A_27 = arith.constant 0 : index
    %get3A_28 = arith.constant 0 : index
    %get3A_29 = vector.load %arg4[%get3A_27, %get3A_28] : memref<128x64xf32, #tpu.memory_space<vmem>>, vector<128x64xf32>
    %dot_general3A_30 = arith.constant dense<0.000000e+00> : vector<1024x64xf32>
    %dot_general3A_31 = tpu.matmul %max3A, %get3A_29, %dot_general3A_30 {dimension_numbers = #tpu.dot_dimension_numbers<[1], [0], [0], [1], [0, 0, 1, 1], [], []>, precision = #tpu.contract_precision<fp32>, transpose_lhs_hint = false} : vector<1024x128xf32>, vector<128x64xf32>, vector<1024x64xf32> -> vector<1024x64xf32>
    %swap3A = arith.constant 0 : index
    %swap3A_32 = arith.constant 0 : index
    %swap3A_33 = vector.load %arg6[%swap3A, %swap3A_32] : memref<1024x64xf32, #tpu.memory_space<vmem>>, vector<1024x64xf32>
    tpu.vector_store %arg6[%swap3A, %swap3A_32], %dot_general3A_31 {strides = array<i32>} : memref<1024x64xf32, #tpu.memory_space<vmem>>, vector<1024x64xf32>,
    %get3A_34 = arith.constant 0 : index
    %get3A_35 = arith.constant 0 : index
    %get3A_36 = vector.load %arg5[%get3A_34, %get3A_35] : memref<128x16xf32, #tpu.memory_space<vmem>>, vector<128x16xf32>
    %dot_general3A_37 = arith.constant dense<0.000000e+00> : vector<1024x16xf32>
    %dot_general3A_38 = tpu.matmul %max3A, %get3A_36, %dot_general3A_37 {dimension_numbers = #tpu.dot_dimension_numbers<[1], [0], [0], [1], [0, 0, 1, 1], [], []>, precision = #tpu.contract_precision<fp32>, transpose_lhs_hint = false} : vector<1024x128xf32>, vector<128x16xf32>, vector<1024x16xf32> -> vector<1024x16xf32>
    %swap3A_39 = arith.constant 0 : index
    %swap3A_40 = arith.constant 0 : index
    %swap3A_41 = vector.load %arg7[%swap3A_39, %swap3A_40] : memref<1024x16xf32, #tpu.memory_space<vmem>>, vector<1024x16xf32>
    tpu.vector_store %arg7[%swap3A_39, %swap3A_40], %dot_general3A_38 {strides = array<i32>} : memref<1024x16xf32, #tpu.memory_space<vmem>>, vector<1024x16xf32>,
    return
  }
  func.func @transform_0(%arg0: i32) -> (i32, i32, i32) {
    %c0_i32 = arith.constant 0 : i32
    %c0_i32_0 = arith.constant 0 : i32
    %c0_i32_1 = arith.constant 0 : i32
    return %c0_i32, %arg0, %c0_i32_0 : i32, i32, i32
  }
  func.func @transform_1(%arg0: i32) -> (i32, i32) {
    %c0_i32 = arith.constant 0 : i32
    %c0_i32_0 = arith.constant 0 : i32
    %c0_i32_1 = arith.constant 0 : i32
    return %c0_i32, %c0_i32_0 : i32, i32
  }
  func.func @transform_2(%arg0: i32) -> (i32, i32) {
    %c0_i32 = arith.constant 0 : i32
    %c0_i32_0 = arith.constant 0 : i32
    %c0_i32_1 = arith.constant 0 : i32
    return %c0_i32, %c0_i32_0 : i32, i32
  }
  func.func @transform_3(%arg0: i32) -> (i32, i32) {
    %c0_i32 = arith.constant 0 : i32
    %c0_i32_0 = arith.constant 0 : i32
    %c0_i32_1 = arith.constant 0 : i32
    return %c0_i32, %c0_i32_0 : i32, i32
  }
  func.func @transform_4(%arg0: i32) -> (i32, i32) {
    %c0_i32 = arith.constant 0 : i32
    %c0_i32_0 = arith.constant 0 : i32
    %c0_i32_1 = arith.constant 0 : i32
    return %c0_i32, %c0_i32_0 : i32, i32
  }
  func.func @transform_5(%arg0: i32) -> (i32, i32) {
    %c0_i32 = arith.constant 0 : i32
    %c0_i32_0 = arith.constant 0 : i32
    return %arg0, %c0_i32 : i32, i32
  }
  func.func @transform_6(%arg0: i32) -> (i32, i32) {
    %c0_i32 = arith.constant 0 : i32
    %c0_i32_0 = arith.constant 0 : i32
    return %arg0, %c0_i32 : i32, i32
  }
}

module attributes {stable_mosaic.version = 14 : i64} {
  func.func @_final_body(%arg0: i32, %arg1: memref<2x1024x64xf32, #tpu.memory_space<vmem>>, %arg2: memref<1x40xf32, #tpu.memory_space<vmem>>, %arg3: memref<1024x40xf32, #tpu.memory_space<vmem>>) attributes {dimension_semantics = [#tpu.dimension_semantics<arbitrary>], iteration_bounds = array<i64: 10>, scalar_prefetch = 0 : i64, scratch_operands = 0 : i64, tpu.core_type = #tpu.core_type<tc>, window_params = [{transform_indices = @transform_0, window_bounds = array<i64: 2, 1024, 64>}, {pipeline_mode = #tpu.pipeline_mode<synchronous>, transform_indices = @transform_1, window_bounds = array<i64: 1, 40>}, {transform_indices = @transform_2, window_bounds = array<i64: 1024, 40>}]} {
    %get3A = arith.constant 0 : index
    %get3A_0 = arith.constant 0 : index
    %get3A_1 = arith.constant 0 : index
    %get3A_2 = vector.load %arg1[%get3A, %get3A_0, %get3A_1] : memref<2x1024x64xf32, #tpu.memory_space<vmem>>, vector<1x1024x64xf32>
    %get3A_3 = vector.shape_cast %get3A_2 : vector<1x1024x64xf32> to vector<1024x64xf32>
    %get3A_4 = arith.constant 1 : index
    %get3A_5 = arith.constant 0 : index
    %get3A_6 = arith.constant 0 : index
    %get3A_7 = vector.load %arg1[%get3A_4, %get3A_5, %get3A_6] : memref<2x1024x64xf32, #tpu.memory_space<vmem>>, vector<1x1024x64xf32>
    %get3A_8 = vector.shape_cast %get3A_7 : vector<1x1024x64xf32> to vector<1024x64xf32>
    %add3A = arith.addf %get3A_3, %get3A_8 : vector<1024x64xf32>
    %slice3A = vector.extract_strided_slice %add3A {offsets = [0, 0], sizes = [1024, 40], strides = [1, 1]} : vector<1024x64xf32> to vector<1024x40xf32>
    %slice3A_9 = vector.extract_strided_slice %add3A {offsets = [0, 48], sizes = [1024, 1], strides = [1, 1]} : vector<1024x64xf32> to vector<1024x1xf32>
    %add3A_10 = arith.constant 1.000000e-16 : f32
    %add3A_11 = vector.broadcast %add3A_10 : f32 to vector<1024x1xf32>
    %add3A_12 = arith.addf %slice3A_9, %add3A_11 : vector<1024x1xf32>
    %div3A = arith.constant 1.000000e+00 : f32
    %div3A_13 = vector.broadcast %div3A : f32 to vector<1024x1xf32>
    %div3A_14 = arith.divf %div3A_13, %add3A_12 : vector<1024x1xf32>
    %mul3A = vector.broadcast %div3A_14 : vector<1024x1xf32> to vector<1024x40xf32>
    %mul3A_15 = arith.mulf %slice3A, %mul3A : vector<1024x40xf32>
    %get3A_16 = arith.constant 0 : index
    %get3A_17 = arith.constant 0 : index
    %get3A_18 = vector.load %arg2[%get3A_16, %get3A_17] : memref<1x40xf32, #tpu.memory_space<vmem>>, vector<1x40xf32>
    %add3A_19 = vector.broadcast %get3A_18 : vector<1x40xf32> to vector<1024x40xf32>
    %add3A_20 = arith.addf %mul3A_15, %add3A_19 : vector<1024x40xf32>
    %reduce_max3A = arith.constant dense<0xFF800000> : vector<1024xf32>
    %reduce_max3A_21 = vector.multi_reduction <maximumf>, %add3A_20, %reduce_max3A [1] : vector<1024x40xf32> to vector<1024xf32>
    %broadcast_in_dim3A = vector.shape_cast %reduce_max3A_21 : vector<1024xf32> to vector<1024x1xf32>
    %sub3A = vector.broadcast %broadcast_in_dim3A : vector<1024x1xf32> to vector<1024x40xf32>
    %sub3A_22 = arith.subf %add3A_20, %sub3A : vector<1024x40xf32>
    %exp3A = math.exp %sub3A_22 : vector<1024x40xf32>
    %reduce_sum3A = arith.constant dense<0.000000e+00> : vector<1024xf32>
    %reduce_sum3A_23 = vector.multi_reduction <add>, %exp3A, %reduce_sum3A [1] : vector<1024x40xf32> to vector<1024xf32>
    %broadcast_in_dim3A_24 = vector.shape_cast %reduce_sum3A_23 : vector<1024xf32> to vector<1024x1xf32>
    %log3A = math.log %broadcast_in_dim3A_24 : vector<1024x1xf32>
    %sub3A_25 = vector.broadcast %log3A : vector<1024x1xf32> to vector<1024x40xf32>
    %sub3A_26 = arith.subf %sub3A_22, %sub3A_25 : vector<1024x40xf32>
    %swap3A = arith.constant 0 : index
    %swap3A_27 = arith.constant 0 : index
    %swap3A_28 = vector.load %arg3[%swap3A, %swap3A_27] : memref<1024x40xf32, #tpu.memory_space<vmem>>, vector<1024x40xf32>
    tpu.vector_store %arg3[%swap3A, %swap3A_27], %sub3A_26 {strides = array<i32>} : memref<1024x40xf32, #tpu.memory_space<vmem>>, vector<1024x40xf32>,
    return
  }
  func.func @transform_0(%arg0: i32) -> (i32, i32, i32) {
    %c0_i32 = arith.constant 0 : i32
    %c0_i32_0 = arith.constant 0 : i32
    %c0_i32_1 = arith.constant 0 : i32
    return %c0_i32, %arg0, %c0_i32_0 : i32, i32, i32
  }
  func.func @transform_1(%arg0: i32) -> (i32, i32) {
    %c0_i32 = arith.constant 0 : i32
    %c0_i32_0 = arith.constant 0 : i32
    %c0_i32_1 = arith.constant 0 : i32
    return %c0_i32, %c0_i32_0 : i32, i32
  }
  func.func @transform_2(%arg0: i32) -> (i32, i32) {
    %c0_i32 = arith.constant 0 : i32
    %c0_i32_0 = arith.constant 0 : i32
    return %arg0, %c0_i32 : i32, i32
  }
}

</mosaic_0001>

<sc_bundles>
// kernel: kernel.10.cloned.1.call-start
scs
__scs_entry_jumppad:
0x0: {  	(pc) =	sbr.rel $0x88, $3  }
0x1: {  	(tag) =	ssettag $0x0;
	lr =	simm.s32 $0x1  }
0x2: {  	[smem:$0x3F92] =	sst lr;
	_ =	strace $0xD0000000  }
0x3: {  	_ = 	snop  }
0x4: {  	_ = 	snop  }
0x5: {  	_ = 	snop  }
0x6: {  	_ = 	snop  }
0x7: {  	_ = 	snop  }
__scs_overlays_trampoline_lowered:
0x8: {  	[smem:$0x3FA1] =	sst s0  }
0x9: {  	[smem:$0x3FA2] =	sst s1  }
0xa: {  	[smem:$0x3FA3] =	sst s2  }
0xb: {  	[smem:$0x3FA4] =	sst s3  }
0xc: {  	[smem:$0x3FA5] =	sst s4  }
0xd: {  	[smem:$0x3FA6] =	sst s5  }
0xe: {  	[smem:$0x3FA7] =	sst s6  }
0xf: {  	[smem:$0x3FA8] =	sst s7  }
0x10: {  	[smem:$0x3FA9] =	sst s8  }
0x11: {  	[smem:$0x3FAA] =	sst s9;
	s0 =	simm.s32 @!p0 $0x0  }
0x12: {  	s1 =	sld [smem:$0x3F90];
	s0 =	simm.s32 @p0 $0x1  }
0x13: {  	[smem:$0x3FAB] =	sst s0;
	s0 =	simm.s32 @!p1 $0x0  }
0x14: {  	s2 =	sld [smem:$0x3F8F];
	s0 =	simm.s32 @p1 $0x1  }
0x15: {  	[smem:$0x3FAC] =	sst s0;
	s0 =	simm.s32 @!p2 $0x0  }
0x16: {  	s3 =	sld [smem:$0x3FDB];
	s0 =	simm.s32 @p2 $0x1  }
0x17: {  	s4 =	simm.s32 $0x1BF5;
	[smem:$0x3FAE] =	sst s0  }
0x18: {  	s0 =	sld [smem:$0x3F91];
	_ =	swait.ge [sflag:s4], $0x0  }
0x19: {  	s7 =	sld [smem:$0x3F92]  }
0x1a: {  	s8 =	sadd.s32 $0xFFFFE003, lr  }
0x1b: {  	s9 =	sadd.s32 $0xFFFFFEF7, lr;
	s5 =	simm.s32 $0xFFFFFFFF;
	p2 =	slt.u32 s8, $0xFFFFF086  }
0x1c: {  	p1 =	slt.u32 s9, $0xF7A;
	s5 =	simm.s32 @!p2 $0x0  }
0x1d: {  	s5 =	simm.s32 @p1 $0x1;
	p0 =	seq.s32 s7, s2  }
0x1e: {  	s7 =	smul.u32 @!p0 $0xF7A, s2;
	p2 =	seq.s32 @!p0 s5, $0x0  }
0x1f: {  	s9 =	smul.u32 $0xF7A, s1;
	s8 =	simm.s32 @!p0 $0x1BF5;
	p2 =	por !p2, p0  }
0x20: {  	[sflag:s8] =	ssyncset.s32 @!p0 $0xFFFFF086;
	s6 =	sadd.s32 @!p0 s3, s7;
	s7 =	simm.s32 @!p0 $0x108  }
0x21: {  	s3 =	sadd.s32 s3, s9;
	s6 =	sadd.s32 @!p0 $0x88, s6;
	s7 =	simm.s32 @p2 $0x1082  }
0x22: {  	[simem:s7], [sflag:s8] =	dma.local @!p0 [hbm:s6], $0xF7A  }
0x23: {  	s9 =	sor.u32 $0xD0000000, s2;
	s6 =	simm.s32 $0x108;
	_ =	swait.ge @!p0 [sflag:s8], $0x0  }
0x24: {  	s3 =	sadd.s32 $0x88, s3;
	s6 =	simm.s32 @!p1 $0x1082;
	[sflag:s4] =	ssyncset.s32 $0xFFFFF086  }
0x25: {  	[simem:s6], [sflag:s4] =	dma.local [hbm:s3], $0xF7A  }
0x26: {  	[smem:$0x3F92] =	sst s1;
	(tag) =	ssettag s2;
	_ =	strace s9  }
0x27: {  	s1 =	sld [smem:$0x3FA2]  }
0x28: {  	s2 =	sld [smem:$0x3FA3]  }
0x29: {  	s4 =	sld [smem:$0x3FA5]  }
0x2a: {  	p0 =	seq.s32 s5, $0x0;
	s5 =	sld [smem:$0x3FA6]  }
0x2b: {  	s6 =	sld [smem:$0x3FA7]  }
0x2c: {  	s7 =	sld [smem:$0x3FA8]  }
0x2d: {  	s3 =	simm.s32 $0x108;
	s8 =	sld [smem:$0x3FA9]  }
0x2e: {  	s3 =	simm.s32 @!p0 $0x1082;
	s9 =	sld [smem:$0x3FAA]  }
0x2f: {  	lr =	sadd.s32 s0, s3;
	s0 =	sld [smem:$0x3FA1]  }
0x30: {  	s3 =	sld [smem:$0x3FA4]  }
0x31: {  	[smem:$0x3FAD] =	sst s10  }
0x32: {  	s10 =	sld [smem:$0x3FAB];
	_ =	sdelay $0x3  }
0x33: {  	p0 =	seq.s32 s10, $0x1;
	s10 =	sld [smem:$0x3FAD];
	_ =	sdelay $0x3  }
0x34: {  	[smem:$0x3FAD] =	sst s10  }
0x35: {  	s10 =	sld [smem:$0x3FAC];
	_ =	sdelay $0x3  }
0x36: {  	p1 =	seq.s32 s10, $0x1;
	s10 =	sld [smem:$0x3FAD];
	_ =	sdelay $0x3  }
0x37: {  	[smem:$0x3FAD] =	sst s10  }
0x38: {  	s10 =	sld [smem:$0x3FAE]  }
0x39: {  	_ = 	snop;
	(pc) =	sbr.ind lr, $3  }
0x3a: {  	_ = 	snop  }
0x3b: {  	_ = 	snop  }
0x3c: {  	p2 =	seq.s32 s10, $0x1;
	s10 =	sld [smem:$0x3FAD]  }
0x3d: {  	_ =	shalt  }
0x3e: {  	_ =	shalt  }
0x3f: {  	_ =	shalt  }
0x40: {  	_ =	shalt  }
0x41: {  	_ =	shalt  }
0x42: {  	_ =	shalt  }
0x43: {  	_ =	shalt  }
0x44: {  	_ =	shalt  }
0x45: {  	_ =	shalt  }
0x46: {  	_ =	shalt  }
0x47: {  	_ =	shalt  }
0x48: {  	_ =	shalt  }
0x49: {  	_ =	shalt  }
0x4a: {  	_ =	shalt  }
0x4b: {  	_ =	shalt  }
0x4c: {  	_ =	shalt  }
0x4d: {  	_ =	shalt  }
0x4e: {  	_ =	shalt  }
0x4f: {  	_ =	shalt  }
0x50: {  	_ =	shalt  }
0x51: {  	_ =	shalt  }
0x52: {  	_ =	shalt  }
0x53: {  	_ =	shalt  }
0x54: {  	_ =	shalt  }
0x55: {  	_ =	shalt  }
0x56: {  	_ =	shalt  }
0x57: {  	_ =	shalt  }
0x58: {  	_ =	shalt  }
0x59: {  	_ =	shalt  }
0x5a: {  	_ =	shalt  }
0x5b: {  	_ =	shalt  }
0x5c: {  	_ =	shalt  }
0x5d: {  	_ =	shalt  }
0x5e: {  	_ =	shalt  }
0x5f: {  	_ =	shalt  }
0x60: {  	_ =	shalt  }
0x61: {  	_ =	shalt  }
0x62: {  	_ =	shalt  }
0x63: {  	_ =	shalt  }
0x64: {  	_ =	shalt  }
0x65: {  	_ =	shalt  }
0x66: {  	_ =	shalt  }
0x67: {  	_ =	shalt  }
0x68: {  	_ =	shalt  }
0x69: {  	_ =	shalt  }
0x6a: {  	_ =	shalt  }
0x6b: {  	_ =	shalt  }
0x6c: {  	_ =	shalt  }
0x6d: {  	_ =	shalt  }
0x6e: {  	_ =	shalt  }
0x6f: {  	_ =	shalt  }
0x70: {  	_ =	shalt  }
0x71: {  	_ =	shalt  }
0x72: {  	_ =	shalt  }
0x73: {  	_ =	shalt  }
0x74: {  	_ =	shalt  }
0x75: {  	_ =	shalt  }
0x76: {  	_ =	shalt  }
0x77: {  	_ =	shalt  }
0x78: {  	_ =	shalt  }
0x79: {  	_ =	shalt  }
0x7a: {  	_ =	shalt  }
0x7b: {  	_ =	shalt  }
0x7c: {  	_ =	shalt  }
0x7d: {  	_ =	shalt  }
0x7e: {  	_ =	shalt  }
0x7f: {  	_ =	shalt  }
0x80: {  	_ =	shalt  }
0x81: {  	_ =	shalt  }
0x82: {  	_ =	shalt  }
0x83: {  	_ =	shalt  }
0x84: {  	_ =	shalt  }
0x85: {  	_ =	shalt  }
0x86: {  	_ =	shalt  }
0x87: {  	_ =	shalt  }
.Lfunc_end0:
.L_simem_size_0:
called_computation_lowered:
.L_overlay_start_0:
0x88: {  	s2 =	sld [smem:$0x3FD9]  }
0x89: {  	s3 =	sld [smem:$0x3FFE];
	_ =	sdelay $0x1  }
0x8a: {  	s1 =	srdreg.scid  }
0x8b: {  	s0 =	sand.u32 $0x1, s1  }
0x8c: {  	s17 =	sshll.u32 s0, $0xA;
	s2 =	sadd.s32 s3, s2  }
0x8d: {  	s2 =	sadd.s32 s2, s17  }
0x8e: {  	[smem:$0x3FB9] =	sst s2  }
0x8f: {  	_ = 	snop  }
0x90: {  	s2 =	sld [smem:$0x3FC7];
	(tm) =	ssettm $0x1  }
0x91: {  	s18 =	sld [smem:$0x3FFB];
	_ =	sdelay $0x3  }
0x92: {  	_ =	strace s18  }
0x93: {  	s3 =	sld [smem:$0x3FFC];
	_ =	sdelay $0x3  }
0x94: {  	_ =	strace s3  }
0x95: {  	s3 =	sld [smem:$0x3FFD];
	_ =	sdelay $0x3  }
0x96: {  	_ =	strace s3  }
0x97: {  	_ =	strace $0x8FFFFFFF  }
0x98: {  	s19 =	sld [smem:$0x3FDB];
	_ =	sdelay $0x1  }
0x99: {  	s4 =	simm.s32 $_scs_section_size  }
0x9a: {  	s5 =	simm.s32 $_size__tile_overlayer_lowered;
	s6 =	simm.s32 $_tile_overlayer_lowered  }
0x9b: {  	s22 =	simm.s32 $0x1BFF;
	s21 =	sshll.u32 s6, $0x1;
	s3 =	sadd.s32 s4, s19  }
0x9c: {  	s7 =	simm.s32 $0x0;
	s20 =	sshll.u32 s5, $0x1;
	s5 =	sadd.s32 s21, s3  }
0x9d: {  	[timem:s7], [sflag:s22] =	dma.local [hbm:s5], s20  }
0x9e: {  	_ =	swait.ge [sflag:s22], s20  }
0x9f: {  	s4 =	ssub.s32 $0x0, s20;
	[sflag:s22] =	ssyncset.done $0x0  }
0xa0: {  	[sflag:s22] =	ssyncadd.s32 s4;
	_ =	sdelay $0x1  }
0xa1: {  	s23 =	simm.s32 $0x1B8B  }
0xa2: {  	_ =	swait.ge [sflag:s23], $0x1  }
0xa3: {  	[sflag:s23] =	ssyncset.done $0x0  }
0xa4: {  	s25 =	simm.s32 $0x1B8E;
	s24 =	sld [smem:$0x3FFE];
	[sflag:s23] =	ssyncadd.s32 $0xFFFFFFFF  }
0xa5: {  	s26 =	simm.s32 $execute0_lowered;
	[smem:$0x3FD2] =	sst s25  }
0xa6: {  	s5 =	sshll.u32 s26, $0x1;
	_ =	strace $0x80000046;
	[dreg:$0x1] =	wrdreg $0xFFFFFFFF  }
0xa7: {  	s28 =	simm.s32 $_size_execute0_lowered;
	s3 =	sadd.s32 s3, s5;
	[dreg:$0x0] =	wrdreg $0x0  }
0xa8: {  	s5 =	sshll.u32 s28, $0x1;
	[dreg:$0x2] =	wrdreg s3  }
0xa9: {  	[dreg:$0x3] =	wrdreg s5  }
0xaa: {  	[dreg:$0x4] =	wrdreg $0xC0  }
0xab: {  	_ =	task [dreg:s7], $0x5FFFF  }
0xac: {  	[dreg:$0x1] =	wrdreg $0xFFFFFFFF  }
0xad: {  	[dreg:$0x0] =	wrdreg $0x60  }
0xae: {  	[dreg:$0x2] =	wrdreg s2  }
0xaf: {  	[dreg:$0x3] =	wrdreg s24  }
0xb0: {  	[dreg:$0x4] =	wrdreg $0x9  }
0xb1: {  	_ =	task.clear_ibuf [dreg:s7], $0x5FFFF;
	_ =	strace $0x90000046  }
0xb2: {  	s29 =	simm.s32 $0x9;
	_ =	strace $0x80000048  }
0xb3: {  	_ =	swait.ge [sflag:s29], $0x1  }
0xb4: {  	[sflag:s29] =	ssyncadd.s32 $0xFFFFFFFF  }
0xb5: {  	_ =	strace $0x90000048  }
0xb6: {  	_ =	sfence  }
0xb7: {  	s30 =	sld [smem:$0x0];
	_ =	sdelay $0x2  }
0xb8: {  	s31 =	sshll.u32 s1, $0xD;
	s1 =	sshrl.u32 s1, $0x2  }
0xb9: {  	s3 =	sand.u32 $0x4000, s31;
	s1 =	sadd.s32 s1, s30  }
0xba: {  	s0 =	sor.u32 s3, s0;
	s1 =	sshll.u32 s1, $0x11  }
0xbb: {  	s0 =	sor.u32 s1, s0  }
0xbc: {  	s0 =	sadd.s32 $0x8F2B, s0  }
0xbd: {  	[sflag:s0] =	ssyncadd.remote.s32 $0x1  }
0xbe: {  	_ =	sfence.sel $0xFFFF  }
0xbf: {  	[dreg:$0x0] =	wrdreg $0xFFFFFFFF;
	(pc) =	sbr.abs _section_cstart, $3  }
0xc0: {  	[dreg:$0x1] =	wrdreg $0xFFFFFFFF  }
0xc1: {  	_ =	task.clear_ibuf [dreg:s7], $0x2FFFF;
	_ =	strace $0x9FFFFFFF  }
0xc2: {  	(tm) =	ssettm $0x7FFFFFFF  }
0xc3: {  	_ =	shalt  }
tec
execute0_lowered:
.L_overlay_start_1:
0x0: {  	(tag) =	ssettag $0x1  }
0x1: {  	s1 =	srdreg.scid;
	s0 =	stileid.u32  }
0x2: {  	s13 =	sand.u32 $0x1, s1;
	s31 =	sshll.u32 s0, $0x1  }
0x3: {  	s2 =	rddreg [dreg:$0x0];
	s10 =	sor.u32 s13, s31  }
0x4: {  	s9 =	rddreg [dreg:$0x1];
	s4 =	smul.u32 $0x28, s10  }
0x5: {  	s3 =	simm.s32 $0x0;
	s1 =	rddreg [dreg:$0x2]  }
0x6: {  	[smem:$0x7FF] =	sst s3;
	s4 =	sadd.s32 s4, s9  }
0x7: {  	_ =	strace $0x80000047;
	s5 =	sadd.s32 $0x2600, s4;
	s4 =	simm.s32 $0x2  }
0x8: {  	[tilespmem:s3], [sflag:$0x2] =	stream.linear.gather [hbm4b:s5+s3], $0x140, $0x38;
	[tilespmem:$0x2940] =	vst v63  }
0x9: {  	_ =	swait.ge [sflag:s4], $0x140  }
0xa: {  	s6 =	simm.s32 $0x50;
	[sflag:s4] =	ssyncset.done $0x0  }
0xb: {  	s7 =	simm.s32 $0x140;
	s8 =	simm.s32 $0x1;
	[sflag:s4] =	ssyncadd.s32 $0xFFFFFEC0  }
0xc: {  	[tilespmem:s7], [sflag:$0x1] =	stream.indirect.gather [hbm4b:s2+s6], $0x80, s3, s6, $0xb8;
	[tilespmem:$0x2940] =	vst v63  }
0xd: {  	s11 =	smul.u32 $0x1400, s10;
	_ =	swait.ge [sflag:s8], $0x2800  }
0xe: {  	s12 =	sadd.s32 $0x2C00, s9;
	[sflag:s8] =	ssyncset.done $0x0  }
0xf: {  	s9 =	sadd.s32 s12, s11;
	[sflag:s8] =	ssyncadd.s32 $0xFFFFD800  }
0x10: {  	[hbm4b:s9+s3] =	stream.linear.scatter [tilespmem:s7], [sflag:$0x2], $0x2800, $0x38;
	[tilespmem:$0x2940] =	vst v63  }
0x11: {  	_ =	swait.ge [sflag:s4], $0x2800  }
0x12: {  	[sflag:s4] =	ssyncset.done $0x0  }
0x13: {  	s10 =	smul.u32 $0xA000, s10;
	[sflag:s4] =	ssyncadd.s32 $0xFFFFD800  }
0x14: {  	[tilespmem:s7], [sflag:$0x1] =	stream.indirect.gather [hbm4b:s2+s6], $0x80, s6, s6, $0xb8;
	[tilespmem:$0x2940] =	vst v63  }
0x15: {  	s10 =	sshrl.u32 s10, $0x3;
	_ =	swait.ge [sflag:s8], $0x2800  }
0x16: {  	s14 =	sadd.s32 s12, s10;
	[sflag:s8] =	ssyncset.done $0x0  }
0x17: {  	s10 =	sadd.s32 $0x500, s14;
	[sflag:s8] =	ssyncadd.s32 $0xFFFFD800  }
0x18: {  	[hbm4b:s10+s3] =	stream.linear.scatter [tilespmem:s7], [sflag:$0x2], $0x2800, $0x38;
	[tilespmem:$0x2940] =	vst v63  }
0x19: {  	_ =	swait.ge [sflag:s4], $0x2800  }
0x1a: {  	[sflag:s4] =	ssyncset.done $0x0  }
0x1b: {  	s11 =	simm.s32 $0xA0;
	[sflag:s4] =	ssyncadd.s32 $0xFFFFD800  }
0x1c: {  	[tilespmem:s7], [sflag:$0x1] =	stream.indirect.gather [hbm4b:s2+s6], $0x80, s11, s6, $0xb8;
	[tilespmem:$0x2940] =	vst v63  }
0x1d: {  	_ =	swait.ge [sflag:s8], $0x2800  }
0x1e: {  	[sflag:s8] =	ssyncset.done $0x0  }
0x1f: {  	s15 =	ssub.s32 $0x2, s13;
	s12 =	sadd.s32 $0xA00, s14;
	[sflag:s8] =	ssyncadd.s32 $0xFFFFD800  }
0x20: {  	[hbm4b:s12+s3] =	stream.linear.scatter [tilespmem:s7], [sflag:$0x2], $0x2800, $0x38;
	[tilespmem:$0x2940] =	vst v63  }
0x21: {  	s16 =	sshrl.u32 s15, $0x1;
	_ =	swait.ge [sflag:s4], $0x2800  }
0x22: {  	s15 =	ssub.s32 s15, s16;
	[sflag:s4] =	ssyncset.done $0x0  }
0x23: {  	s13 =	simm.s32 $0xF0;
	s15 =	smax.u32 s15, $0x1;
	[sflag:s4] =	ssyncadd.s32 $0xFFFFD800  }
0x24: {  	[tilespmem:s7], [sflag:$0x1] =	stream.indirect.gather [hbm4b:s2+s6], $0x80, s13, s6, $0xb8;
	[tilespmem:$0x2940] =	vst v63  }
0x25: {  	p0 =	sne.s32 s15, $0x1;
	_ =	swait.ge [sflag:s8], $0x2800  }
.Ltmp0:
0x26: {  	[sflag:s8] =	ssyncset.done $0x0;
	(pc) =	sbr.rel @!p0 .LBB2_2-.Ltmp0, $4  }
0x27: {  	s14 =	sadd.s32 $0xF00, s14;
	[sflag:s8] =	ssyncadd.s32 $0xFFFFD800  }
0x28: {  	[hbm4b:s14+s3] =	stream.linear.scatter [tilespmem:s7], [sflag:$0x2], $0x2800, $0x38;
	[tilespmem:$0x2940] =	vst v63  }
0x29: {  	_ =	swait.ge [sflag:s4], $0x2800  }
0x2a: {  	s15 =	sadd.s32 $0xFFFFFFFF, s15;
	[sflag:s4] =	ssyncset.done $0x0  }
.LBB2_1:
0x2b: {  	p0 =	sne.s32 s15, $0x1;
	s15 =	sadd.s32 $0xFFFFFFFF, s15;
	[sflag:s4] =	ssyncadd.s32 $0xFFFFD800  }
0x2c: {  	[tilespmem:s3], [sflag:$0x2] =	stream.linear.gather [hbm4b:s5+s3], $0x140, $0x38;
	[tilespmem:$0x2940] =	vst v63  }
0x2d: {  	_ =	swait.ge [sflag:s4], $0x140  }
0x2e: {  	[sflag:s4] =	ssyncset.done $0x0  }
0x2f: {  	[sflag:s4] =	ssyncadd.s32 $0xFFFFFEC0  }
0x30: {  	[tilespmem:s7], [sflag:$0x1] =	stream.indirect.gather [hbm4b:s2+s6], $0x80, s3, s6, $0xb8;
	[tilespmem:$0x2940] =	vst v63  }
0x31: {  	_ =	swait.ge [sflag:s8], $0x2800  }
0x32: {  	[sflag:s8] =	ssyncset.done $0x0  }
0x33: {  	[sflag:s8] =	ssyncadd.s32 $0xFFFFD800  }
0x34: {  	[hbm4b:s9+s3] =	stream.linear.scatter [tilespmem:s7], [sflag:$0x2], $0x2800, $0x38;
	[tilespmem:$0x2940] =	vst v63  }
0x35: {  	_ =	swait.ge [sflag:s4], $0x2800  }
0x36: {  	[sflag:s4] =	ssyncset.done $0x0  }
0x37: {  	[sflag:s4] =	ssyncadd.s32 $0xFFFFD800  }
0x38: {  	[tilespmem:s7], [sflag:$0x1] =	stream.indirect.gather [hbm4b:s2+s6], $0x80, s6, s6, $0xb8;
	[tilespmem:$0x2940] =	vst v63  }
0x39: {  	_ =	swait.ge [sflag:s8], $0x2800  }
0x3a: {  	[sflag:s8] =	ssyncset.done $0x0  }
0x3b: {  	[sflag:s8] =	ssyncadd.s32 $0xFFFFD800  }
0x3c: {  	[hbm4b:s10+s3] =	stream.linear.scatter [tilespmem:s7], [sflag:$0x2], $0x2800, $0x38;
	[tilespmem:$0x2940] =	vst v63  }
0x3d: {  	_ =	swait.ge [sflag:s4], $0x2800  }
0x3e: {  	[sflag:s4] =	ssyncset.done $0x0  }
0x3f: {  	[sflag:s4] =	ssyncadd.s32 $0xFFFFD800  }
0x40: {  	[tilespmem:s7], [sflag:$0x1] =	stream.indirect.gather [hbm4b:s2+s6], $0x80, s11, s6, $0xb8;
	[tilespmem:$0x2940] =	vst v63  }
0x41: {  	_ =	swait.ge [sflag:s8], $0x2800  }
0x42: {  	[sflag:s8] =	ssyncset.done $0x0  }
0x43: {  	[sflag:s8] =	ssyncadd.s32 $0xFFFFD800  }
0x44: {  	[hbm4b:s12+s3] =	stream.linear.scatter [tilespmem:s7], [sflag:$0x2], $0x2800, $0x38;
	[tilespmem:$0x2940] =	vst v63  }
0x45: {  	_ =	swait.ge [sflag:s4], $0x2800  }
0x46: {  	[sflag:s4] =	ssyncset.done $0x0  }
0x47: {  	[sflag:s4] =	ssyncadd.s32 $0xFFFFD800  }
0x48: {  	[tilespmem:s7], [sflag:$0x1] =	stream.indirect.gather [hbm4b:s2+s6], $0x80, s13, s6, $0xb8;
	[tilespmem:$0x2940] =	vst v63  }
0x49: {  	_ =	swait.ge [sflag:s8], $0x2800  }
.Ltmp1:
0x4a: {  	[sflag:s8] =	ssyncset.done $0x0;
	(pc) =	sbr.rel @p0 .LBB2_1-.Ltmp1, $4  }
0x4b: {  	[sflag:s8] =	ssyncadd.s32 $0xFFFFD800  }
0x4c: {  	[hbm4b:s14+s3] =	stream.linear.scatter [tilespmem:s7], [sflag:$0x2], $0x2800, $0x38;
	[tilespmem:$0x2940] =	vst v63  }
0x4d: {  	_ =	swait.ge [sflag:s4], $0x2800  }
0x4e: {  	[sflag:s4] =	ssyncset.done $0x0  }
.LBB2_2:
0x4f: {  	[sflag:s4] =	ssyncadd.s32 $0xFFFFD800  }
0x50: {  	_ =	sfence.sel $0x180000  }
0x51: {  	[bflag:$0x0] =	sbarrier.arrive $0xFFFF  }
0x52: {  	p0 =	sne.s32 s0, $0x0;
	_ =	strace $0x90000047  }
0x53: {  	s0 =	sadd.s32 @!p0 $0x100000, s1;
	[bflag:$0x2] =	sbarrier.arrive $0xFFFF  }
0x54: {  	[sflag:s0] =	ssyncadd.tile.s32 @!p0 $0x1;
	_ =	shalt  }
.Lfunc_end2:
_tile_overlayer_lowered:
.L_overlay_start_2:
0x55: {  	(tag) =	ssettag $0x2  }
0x56: {  	s0 =	rddreg [dreg:$0x0];
	s2 =	stileid.u32  }
0x57: {  	s1 =	rddreg [dreg:$0x1];
	p0 =	sne.s32 s2, $0x0  }
0x58: {  	s3 =	rddreg [dreg:$0x2];
	[bflag:$0x3] =	sbarrier.arrive $0xFFFF;
	s2 =	simm.s32 @!p0 $0x1C02  }
0x59: {  	[timem:s3], [sflag:s2] =	dma.local @!p0 [hbm:s0], s1  }
0x5a: {  	s0 =	simm.s32 @!p0 $0x2  }
0x5b: {  	_ =	swait.ge @!p0 [sflag:s0], s1  }
0x5c: {  	s1 =	ssub.s32 @!p0 $0x0, s1;
	[sflag:s0] =	ssyncset.done @!p0 $0x0  }
0x5d: {  	[sflag:s0] =	ssyncadd.s32 @!p0 s1  }
0x5e: {  	[bflag:$0x3] =	sbarrier.arrive $0xFFFF  }
0x5f: {  	_ =	shalt  }

// kernel: kernel.13.cloned.1.call-start
scs
__scs_entry_jumppad:
0x0: {  	(pc) =	sbr.rel $0x88, $3  }
0x1: {  	(tag) =	ssettag $0x0;
	lr =	simm.s32 $0x1  }
0x2: {  	[smem:$0x3F92] =	sst lr;
	_ =	strace $0xD0000000  }
0x3: {  	_ = 	snop  }
0x4: {  	_ = 	snop  }
0x5: {  	_ = 	snop  }
0x6: {  	_ = 	snop  }
0x7: {  	_ = 	snop  }
__scs_overlays_trampoline_lowered:
0x8: {  	[smem:$0x3FA1] =	sst s0  }
0x9: {  	[smem:$0x3FA2] =	sst s1  }
0xa: {  	[smem:$0x3FA3] =	sst s2  }
0xb: {  	[smem:$0x3FA4] =	sst s3  }
0xc: {  	[smem:$0x3FA5] =	sst s4  }
0xd: {  	[smem:$0x3FA6] =	sst s5  }
0xe: {  	[smem:$0x3FA7] =	sst s6  }
0xf: {  	[smem:$0x3FA8] =	sst s7  }
0x10: {  	[smem:$0x3FA9] =	sst s8  }
0x11: {  	[smem:$0x3FAA] =	sst s9;
	s0 =	simm.s32 @!p0 $0x0  }
0x12: {  	s1 =	sld [smem:$0x3F90];
	s0 =	simm.s32 @p0 $0x1  }
0x13: {  	[smem:$0x3FAB] =	sst s0;
	s0 =	simm.s32 @!p1 $0x0  }
0x14: {  	s2 =	sld [smem:$0x3F8F];
	s0 =	simm.s32 @p1 $0x1  }
0x15: {  	[smem:$0x3FAC] =	sst s0;
	s0 =	simm.s32 @!p2 $0x0  }
0x16: {  	s3 =	sld [smem:$0x3FDB];
	s0 =	simm.s32 @p2 $0x1  }
0x17: {  	s4 =	simm.s32 $0x1BF5;
	[smem:$0x3FAE] =	sst s0  }
0x18: {  	s0 =	sld [smem:$0x3F91];
	_ =	swait.ge [sflag:s4], $0x0  }
0x19: {  	s7 =	sld [smem:$0x3F92]  }
0x1a: {  	s8 =	sadd.s32 $0xFFFFE003, lr  }
0x1b: {  	s9 =	sadd.s32 $0xFFFFFEF7, lr;
	s5 =	simm.s32 $0xFFFFFFFF;
	p2 =	slt.u32 s8, $0xFFFFF086  }
0x1c: {  	p1 =	slt.u32 s9, $0xF7A;
	s5 =	simm.s32 @!p2 $0x0  }
0x1d: {  	s5 =	simm.s32 @p1 $0x1;
	p0 =	seq.s32 s7, s2  }
0x1e: {  	s7 =	smul.u32 @!p0 $0xF7A, s2;
	p2 =	seq.s32 @!p0 s5, $0x0  }
0x1f: {  	s9 =	smul.u32 $0xF7A, s1;
	s8 =	simm.s32 @!p0 $0x1BF5;
	p2 =	por !p2, p0  }
0x20: {  	[sflag:s8] =	ssyncset.s32 @!p0 $0xFFFFF086;
	s6 =	sadd.s32 @!p0 s3, s7;
	s7 =	simm.s32 @!p0 $0x108  }
0x21: {  	s3 =	sadd.s32 s3, s9;
	s6 =	sadd.s32 @!p0 $0x88, s6;
	s7 =	simm.s32 @p2 $0x1082  }
0x22: {  	[simem:s7], [sflag:s8] =	dma.local @!p0 [hbm:s6], $0xF7A  }
0x23: {  	s9 =	sor.u32 $0xD0000000, s2;
	s6 =	simm.s32 $0x108;
	_ =	swait.ge @!p0 [sflag:s8], $0x0  }
0x24: {  	s3 =	sadd.s32 $0x88, s3;
	s6 =	simm.s32 @!p1 $0x1082;
	[sflag:s4] =	ssyncset.s32 $0xFFFFF086  }
0x25: {  	[simem:s6], [sflag:s4] =	dma.local [hbm:s3], $0xF7A  }
0x26: {  	[smem:$0x3F92] =	sst s1;
	(tag) =	ssettag s2;
	_ =	strace s9  }
0x27: {  	s1 =	sld [smem:$0x3FA2]  }
0x28: {  	s2 =	sld [smem:$0x3FA3]  }
0x29: {  	s4 =	sld [smem:$0x3FA5]  }
0x2a: {  	p0 =	seq.s32 s5, $0x0;
	s5 =	sld [smem:$0x3FA6]  }
0x2b: {  	s6 =	sld [smem:$0x3FA7]  }
0x2c: {  	s7 =	sld [smem:$0x3FA8]  }
0x2d: {  	s3 =	simm.s32 $0x108;
	s8 =	sld [smem:$0x3FA9]  }
0x2e: {  	s3 =	simm.s32 @!p0 $0x1082;
	s9 =	sld [smem:$0x3FAA]  }
0x2f: {  	lr =	sadd.s32 s0, s3;
	s0 =	sld [smem:$0x3FA1]  }
0x30: {  	s3 =	sld [smem:$0x3FA4]  }
0x31: {  	[smem:$0x3FAD] =	sst s10  }
0x32: {  	s10 =	sld [smem:$0x3FAB];
	_ =	sdelay $0x3  }
0x33: {  	p0 =	seq.s32 s10, $0x1;
	s10 =	sld [smem:$0x3FAD];
	_ =	sdelay $0x3  }
0x34: {  	[smem:$0x3FAD] =	sst s10  }
0x35: {  	s10 =	sld [smem:$0x3FAC];
	_ =	sdelay $0x3  }
0x36: {  	p1 =	seq.s32 s10, $0x1;
	s10 =	sld [smem:$0x3FAD];
	_ =	sdelay $0x3  }
0x37: {  	[smem:$0x3FAD] =	sst s10  }
0x38: {  	s10 =	sld [smem:$0x3FAE]  }
0x39: {  	_ = 	snop;
	(pc) =	sbr.ind lr, $3  }
0x3a: {  	_ = 	snop  }
0x3b: {  	_ = 	snop  }
0x3c: {  	p2 =	seq.s32 s10, $0x1;
	s10 =	sld [smem:$0x3FAD]  }
0x3d: {  	_ =	shalt  }
0x3e: {  	_ =	shalt  }
0x3f: {  	_ =	shalt  }
0x40: {  	_ =	shalt  }
0x41: {  	_ =	shalt  }
0x42: {  	_ =	shalt  }
0x43: {  	_ =	shalt  }
0x44: {  	_ =	shalt  }
0x45: {  	_ =	shalt  }
0x46: {  	_ =	shalt  }
0x47: {  	_ =	shalt  }
0x48: {  	_ =	shalt  }
0x49: {  	_ =	shalt  }
0x4a: {  	_ =	shalt  }
0x4b: {  	_ =	shalt  }
0x4c: {  	_ =	shalt  }
0x4d: {  	_ =	shalt  }
0x4e: {  	_ =	shalt  }
0x4f: {  	_ =	shalt  }
0x50: {  	_ =	shalt  }
0x51: {  	_ =	shalt  }
0x52: {  	_ =	shalt  }
0x53: {  	_ =	shalt  }
0x54: {  	_ =	shalt  }
0x55: {  	_ =	shalt  }
0x56: {  	_ =	shalt  }
0x57: {  	_ =	shalt  }
0x58: {  	_ =	shalt  }
0x59: {  	_ =	shalt  }
0x5a: {  	_ =	shalt  }
0x5b: {  	_ =	shalt  }
0x5c: {  	_ =	shalt  }
0x5d: {  	_ =	shalt  }
0x5e: {  	_ =	shalt  }
0x5f: {  	_ =	shalt  }
0x60: {  	_ =	shalt  }
0x61: {  	_ =	shalt  }
0x62: {  	_ =	shalt  }
0x63: {  	_ =	shalt  }
0x64: {  	_ =	shalt  }
0x65: {  	_ =	shalt  }
0x66: {  	_ =	shalt  }
0x67: {  	_ =	shalt  }
0x68: {  	_ =	shalt  }
0x69: {  	_ =	shalt  }
0x6a: {  	_ =	shalt  }
0x6b: {  	_ =	shalt  }
0x6c: {  	_ =	shalt  }
0x6d: {  	_ =	shalt  }
0x6e: {  	_ =	shalt  }
0x6f: {  	_ =	shalt  }
0x70: {  	_ =	shalt  }
0x71: {  	_ =	shalt  }
0x72: {  	_ =	shalt  }
0x73: {  	_ =	shalt  }
0x74: {  	_ =	shalt  }
0x75: {  	_ =	shalt  }
0x76: {  	_ =	shalt  }
0x77: {  	_ =	shalt  }
0x78: {  	_ =	shalt  }
0x79: {  	_ =	shalt  }
0x7a: {  	_ =	shalt  }
0x7b: {  	_ =	shalt  }
0x7c: {  	_ =	shalt  }
0x7d: {  	_ =	shalt  }
0x7e: {  	_ =	shalt  }
0x7f: {  	_ =	shalt  }
0x80: {  	_ =	shalt  }
0x81: {  	_ =	shalt  }
0x82: {  	_ =	shalt  }
0x83: {  	_ =	shalt  }
0x84: {  	_ =	shalt  }
0x85: {  	_ =	shalt  }
0x86: {  	_ =	shalt  }
0x87: {  	_ =	shalt  }
.Lfunc_end0:
.L_simem_size_0:
called_computation.1_lowered:
.L_overlay_start_0:
0x88: {  	s2 =	sld [smem:$0x3FD9]  }
0x89: {  	s3 =	sld [smem:$0x3FFE];
	_ =	sdelay $0x1  }
0x8a: {  	s1 =	srdreg.scid  }
0x8b: {  	s0 =	sand.u32 $0x1, s1  }
0x8c: {  	s17 =	sshll.u32 s0, $0xA;
	s2 =	sadd.s32 s3, s2  }
0x8d: {  	s2 =	sadd.s32 s2, s17  }
0x8e: {  	[smem:$0x3FB9] =	sst s2  }
0x8f: {  	_ = 	snop  }
0x90: {  	s2 =	sld [smem:$0x3FD0];
	(tm) =	ssettm $0x1  }
0x91: {  	s18 =	sld [smem:$0x3FFB];
	_ =	sdelay $0x3  }
0x92: {  	_ =	strace s18  }
0x93: {  	s3 =	sld [smem:$0x3FFC];
	_ =	sdelay $0x3  }
0x94: {  	_ =	strace s3  }
0x95: {  	s3 =	sld [smem:$0x3FFD];
	_ =	sdelay $0x3  }
0x96: {  	_ =	strace s3  }
0x97: {  	_ =	strace $0x8FFFFFFF  }
0x98: {  	s19 =	sld [smem:$0x3FDB];
	_ =	sdelay $0x1  }
0x99: {  	s4 =	simm.s32 $_scs_section_size  }
0x9a: {  	s5 =	simm.s32 $_size__tile_overlayer_lowered;
	s6 =	simm.s32 $_tile_overlayer_lowered  }
0x9b: {  	s22 =	simm.s32 $0x1BFF;
	s21 =	sshll.u32 s6, $0x1;
	s3 =	sadd.s32 s4, s19  }
0x9c: {  	s7 =	simm.s32 $0x0;
	s20 =	sshll.u32 s5, $0x1;
	s5 =	sadd.s32 s21, s3  }
0x9d: {  	[timem:s7], [sflag:s22] =	dma.local [hbm:s5], s20  }
0x9e: {  	_ =	swait.ge [sflag:s22], s20  }
0x9f: {  	s4 =	ssub.s32 $0x0, s20;
	[sflag:s22] =	ssyncset.done $0x0  }
0xa0: {  	[sflag:s22] =	ssyncadd.s32 s4;
	_ =	sdelay $0x1  }
0xa1: {  	s23 =	simm.s32 $0x1B8B  }
0xa2: {  	_ =	swait.ge [sflag:s23], $0x1  }
0xa3: {  	[sflag:s23] =	ssyncset.done $0x0  }
0xa4: {  	s25 =	simm.s32 $0x1B8E;
	s24 =	sld [smem:$0x3FFE];
	[sflag:s23] =	ssyncadd.s32 $0xFFFFFFFF  }
0xa5: {  	s26 =	simm.s32 $execute0_lowered;
	[smem:$0x3FD2] =	sst s25  }
0xa6: {  	s5 =	sshll.u32 s26, $0x1;
	_ =	strace $0x80000049;
	[dreg:$0x1] =	wrdreg $0xFFFFFFFF  }
0xa7: {  	s28 =	simm.s32 $_size_execute0_lowered;
	s3 =	sadd.s32 s3, s5;
	[dreg:$0x0] =	wrdreg $0x0  }
0xa8: {  	s5 =	sshll.u32 s28, $0x1;
	[dreg:$0x2] =	wrdreg s3  }
0xa9: {  	[dreg:$0x3] =	wrdreg s5  }
0xaa: {  	[dreg:$0x4] =	wrdreg $0xC0  }
0xab: {  	_ =	task [dreg:s7], $0x5FFFF  }
0xac: {  	[dreg:$0x1] =	wrdreg $0xFFFFFFFF  }
0xad: {  	[dreg:$0x0] =	wrdreg $0x60  }
0xae: {  	[dreg:$0x2] =	wrdreg s24  }
0xaf: {  	[dreg:$0x3] =	wrdreg s2  }
0xb0: {  	[dreg:$0x4] =	wrdreg $0x80200  }
0xb1: {  	[dreg:$0x5] =	wrdreg $0x9  }
0xb2: {  	_ =	task.clear_ibuf [dreg:s7], $0x6FFFF;
	_ =	strace $0x90000049  }
0xb3: {  	s29 =	simm.s32 $0x9;
	_ =	strace $0x8000004B  }
0xb4: {  	_ =	swait.ge [sflag:s29], $0x1  }
0xb5: {  	[sflag:s29] =	ssyncadd.s32 $0xFFFFFFFF  }
0xb6: {  	_ =	strace $0x9000004B  }
0xb7: {  	_ =	sfence  }
0xb8: {  	s30 =	sld [smem:$0x0];
	_ =	sdelay $0x2  }
0xb9: {  	s31 =	sshll.u32 s1, $0xD;
	s1 =	sshrl.u32 s1, $0x2  }
0xba: {  	s3 =	sand.u32 $0x4000, s31;
	s1 =	sadd.s32 s1, s30  }
0xbb: {  	s0 =	sor.u32 s3, s0;
	s1 =	sshll.u32 s1, $0x11  }
0xbc: {  	s0 =	sor.u32 s1, s0  }
0xbd: {  	s0 =	sadd.s32 $0x8F2B, s0  }
0xbe: {  	[sflag:s0] =	ssyncadd.remote.s32 $0x1  }
0xbf: {  	_ =	sfence.sel $0xFFFF  }
0xc0: {  	[dreg:$0x0] =	wrdreg $0xFFFFFFFF;
	(pc) =	sbr.abs _section_cstart, $3  }
0xc1: {  	[dreg:$0x1] =	wrdreg $0xFFFFFFFF  }
0xc2: {  	_ =	task.clear_ibuf [dreg:s7], $0x2FFFF;
	_ =	strace $0x9FFFFFFF  }
0xc3: {  	(tm) =	ssettm $0x7FFFFFFF  }
tec
execute0_lowered:
.L_overlay_start_1:
0x0: {  	(tag) =	ssettag $0x1  }
0x1: {  	s6 =	rddreg [dreg:$0x0]  }
0x2: {  	s9 =	rddreg [dreg:$0x1];
	s1 =	srdreg.scid  }
0x3: {  	s0 =	stileid.u32;
	s2 =	rddreg [dreg:$0x2]  }
0x4: {  	s3 =	simm.s32 $0x0;
	s16 =	simm.s32 $0x1;
	s17 =	simm.s32 $0x7B20  }
0x5: {  	s7 =	sand.u32 $0x1, s1;
	s4 =	sshll.u32 s0, $0x1;
	s1 =	rddreg [dreg:$0x3]  }
0x6: {  	[smem:$0x7FF] =	sst s3;
	s8 =	smul.u32 $0x16800, s0;
	s5 =	sadd.s32 $0x2600, s6  }
0x7: {  	s31 =	sshll.u32 s0, $0x6;
	s4 =	sor.u32 s7, s4;
	s11 =	smul.u32 $0x2D000, s7  }
0x8: {  	_ =	strace $0x8000004A;
	s7 =	ssub.s32 $0x2, s7;
	s10 =	smul.u32 $0x4E2, s4  }
0x9: {  	s4 =	sadd.s32 $0x34A00, s6;
	s18 =	sshrl.u32 s8, $0x3;
	s30 =	sshrl.u32 s7, $0x1  }
0xa: {  	s15 =	sadd.s32 s8, s2;
	s13 =	sadd.s32 s18, s6;
	s11 =	sadd.s32 s11, s6  }
0xb: {  	s14 =	ssub.s32 s7, s30;
	s7 =	sor.u32 $0x1C02, s31;
	s12 =	sadd.s32 s10, s6  }
0xc: {  	s6 =	sadd.s32 $0x61A00, s13;
	s9 =	sadd.s32 s9, s10;
	s19 =	sadd.s32 $0x8EA00, s11  }
0xd: {  	v0 =	vimm.s32 $0x0;
	v1 =	vimm.s32 $0x1;
	s10 =	smax.u32 s14, $0x1;
	s11 =	sshrl.u32 s15, $0x3;
	s13 =	simm.s32 $0x2710  }
0xe: {  	v2 =	vimm.s32 $0x2;
	v3 =	vimm.s32 $0x3;
	v4 =	vimm.s32 $0x4;
	s14 =	simm.s32 $0x50;
	s15 =	simm.s32 $0x4E20;
	s8 =	sadd.s32 $0x2AC00, s12  }
0xf: {  	v5 =	vimm.s32 $0x5;
	v6 =	vimm.s32 $0x6;
	v7 =	vimm.s32 $0x7;
	s12 =	simm.s32 $0x2;
	s18 =	sadd.s32 s18, s19;
	s19 =	simm.s32 $0x0  }
.LBB2_1:
0x10: {  	[spmem:s11], [sflag:s7] =	dma.local [hbm:s6], $0x2D00  }
0x11: {  	_ =	swait.ge [sflag:s12], $0x2D00  }
0x12: {  	[sflag:s12] =	ssyncset.done $0x0  }
0x13: {  	[sflag:s12] =	ssyncadd.s32 $0xFFFFD300  }
0x14: {  	[tilespmem:s3], [sflag:$0x2] =	stream.linear.gather [hbm4b:s8+s3], $0x2710, $0x38;
	[tilespmem:$0x1E820] =	vst v63  }
0x15: {  	_ =	swait.ge [sflag:s12], $0x2710  }
0x16: {  	[sflag:s12] =	ssyncset.done $0x0  }
0x17: {  	[sflag:s12] =	ssyncadd.s32 $0xFFFFD8F0  }
0x18: {  	[tilespmem:s13], [sflag:$0x2] =	stream.linear.gather [hbm4b:s9+s3], $0x2710, $0x38;
	[tilespmem:$0x1E820] =	vst v63  }
0x19: {  	_ =	swait.ge [sflag:s12], $0x2710  }
0x1a: {  	[sflag:s12] =	ssyncset.done $0x0  }
0x1b: {  	[sflag:s12] =	ssyncadd.s32 $0xFFFFD8F0  }
0x1c: {  	s20 =	simm.s32 $0x0;
	[bflag:$0x0] =	sbarrier.arrive $0xFFFF  }
.LBB2_2:
0x1d: {  	s21 =	smul.u32 $0x50, s20;
	_ =	sdelay $0x1  }
0x1e: {  	[tilespmem:s15], [sflag:$0x1] =	stream.indirect.gather [hbm4b:s4+s14], $0x90, s21, s14, $0xb8;
	[tilespmem:$0x1E820] =	vst v63  }
0x1f: {  	_ =	swait.ge [sflag:s16], $0x2D00  }
0x20: {  	[sflag:s16] =	ssyncset.done $0x0  }
0x21: {  	s21 =	sadd.s32 $0x2710, s21;
	[sflag:s16] =	ssyncadd.s32 $0xFFFFD300  }
0x22: {  	[tilespmem:s17], [sflag:$0x1] =	stream.indirect.gather [hbm4b:s5+s14], $0x10, s21, s14, $0xb8;
	[tilespmem:$0x1E820] =	vst v63  }
0x23: {  	_ =	swait.ge [sflag:s16], $0x500  }
0x24: {  	[sflag:s16] =	ssyncset.done $0x0  }
0x25: {  	s22 =	simm.s32 $0x4E60;
	[sflag:s16] =	ssyncadd.s32 $0xFFFFFB00  }
0x26: {  	s25 =	simm.s32 $0x0;
	s24 =	simm.s32 $0x40;
	s23 =	simm.s32 $0x4E60;
	v8 =	vld [tilespmem:s22+$0x40]  }
.LBB2_3:
0x27: {  	p0 =	sne.s32 s24, $0x13C0;
	v9 =	vld [tilespmem:s25+$0x7B20];
	_ =	sdelay $0x4  }
0x28: {  	v8 =	vadd.f32 v9, v8;
	_ =	sdelay $0x1  }
0x29: {  	v9 =	vmul.f32 $2.000000030e-01, v8;
	_ =	sdelay $0x1  }
0x2a: {  	v8 =	vmax.f32 v8, v9  }
0x2b: {  	v8 =	vmul.f32 $1.442695020e+00, v8;
	_ =	sdelay $0x1  }
0x2c: {  	(erf) = vpow2.f32 v8;
	_ =	sdelay $0x4  }
0x2d: {  	v8 =	vld [tilespmem:s22+$0xFFFFFFF0]  }
0x2e: {  	v9 =	vld [tilespmem:s22+$0xFFFFFFD0]  }
0x2f: {  	v10 =	vld [tilespmem:s22+$0xFFFFFFC0]  }
0x30: {  	v11 =	vld [tilespmem:s22+$0xFFFFFFE0]  }
0x31: {  	v12 =	vld [tilespmem:s22+$0x30];
	v13 =	vpop (erf)  }
0x32: {  	[tilespmem:s22+$0x40] =	vst v13;
	v14 =	vperm.xlane v13, v0;
	v15 =	vperm.xlane v13, v1;
	v16 =	vld [tilespmem:s22+$0x10]  }
0x33: {  	v17 =	vperm.xlane v13, v2;
	v18 =	vperm.xlane v13, v3;
	v19 =	vld [tilespmem:s22+$0x0]  }
0x34: {  	v10 =	vmul.f32 v10, v14;
	v9 =	vmul.f32 v9, v15;
	v14 =	vld [tilespmem:s22+$0x20]  }
0x35: {  	v8 =	vmul.f32 v8, v18;
	v11 =	vmul.f32 v11, v17  }
0x36: {  	v15 =	vperm.xlane v13, v5;
	[tilespmem:s22+$0xFFFFFFC0] =	vst v10;
	v10 =	vperm.xlane v13, v4  }
0x37: {  	[tilespmem:s22+$0xFFFFFFD0] =	vst v9;
	v9 =	vperm.xlane v13, v6;
	v13 =	vperm.xlane v13, v7  }
0x38: {  	[tilespmem:s22+$0xFFFFFFE0] =	vst v11;
	v10 =	vmul.f32 v19, v10;
	v11 =	vmul.f32 v16, v15  }
.Ltmp0:
0x39: {  	[tilespmem:s22+$0xFFFFFFF0] =	vst v8;
	v8 =	vmul.f32 v14, v9;
	v9 =	vmul.f32 v12, v13;
	(pc) =	sbr.rel @p0 .LBB2_3-.Ltmp0, $4  }
0x3a: {  	[tilespmem:s22+$0x0] =	vst v10  }
0x3b: {  	[tilespmem:s22+$0x10] =	vst v11  }
0x3c: {  	s22 =	sadd.s32 $0x90, s22;
	[tilespmem:s23+$0x20] =	vst v8  }
0x3d: {  	s25 =	sshra.s32 s24, $0x2;
	s24 =	sadd.s32 $0x40, s24;
	v8 =	vld [tilespmem:s22+$0x40];
	[tilespmem:s23+$0x30] =	vst v9;
	s23 =	smov.u32 s22  }
0x3e: {  	v9 =	vld [tilespmem:s25+$0x7B20];
	_ =	sdelay $0x4  }
0x3f: {  	v8 =	vadd.f32 v9, v8;
	_ =	sdelay $0x1  }
0x40: {  	v9 =	vmul.f32 $2.000000030e-01, v8;
	_ =	sdelay $0x1  }
0x41: {  	v8 =	vmax.f32 v8, v9  }
0x42: {  	v8 =	vmul.f32 $1.442695020e+00, v8;
	_ =	sdelay $0x1  }
0x43: {  	(erf) = vpow2.f32 v8;
	_ =	sdelay $0x6  }
0x44: {  	v55 =	vld [tilespmem:s22+$0xFFFFFFC0]  }
0x45: {  	v10 =	vld [tilespmem:s22+$0xFFFFFFD0]  }
0x46: {  	v11 =	vld [tilespmem:s22+$0xFFFFFFE0];
	v12 =	vpop (erf)  }
0x47: {  	v8 =	vld [tilespmem:s22+$0xFFFFFFF0];
	v14 =	vperm.xlane v12, v0  }
0x48: {  	v17 =	vld [tilespmem:s22+$0x10];
	v15 =	vperm.xlane v12, v1  }
0x49: {  	v16 =	vld [tilespmem:s22+$0x0];
	v18 =	vperm.xlane v12, v2;
	v9 =	vmul.f32 v55, v14  }
0x4a: {  	v57 =	vld [tilespmem:s22+$0x20];
	[tilespmem:s22+$0x40] =	vst v12;
	v56 =	vperm.xlane v12, v3;
	v10 =	vmul.f32 v10, v15  }
0x4b: {  	v13 =	vld [tilespmem:s22+$0x30];
	v59 =	vperm.xlane v12, v5;
	v11 =	vmul.f32 v11, v18;
	[tilespmem:s22+$0xFFFFFFC0] =	vst v9  }
0x4c: {  	v58 =	vperm.xlane v12, v4;
	v8 =	vmul.f32 v8, v56;
	[tilespmem:s22+$0xFFFFFFD0] =	vst v10  }
0x4d: {  	v60 =	vperm.xlane v12, v6;
	v62 =	vmul.f32 v17, v59;
	[tilespmem:s22+$0xFFFFFFE0] =	vst v11  }
0x4e: {  	v61 =	vperm.xlane v12, v7;
	v9 =	vmul.f32 v16, v58;
	[tilespmem:s22+$0xFFFFFFF0] =	vst v8  }
0x4f: {  	v8 =	vmul.f32 v57, v60;
	[tilespmem:s22+$0x10] =	vst v62  }
0x50: {  	s20 =	sadd.s32 $0x1, s20;
	v63 =	vmul.f32 v13, v61;
	[tilespmem:s22+$0x0] =	vst v9  }
0x51: {  	p0 =	sne.s32 s20, $0x7D;
	[tilespmem:s23+$0x20] =	vst v8  }
.Ltmp1:
0x52: {  	[tilespmem:s23+$0x30] =	vst v63;
	(pc) =	sbr.rel @p0 .LBB2_2-.Ltmp1, $4  }
0x53: {  	[spmem:s2] =	stream.indirect.scatter.add.f32 [tilespmem:s15], [sflag:$0x2], $0x90, s21, s14, $0xb8;
	[tilespmem:$0x1E820] =	vst v63  }
0x54: {  	_ =	swait.ge [sflag:s12], $0x2D00  }
0x55: {  	[sflag:s12] =	ssyncset.done $0x0  }
0x56: {  	[sflag:s12] =	ssyncadd.s32 $0xFFFFD300  }
0x57: {  	s19 =	sadd.s32 $0x1, s19  }
0x58: {  	p0 =	sne.s32 s19, s10  }
.Ltmp2:
0x59: {  	[bflag:$0x0] =	sbarrier.arrive $0xFFFF;
	(pc) =	sbr.rel @p0 .LBB2_1-.Ltmp2, $4  }
0x5a: {  	[hbm:s18], [sflag:s7] =	dma.local [spmem:s11], $0x2D00  }
0x5b: {  	_ =	swait.ge [sflag:s12], $0x2D00  }
0x5c: {  	[sflag:s12] =	ssyncset.done $0x0  }
0x5d: {  	[sflag:s12] =	ssyncadd.s32 $0xFFFFD300  }
0x5e: {  	_ =	sfence.sel $0x180000  }
0x5f: {  	[bflag:$0x0] =	sbarrier.arrive $0xFFFF  }
0x60: {  	p0 =	sne.s32 s0, $0x0;
	_ =	strace $0x9000004A  }
0x61: {  	s0 =	sadd.s32 @!p0 $0x100000, s1;
	[bflag:$0x2] =	sbarrier.arrive $0xFFFF  }
0x62: {  	[sflag:s0] =	ssyncadd.tile.s32 @!p0 $0x1;
	_ =	shalt  }
.Lfunc_end2:
_tile_overlayer_lowered:
.L_overlay_start_2:
0x63: {  	(tag) =	ssettag $0x2  }
0x64: {  	s0 =	rddreg [dreg:$0x0];
	s2 =	stileid.u32  }
0x65: {  	s1 =	rddreg [dreg:$0x1];
	p0 =	sne.s32 s2, $0x0  }
0x66: {  	s3 =	rddreg [dreg:$0x2];
	[bflag:$0x3] =	sbarrier.arrive $0xFFFF;
	s2 =	simm.s32 @!p0 $0x1C02  }
0x67: {  	[timem:s3], [sflag:s2] =	dma.local @!p0 [hbm:s0], s1  }
0x68: {  	s0 =	simm.s32 @!p0 $0x2  }
0x69: {  	_ =	swait.ge @!p0 [sflag:s0], s1  }
0x6a: {  	s1 =	ssub.s32 @!p0 $0x0, s1;
	[sflag:s0] =	ssyncset.done @!p0 $0x0  }
0x6b: {  	[sflag:s0] =	ssyncadd.s32 @!p0 s1  }
0x6c: {  	[bflag:$0x3] =	sbarrier.arrive $0xFFFF  }
0x6d: {  	_ =	shalt  }

// kernel: kernel.16.cloned.1.call-start
scs
__scs_entry_jumppad:
0x0: {  	(pc) =	sbr.rel $0x88, $3  }
0x1: {  	(tag) =	ssettag $0x0;
	lr =	simm.s32 $0x1  }
0x2: {  	[smem:$0x3F92] =	sst lr;
	_ =	strace $0xD0000000  }
0x3: {  	_ = 	snop  }
0x4: {  	_ = 	snop  }
0x5: {  	_ = 	snop  }
0x6: {  	_ = 	snop  }
0x7: {  	_ = 	snop  }
__scs_overlays_trampoline_lowered:
0x8: {  	[smem:$0x3FA1] =	sst s0  }
0x9: {  	[smem:$0x3FA2] =	sst s1  }
0xa: {  	[smem:$0x3FA3] =	sst s2  }
0xb: {  	[smem:$0x3FA4] =	sst s3  }
0xc: {  	[smem:$0x3FA5] =	sst s4  }
0xd: {  	[smem:$0x3FA6] =	sst s5  }
0xe: {  	[smem:$0x3FA7] =	sst s6  }
0xf: {  	[smem:$0x3FA8] =	sst s7  }
0x10: {  	[smem:$0x3FA9] =	sst s8  }
0x11: {  	[smem:$0x3FAA] =	sst s9;
	s0 =	simm.s32 @!p0 $0x0  }
0x12: {  	s1 =	sld [smem:$0x3F90];
	s0 =	simm.s32 @p0 $0x1  }
0x13: {  	[smem:$0x3FAB] =	sst s0;
	s0 =	simm.s32 @!p1 $0x0  }
0x14: {  	s2 =	sld [smem:$0x3F8F];
	s0 =	simm.s32 @p1 $0x1  }
0x15: {  	[smem:$0x3FAC] =	sst s0;
	s0 =	simm.s32 @!p2 $0x0  }
0x16: {  	s3 =	sld [smem:$0x3FDB];
	s0 =	simm.s32 @p2 $0x1  }
0x17: {  	s4 =	simm.s32 $0x1BF5;
	[smem:$0x3FAE] =	sst s0  }
0x18: {  	s0 =	sld [smem:$0x3F91];
	_ =	swait.ge [sflag:s4], $0x0  }
0x19: {  	s7 =	sld [smem:$0x3F92]  }
0x1a: {  	s8 =	sadd.s32 $0xFFFFE003, lr  }
0x1b: {  	s9 =	sadd.s32 $0xFFFFFEF7, lr;
	s5 =	simm.s32 $0xFFFFFFFF;
	p2 =	slt.u32 s8, $0xFFFFF086  }
0x1c: {  	p1 =	slt.u32 s9, $0xF7A;
	s5 =	simm.s32 @!p2 $0x0  }
0x1d: {  	s5 =	simm.s32 @p1 $0x1;
	p0 =	seq.s32 s7, s2  }
0x1e: {  	s7 =	smul.u32 @!p0 $0xF7A, s2;
	p2 =	seq.s32 @!p0 s5, $0x0  }
0x1f: {  	s9 =	smul.u32 $0xF7A, s1;
	s8 =	simm.s32 @!p0 $0x1BF5;
	p2 =	por !p2, p0  }
0x20: {  	[sflag:s8] =	ssyncset.s32 @!p0 $0xFFFFF086;
	s6 =	sadd.s32 @!p0 s3, s7;
	s7 =	simm.s32 @!p0 $0x108  }
0x21: {  	s3 =	sadd.s32 s3, s9;
	s6 =	sadd.s32 @!p0 $0x88, s6;
	s7 =	simm.s32 @p2 $0x1082  }
0x22: {  	[simem:s7], [sflag:s8] =	dma.local @!p0 [hbm:s6], $0xF7A  }
0x23: {  	s9 =	sor.u32 $0xD0000000, s2;
	s6 =	simm.s32 $0x108;
	_ =	swait.ge @!p0 [sflag:s8], $0x0  }
0x24: {  	s3 =	sadd.s32 $0x88, s3;
	s6 =	simm.s32 @!p1 $0x1082;
	[sflag:s4] =	ssyncset.s32 $0xFFFFF086  }
0x25: {  	[simem:s6], [sflag:s4] =	dma.local [hbm:s3], $0xF7A  }
0x26: {  	[smem:$0x3F92] =	sst s1;
	(tag) =	ssettag s2;
	_ =	strace s9  }
0x27: {  	s1 =	sld [smem:$0x3FA2]  }
0x28: {  	s2 =	sld [smem:$0x3FA3]  }
0x29: {  	s4 =	sld [smem:$0x3FA5]  }
0x2a: {  	p0 =	seq.s32 s5, $0x0;
	s5 =	sld [smem:$0x3FA6]  }
0x2b: {  	s6 =	sld [smem:$0x3FA7]  }
0x2c: {  	s7 =	sld [smem:$0x3FA8]  }
0x2d: {  	s3 =	simm.s32 $0x108;
	s8 =	sld [smem:$0x3FA9]  }
0x2e: {  	s3 =	simm.s32 @!p0 $0x1082;
	s9 =	sld [smem:$0x3FAA]  }
0x2f: {  	lr =	sadd.s32 s0, s3;
	s0 =	sld [smem:$0x3FA1]  }
0x30: {  	s3 =	sld [smem:$0x3FA4]  }
0x31: {  	[smem:$0x3FAD] =	sst s10  }
0x32: {  	s10 =	sld [smem:$0x3FAB];
	_ =	sdelay $0x3  }
0x33: {  	p0 =	seq.s32 s10, $0x1;
	s10 =	sld [smem:$0x3FAD];
	_ =	sdelay $0x3  }
0x34: {  	[smem:$0x3FAD] =	sst s10  }
0x35: {  	s10 =	sld [smem:$0x3FAC];
	_ =	sdelay $0x3  }
0x36: {  	p1 =	seq.s32 s10, $0x1;
	s10 =	sld [smem:$0x3FAD];
	_ =	sdelay $0x3  }
0x37: {  	[smem:$0x3FAD] =	sst s10  }
0x38: {  	s10 =	sld [smem:$0x3FAE]  }
0x39: {  	_ = 	snop;
	(pc) =	sbr.ind lr, $3  }
0x3a: {  	_ = 	snop  }
0x3b: {  	_ = 	snop  }
0x3c: {  	p2 =	seq.s32 s10, $0x1;
	s10 =	sld [smem:$0x3FAD]  }
0x3d: {  	_ =	shalt  }
0x3e: {  	_ =	shalt  }
0x3f: {  	_ =	shalt  }
0x40: {  	_ =	shalt  }
0x41: {  	_ =	shalt  }
0x42: {  	_ =	shalt  }
0x43: {  	_ =	shalt  }
0x44: {  	_ =	shalt  }
0x45: {  	_ =	shalt  }
0x46: {  	_ =	shalt  }
0x47: {  	_ =	shalt  }
0x48: {  	_ =	shalt  }
0x49: {  	_ =	shalt  }
0x4a: {  	_ =	shalt  }
0x4b: {  	_ =	shalt  }
0x4c: {  	_ =	shalt  }
0x4d: {  	_ =	shalt  }
0x4e: {  	_ =	shalt  }
0x4f: {  	_ =	shalt  }
0x50: {  	_ =	shalt  }
0x51: {  	_ =	shalt  }
0x52: {  	_ =	shalt  }
0x53: {  	_ =	shalt  }
0x54: {  	_ =	shalt  }
0x55: {  	_ =	shalt  }
0x56: {  	_ =	shalt  }
0x57: {  	_ =	shalt  }
0x58: {  	_ =	shalt  }
0x59: {  	_ =	shalt  }
0x5a: {  	_ =	shalt  }
0x5b: {  	_ =	shalt  }
0x5c: {  	_ =	shalt  }
0x5d: {  	_ =	shalt  }
0x5e: {  	_ =	shalt  }
0x5f: {  	_ =	shalt  }
0x60: {  	_ =	shalt  }
0x61: {  	_ =	shalt  }
0x62: {  	_ =	shalt  }
0x63: {  	_ =	shalt  }
0x64: {  	_ =	shalt  }
0x65: {  	_ =	shalt  }
0x66: {  	_ =	shalt  }
0x67: {  	_ =	shalt  }
0x68: {  	_ =	shalt  }
0x69: {  	_ =	shalt  }
0x6a: {  	_ =	shalt  }
0x6b: {  	_ =	shalt  }
0x6c: {  	_ =	shalt  }
0x6d: {  	_ =	shalt  }
0x6e: {  	_ =	shalt  }
0x6f: {  	_ =	shalt  }
0x70: {  	_ =	shalt  }
0x71: {  	_ =	shalt  }
0x72: {  	_ =	shalt  }
0x73: {  	_ =	shalt  }
0x74: {  	_ =	shalt  }
0x75: {  	_ =	shalt  }
0x76: {  	_ =	shalt  }
0x77: {  	_ =	shalt  }
0x78: {  	_ =	shalt  }
0x79: {  	_ =	shalt  }
0x7a: {  	_ =	shalt  }
0x7b: {  	_ =	shalt  }
0x7c: {  	_ =	shalt  }
0x7d: {  	_ =	shalt  }
0x7e: {  	_ =	shalt  }
0x7f: {  	_ =	shalt  }
0x80: {  	_ =	shalt  }
0x81: {  	_ =	shalt  }
0x82: {  	_ =	shalt  }
0x83: {  	_ =	shalt  }
0x84: {  	_ =	shalt  }
0x85: {  	_ =	shalt  }
0x86: {  	_ =	shalt  }
0x87: {  	_ =	shalt  }
.Lfunc_end0:
.L_simem_size_0:
called_computation.2_lowered:
.L_overlay_start_0:
0x88: {  	s2 =	sld [smem:$0x3FD9]  }
0x89: {  	s3 =	sld [smem:$0x3FFE];
	_ =	sdelay $0x1  }
0x8a: {  	s1 =	srdreg.scid  }
0x8b: {  	s0 =	sand.u32 $0x1, s1  }
0x8c: {  	s17 =	sshll.u32 s0, $0xA;
	s2 =	sadd.s32 s3, s2  }
0x8d: {  	s2 =	sadd.s32 s2, s17  }
0x8e: {  	[smem:$0x3FB9] =	sst s2  }
0x8f: {  	_ = 	snop  }
0x90: {  	s2 =	sld [smem:$0x3FD0];
	(tm) =	ssettm $0x1  }
0x91: {  	s18 =	sld [smem:$0x3FFB];
	_ =	sdelay $0x3  }
0x92: {  	_ =	strace s18  }
0x93: {  	s3 =	sld [smem:$0x3FFC];
	_ =	sdelay $0x3  }
0x94: {  	_ =	strace s3  }
0x95: {  	s3 =	sld [smem:$0x3FFD];
	_ =	sdelay $0x3  }
0x96: {  	_ =	strace s3  }
0x97: {  	_ =	strace $0x8FFFFFFF  }
0x98: {  	s19 =	sld [smem:$0x3FDB];
	_ =	sdelay $0x1  }
0x99: {  	s4 =	simm.s32 $_scs_section_size  }
0x9a: {  	s5 =	simm.s32 $_size__tile_overlayer_lowered;
	s6 =	simm.s32 $_tile_overlayer_lowered  }
0x9b: {  	s22 =	simm.s32 $0x1BFF;
	s21 =	sshll.u32 s6, $0x1;
	s3 =	sadd.s32 s4, s19  }
0x9c: {  	s7 =	simm.s32 $0x0;
	s20 =	sshll.u32 s5, $0x1;
	s5 =	sadd.s32 s21, s3  }
0x9d: {  	[timem:s7], [sflag:s22] =	dma.local [hbm:s5], s20  }
0x9e: {  	_ =	swait.ge [sflag:s22], s20  }
0x9f: {  	s4 =	ssub.s32 $0x0, s20;
	[sflag:s22] =	ssyncset.done $0x0  }
0xa0: {  	[sflag:s22] =	ssyncadd.s32 s4;
	_ =	sdelay $0x1  }
0xa1: {  	s23 =	simm.s32 $0x1B8B  }
0xa2: {  	_ =	swait.ge [sflag:s23], $0x1  }
0xa3: {  	[sflag:s23] =	ssyncset.done $0x0  }
0xa4: {  	s25 =	simm.s32 $0x1B8E;
	s24 =	sld [smem:$0x3FFE];
	[sflag:s23] =	ssyncadd.s32 $0xFFFFFFFF  }
0xa5: {  	s26 =	simm.s32 $execute0_lowered;
	[smem:$0x3FD2] =	sst s25  }
0xa6: {  	s5 =	sshll.u32 s26, $0x1;
	_ =	strace $0x8000004C;
	[dreg:$0x1] =	wrdreg $0xFFFFFFFF  }
0xa7: {  	s28 =	simm.s32 $_size_execute0_lowered;
	s3 =	sadd.s32 s3, s5;
	[dreg:$0x0] =	wrdreg $0x0  }
0xa8: {  	s5 =	sshll.u32 s28, $0x1;
	[dreg:$0x2] =	wrdreg s3  }
0xa9: {  	[dreg:$0x3] =	wrdreg s5  }
0xaa: {  	[dreg:$0x4] =	wrdreg $0xC0  }
0xab: {  	_ =	task [dreg:s7], $0x5FFFF  }
0xac: {  	[dreg:$0x1] =	wrdreg $0xFFFFFFFF  }
0xad: {  	[dreg:$0x0] =	wrdreg $0x60  }
0xae: {  	[dreg:$0x2] =	wrdreg s24  }
0xaf: {  	[dreg:$0x3] =	wrdreg s2  }
0xb0: {  	[dreg:$0x4] =	wrdreg $0x80200  }
0xb1: {  	[dreg:$0x5] =	wrdreg $0x9  }
0xb2: {  	_ =	task.clear_ibuf [dreg:s7], $0x6FFFF;
	_ =	strace $0x9000004C  }
0xb3: {  	s29 =	simm.s32 $0x9;
	_ =	strace $0x8000004E  }
0xb4: {  	_ =	swait.ge [sflag:s29], $0x1  }
0xb5: {  	[sflag:s29] =	ssyncadd.s32 $0xFFFFFFFF  }
0xb6: {  	_ =	strace $0x9000004E  }
0xb7: {  	_ =	sfence  }
0xb8: {  	s30 =	sld [smem:$0x0];
	_ =	sdelay $0x2  }
0xb9: {  	s31 =	sshll.u32 s1, $0xD;
	s1 =	sshrl.u32 s1, $0x2  }
0xba: {  	s3 =	sand.u32 $0x4000, s31;
	s1 =	sadd.s32 s1, s30  }
0xbb: {  	s0 =	sor.u32 s3, s0;
	s1 =	sshll.u32 s1, $0x11  }
0xbc: {  	s0 =	sor.u32 s1, s0  }
0xbd: {  	s0 =	sadd.s32 $0x8F2B, s0  }
0xbe: {  	[sflag:s0] =	ssyncadd.remote.s32 $0x1  }
0xbf: {  	_ =	sfence.sel $0xFFFF  }
0xc0: {  	[dreg:$0x0] =	wrdreg $0xFFFFFFFF;
	(pc) =	sbr.abs _section_cstart, $3  }
0xc1: {  	[dreg:$0x1] =	wrdreg $0xFFFFFFFF  }
0xc2: {  	_ =	task.clear_ibuf [dreg:s7], $0x2FFFF;
	_ =	strace $0x9FFFFFFF  }
0xc3: {  	(tm) =	ssettm $0x7FFFFFFF  }
tec
execute0_lowered:
.L_overlay_start_1:
0x0: {  	(tag) =	ssettag $0x1  }
0x1: {  	s6 =	rddreg [dreg:$0x0]  }
0x2: {  	s9 =	rddreg [dreg:$0x1];
	s1 =	srdreg.scid  }
0x3: {  	s0 =	stileid.u32;
	s2 =	rddreg [dreg:$0x2]  }
0x4: {  	s3 =	simm.s32 $0x0;
	s16 =	simm.s32 $0x1;
	s17 =	simm.s32 $0x7B20  }
0x5: {  	s7 =	sand.u32 $0x1, s1;
	s4 =	sshll.u32 s0, $0x1;
	s1 =	rddreg [dreg:$0x3]  }
0x6: {  	[smem:$0x7FF] =	sst s3;
	s8 =	smul.u32 $0x16800, s0;
	s5 =	sadd.s32 $0x2600, s6  }
0x7: {  	s31 =	sshll.u32 s0, $0x6;
	s4 =	sor.u32 s7, s4;
	s11 =	smul.u32 $0x2D000, s7  }
0x8: {  	_ =	strace $0x8000004D;
	s7 =	ssub.s32 $0x2, s7;
	s10 =	smul.u32 $0x4E2, s4  }
0x9: {  	s4 =	sadd.s32 $0x34A00, s6;
	s18 =	sshrl.u32 s8, $0x3;
	s30 =	sshrl.u32 s7, $0x1  }
0xa: {  	s15 =	sadd.s32 s8, s2;
	s13 =	sadd.s32 s18, s6;
	s11 =	sadd.s32 s11, s6  }
0xb: {  	s14 =	ssub.s32 s7, s30;
	s7 =	sor.u32 $0x1C02, s31;
	s12 =	sadd.s32 s10, s6  }
0xc: {  	s6 =	sadd.s32 $0x61A00, s13;
	s9 =	sadd.s32 s9, s10;
	s19 =	sadd.s32 $0x8EA00, s11  }
0xd: {  	v0 =	vimm.s32 $0x0;
	v1 =	vimm.s32 $0x1;
	s10 =	smax.u32 s14, $0x1;
	s11 =	sshrl.u32 s15, $0x3;
	s13 =	simm.s32 $0x2710  }
0xe: {  	v2 =	vimm.s32 $0x2;
	v3 =	vimm.s32 $0x3;
	v4 =	vimm.s32 $0x4;
	s14 =	simm.s32 $0x50;
	s15 =	simm.s32 $0x4E20;
	s8 =	sadd.s32 $0x2AC00, s12  }
0xf: {  	v5 =	vimm.s32 $0x5;
	v6 =	vimm.s32 $0x6;
	v7 =	vimm.s32 $0x7;
	s12 =	simm.s32 $0x2;
	s18 =	sadd.s32 s18, s19;
	s19 =	simm.s32 $0x0  }
.LBB2_1:
0x10: {  	[spmem:s11], [sflag:s7] =	dma.local [hbm:s6], $0x2D00  }
0x11: {  	_ =	swait.ge [sflag:s12], $0x2D00  }
0x12: {  	[sflag:s12] =	ssyncset.done $0x0  }
0x13: {  	[sflag:s12] =	ssyncadd.s32 $0xFFFFD300  }
0x14: {  	[tilespmem:s3], [sflag:$0x2] =	stream.linear.gather [hbm4b:s8+s3], $0x2710, $0x38;
	[tilespmem:$0x1E820] =	vst v63  }
0x15: {  	_ =	swait.ge [sflag:s12], $0x2710  }
0x16: {  	[sflag:s12] =	ssyncset.done $0x0  }
0x17: {  	[sflag:s12] =	ssyncadd.s32 $0xFFFFD8F0  }
0x18: {  	[tilespmem:s13], [sflag:$0x2] =	stream.linear.gather [hbm4b:s9+s3], $0x2710, $0x38;
	[tilespmem:$0x1E820] =	vst v63  }
0x19: {  	_ =	swait.ge [sflag:s12], $0x2710  }
0x1a: {  	[sflag:s12] =	ssyncset.done $0x0  }
0x1b: {  	[sflag:s12] =	ssyncadd.s32 $0xFFFFD8F0  }
0x1c: {  	s20 =	simm.s32 $0x0;
	[bflag:$0x0] =	sbarrier.arrive $0xFFFF  }
.LBB2_2:
0x1d: {  	s21 =	smul.u32 $0x50, s20;
	_ =	sdelay $0x1  }
0x1e: {  	[tilespmem:s15], [sflag:$0x1] =	stream.indirect.gather [hbm4b:s4+s14], $0x90, s21, s14, $0xb8;
	[tilespmem:$0x1E820] =	vst v63  }
0x1f: {  	_ =	swait.ge [sflag:s16], $0x2D00  }
0x20: {  	[sflag:s16] =	ssyncset.done $0x0  }
0x21: {  	s21 =	sadd.s32 $0x2710, s21;
	[sflag:s16] =	ssyncadd.s32 $0xFFFFD300  }
0x22: {  	[tilespmem:s17], [sflag:$0x1] =	stream.indirect.gather [hbm4b:s5+s14], $0x10, s21, s14, $0xb8;
	[tilespmem:$0x1E820] =	vst v63  }
0x23: {  	_ =	swait.ge [sflag:s16], $0x500  }
0x24: {  	[sflag:s16] =	ssyncset.done $0x0  }
0x25: {  	s22 =	simm.s32 $0x4E60;
	[sflag:s16] =	ssyncadd.s32 $0xFFFFFB00  }
0x26: {  	s25 =	simm.s32 $0x0;
	s24 =	simm.s32 $0x40;
	s23 =	simm.s32 $0x4E60;
	v8 =	vld [tilespmem:s22+$0x40]  }
.LBB2_3:
0x27: {  	p0 =	sne.s32 s24, $0x13C0;
	v9 =	vld [tilespmem:s25+$0x7B20];
	_ =	sdelay $0x4  }
0x28: {  	v8 =	vadd.f32 v9, v8;
	_ =	sdelay $0x1  }
0x29: {  	v9 =	vmul.f32 $2.000000030e-01, v8;
	_ =	sdelay $0x1  }
0x2a: {  	v8 =	vmax.f32 v8, v9  }
0x2b: {  	v8 =	vmul.f32 $1.442695020e+00, v8;
	_ =	sdelay $0x1  }
0x2c: {  	(erf) = vpow2.f32 v8;
	_ =	sdelay $0x4  }
0x2d: {  	v8 =	vld [tilespmem:s22+$0xFFFFFFF0]  }
0x2e: {  	v9 =	vld [tilespmem:s22+$0xFFFFFFD0]  }
0x2f: {  	v10 =	vld [tilespmem:s22+$0xFFFFFFC0]  }
0x30: {  	v11 =	vld [tilespmem:s22+$0xFFFFFFE0]  }
0x31: {  	v12 =	vld [tilespmem:s22+$0x30];
	v13 =	vpop (erf)  }
0x32: {  	[tilespmem:s22+$0x40] =	vst v13;
	v14 =	vperm.xlane v13, v0;
	v15 =	vperm.xlane v13, v1;
	v16 =	vld [tilespmem:s22+$0x10]  }
0x33: {  	v17 =	vperm.xlane v13, v2;
	v18 =	vperm.xlane v13, v3;
	v19 =	vld [tilespmem:s22+$0x0]  }
0x34: {  	v10 =	vmul.f32 v10, v14;
	v9 =	vmul.f32 v9, v15;
	v14 =	vld [tilespmem:s22+$0x20]  }
0x35: {  	v8 =	vmul.f32 v8, v18;
	v11 =	vmul.f32 v11, v17  }
0x36: {  	v15 =	vperm.xlane v13, v5;
	[tilespmem:s22+$0xFFFFFFC0] =	vst v10;
	v10 =	vperm.xlane v13, v4  }
0x37: {  	[tilespmem:s22+$0xFFFFFFD0] =	vst v9;
	v9 =	vperm.xlane v13, v6;
	v13 =	vperm.xlane v13, v7  }
0x38: {  	[tilespmem:s22+$0xFFFFFFE0] =	vst v11;
	v10 =	vmul.f32 v19, v10;
	v11 =	vmul.f32 v16, v15  }
.Ltmp0:
0x39: {  	[tilespmem:s22+$0xFFFFFFF0] =	vst v8;
	v8 =	vmul.f32 v14, v9;
	v9 =	vmul.f32 v12, v13;
	(pc) =	sbr.rel @p0 .LBB2_3-.Ltmp0, $4  }
0x3a: {  	[tilespmem:s22+$0x0] =	vst v10  }
0x3b: {  	[tilespmem:s22+$0x10] =	vst v11  }
0x3c: {  	s22 =	sadd.s32 $0x90, s22;
	[tilespmem:s23+$0x20] =	vst v8  }
0x3d: {  	s25 =	sshra.s32 s24, $0x2;
	s24 =	sadd.s32 $0x40, s24;
	v8 =	vld [tilespmem:s22+$0x40];
	[tilespmem:s23+$0x30] =	vst v9;
	s23 =	smov.u32 s22  }
0x3e: {  	v9 =	vld [tilespmem:s25+$0x7B20];
	_ =	sdelay $0x4  }
0x3f: {  	v8 =	vadd.f32 v9, v8;
	_ =	sdelay $0x1  }
0x40: {  	v9 =	vmul.f32 $2.000000030e-01, v8;
	_ =	sdelay $0x1  }
0x41: {  	v8 =	vmax.f32 v8, v9  }
0x42: {  	v8 =	vmul.f32 $1.442695020e+00, v8;
	_ =	sdelay $0x1  }
0x43: {  	(erf) = vpow2.f32 v8;
	_ =	sdelay $0x6  }
0x44: {  	v55 =	vld [tilespmem:s22+$0xFFFFFFC0]  }
0x45: {  	v10 =	vld [tilespmem:s22+$0xFFFFFFD0]  }
0x46: {  	v11 =	vld [tilespmem:s22+$0xFFFFFFE0];
	v12 =	vpop (erf)  }
0x47: {  	v8 =	vld [tilespmem:s22+$0xFFFFFFF0];
	v14 =	vperm.xlane v12, v0  }
0x48: {  	v17 =	vld [tilespmem:s22+$0x10];
	v15 =	vperm.xlane v12, v1  }
0x49: {  	v16 =	vld [tilespmem:s22+$0x0];
	v18 =	vperm.xlane v12, v2;
	v9 =	vmul.f32 v55, v14  }
0x4a: {  	v57 =	vld [tilespmem:s22+$0x20];
	[tilespmem:s22+$0x40] =	vst v12;
	v56 =	vperm.xlane v12, v3;
	v10 =	vmul.f32 v10, v15  }
0x4b: {  	v13 =	vld [tilespmem:s22+$0x30];
	v59 =	vperm.xlane v12, v5;
	v11 =	vmul.f32 v11, v18;
	[tilespmem:s22+$0xFFFFFFC0] =	vst v9  }
0x4c: {  	v58 =	vperm.xlane v12, v4;
	v8 =	vmul.f32 v8, v56;
	[tilespmem:s22+$0xFFFFFFD0] =	vst v10  }
0x4d: {  	v60 =	vperm.xlane v12, v6;
	v62 =	vmul.f32 v17, v59;
	[tilespmem:s22+$0xFFFFFFE0] =	vst v11  }
0x4e: {  	v61 =	vperm.xlane v12, v7;
	v9 =	vmul.f32 v16, v58;
	[tilespmem:s22+$0xFFFFFFF0] =	vst v8  }
0x4f: {  	v8 =	vmul.f32 v57, v60;
	[tilespmem:s22+$0x10] =	vst v62  }
0x50: {  	s20 =	sadd.s32 $0x1, s20;
	v63 =	vmul.f32 v13, v61;
	[tilespmem:s22+$0x0] =	vst v9  }
0x51: {  	p0 =	sne.s32 s20, $0x7D;
	[tilespmem:s23+$0x20] =	vst v8  }
.Ltmp1:
0x52: {  	[tilespmem:s23+$0x30] =	vst v63;
	(pc) =	sbr.rel @p0 .LBB2_2-.Ltmp1, $4  }
0x53: {  	[spmem:s2] =	stream.indirect.scatter.add.f32 [tilespmem:s15], [sflag:$0x2], $0x90, s21, s14, $0xb8;
	[tilespmem:$0x1E820] =	vst v63  }
0x54: {  	_ =	swait.ge [sflag:s12], $0x2D00  }
0x55: {  	[sflag:s12] =	ssyncset.done $0x0  }
0x56: {  	[sflag:s12] =	ssyncadd.s32 $0xFFFFD300  }
0x57: {  	s19 =	sadd.s32 $0x1, s19  }
0x58: {  	p0 =	sne.s32 s19, s10  }
.Ltmp2:
0x59: {  	[bflag:$0x0] =	sbarrier.arrive $0xFFFF;
	(pc) =	sbr.rel @p0 .LBB2_1-.Ltmp2, $4  }
0x5a: {  	[hbm:s18], [sflag:s7] =	dma.local [spmem:s11], $0x2D00  }
0x5b: {  	_ =	swait.ge [sflag:s12], $0x2D00  }
0x5c: {  	[sflag:s12] =	ssyncset.done $0x0  }
0x5d: {  	[sflag:s12] =	ssyncadd.s32 $0xFFFFD300  }
0x5e: {  	_ =	sfence.sel $0x180000  }
0x5f: {  	[bflag:$0x0] =	sbarrier.arrive $0xFFFF  }
0x60: {  	p0 =	sne.s32 s0, $0x0;
	_ =	strace $0x9000004D  }
0x61: {  	s0 =	sadd.s32 @!p0 $0x100000, s1;
	[bflag:$0x2] =	sbarrier.arrive $0xFFFF  }
0x62: {  	[sflag:s0] =	ssyncadd.tile.s32 @!p0 $0x1;
	_ =	shalt  }
.Lfunc_end2:
_tile_overlayer_lowered:
.L_overlay_start_2:
0x63: {  	(tag) =	ssettag $0x2  }
0x64: {  	s0 =	rddreg [dreg:$0x0];
	s2 =	stileid.u32  }
0x65: {  	s1 =	rddreg [dreg:$0x1];
	p0 =	sne.s32 s2, $0x0  }
0x66: {  	s3 =	rddreg [dreg:$0x2];
	[bflag:$0x3] =	sbarrier.arrive $0xFFFF;
	s2 =	simm.s32 @!p0 $0x1C02  }
0x67: {  	[timem:s3], [sflag:s2] =	dma.local @!p0 [hbm:s0], s1  }
0x68: {  	s0 =	simm.s32 @!p0 $0x2  }
0x69: {  	_ =	swait.ge @!p0 [sflag:s0], s1  }
0x6a: {  	s1 =	ssub.s32 @!p0 $0x0, s1;
	[sflag:s0] =	ssyncset.done @!p0 $0x0  }
0x6b: {  	[sflag:s0] =	ssyncadd.s32 @!p0 s1  }
0x6c: {  	[bflag:$0x3] =	sbarrier.arrive $0xFFFF  }
0x6d: {  	_ =	shalt  }

// kernel: kernel.19.cloned.1.call-start
scs
__scs_entry_jumppad:
0x0: {  	(pc) =	sbr.rel $0x88, $3  }
0x1: {  	(tag) =	ssettag $0x0;
	lr =	simm.s32 $0x1  }
0x2: {  	[smem:$0x3F92] =	sst lr;
	_ =	strace $0xD0000000  }
0x3: {  	_ = 	snop  }
0x4: {  	_ = 	snop  }
0x5: {  	_ = 	snop  }
0x6: {  	_ = 	snop  }
0x7: {  	_ = 	snop  }
__scs_overlays_trampoline_lowered:
0x8: {  	[smem:$0x3FA1] =	sst s0  }
0x9: {  	[smem:$0x3FA2] =	sst s1  }
0xa: {  	[smem:$0x3FA3] =	sst s2  }
0xb: {  	[smem:$0x3FA4] =	sst s3  }
0xc: {  	[smem:$0x3FA5] =	sst s4  }
0xd: {  	[smem:$0x3FA6] =	sst s5  }
0xe: {  	[smem:$0x3FA7] =	sst s6  }
0xf: {  	[smem:$0x3FA8] =	sst s7  }
0x10: {  	[smem:$0x3FA9] =	sst s8  }
0x11: {  	[smem:$0x3FAA] =	sst s9;
	s0 =	simm.s32 @!p0 $0x0  }
0x12: {  	s1 =	sld [smem:$0x3F90];
	s0 =	simm.s32 @p0 $0x1  }
0x13: {  	[smem:$0x3FAB] =	sst s0;
	s0 =	simm.s32 @!p1 $0x0  }
0x14: {  	s2 =	sld [smem:$0x3F8F];
	s0 =	simm.s32 @p1 $0x1  }
0x15: {  	[smem:$0x3FAC] =	sst s0;
	s0 =	simm.s32 @!p2 $0x0  }
0x16: {  	s3 =	sld [smem:$0x3FDB];
	s0 =	simm.s32 @p2 $0x1  }
0x17: {  	s4 =	simm.s32 $0x1BF5;
	[smem:$0x3FAE] =	sst s0  }
0x18: {  	s0 =	sld [smem:$0x3F91];
	_ =	swait.ge [sflag:s4], $0x0  }
0x19: {  	s7 =	sld [smem:$0x3F92]  }
0x1a: {  	s8 =	sadd.s32 $0xFFFFE003, lr  }
0x1b: {  	s9 =	sadd.s32 $0xFFFFFEF7, lr;
	s5 =	simm.s32 $0xFFFFFFFF;
	p2 =	slt.u32 s8, $0xFFFFF086  }
0x1c: {  	p1 =	slt.u32 s9, $0xF7A;
	s5 =	simm.s32 @!p2 $0x0  }
0x1d: {  	s5 =	simm.s32 @p1 $0x1;
	p0 =	seq.s32 s7, s2  }
0x1e: {  	s7 =	smul.u32 @!p0 $0xF7A, s2;
	p2 =	seq.s32 @!p0 s5, $0x0  }
0x1f: {  	s9 =	smul.u32 $0xF7A, s1;
	s8 =	simm.s32 @!p0 $0x1BF5;
	p2 =	por !p2, p0  }
0x20: {  	[sflag:s8] =	ssyncset.s32 @!p0 $0xFFFFF086;
	s6 =	sadd.s32 @!p0 s3, s7;
	s7 =	simm.s32 @!p0 $0x108  }
0x21: {  	s3 =	sadd.s32 s3, s9;
	s6 =	sadd.s32 @!p0 $0x88, s6;
	s7 =	simm.s32 @p2 $0x1082  }
0x22: {  	[simem:s7], [sflag:s8] =	dma.local @!p0 [hbm:s6], $0xF7A  }
0x23: {  	s9 =	sor.u32 $0xD0000000, s2;
	s6 =	simm.s32 $0x108;
	_ =	swait.ge @!p0 [sflag:s8], $0x0  }
0x24: {  	s3 =	sadd.s32 $0x88, s3;
	s6 =	simm.s32 @!p1 $0x1082;
	[sflag:s4] =	ssyncset.s32 $0xFFFFF086  }
0x25: {  	[simem:s6], [sflag:s4] =	dma.local [hbm:s3], $0xF7A  }
0x26: {  	[smem:$0x3F92] =	sst s1;
	(tag) =	ssettag s2;
	_ =	strace s9  }
0x27: {  	s1 =	sld [smem:$0x3FA2]  }
0x28: {  	s2 =	sld [smem:$0x3FA3]  }
0x29: {  	s4 =	sld [smem:$0x3FA5]  }
0x2a: {  	p0 =	seq.s32 s5, $0x0;
	s5 =	sld [smem:$0x3FA6]  }
0x2b: {  	s6 =	sld [smem:$0x3FA7]  }
0x2c: {  	s7 =	sld [smem:$0x3FA8]  }
0x2d: {  	s3 =	simm.s32 $0x108;
	s8 =	sld [smem:$0x3FA9]  }
0x2e: {  	s3 =	simm.s32 @!p0 $0x1082;
	s9 =	sld [smem:$0x3FAA]  }
0x2f: {  	lr =	sadd.s32 s0, s3;
	s0 =	sld [smem:$0x3FA1]  }
0x30: {  	s3 =	sld [smem:$0x3FA4]  }
0x31: {  	[smem:$0x3FAD] =	sst s10  }
0x32: {  	s10 =	sld [smem:$0x3FAB];
	_ =	sdelay $0x3  }
0x33: {  	p0 =	seq.s32 s10, $0x1;
	s10 =	sld [smem:$0x3FAD];
	_ =	sdelay $0x3  }
0x34: {  	[smem:$0x3FAD] =	sst s10  }
0x35: {  	s10 =	sld [smem:$0x3FAC];
	_ =	sdelay $0x3  }
0x36: {  	p1 =	seq.s32 s10, $0x1;
	s10 =	sld [smem:$0x3FAD];
	_ =	sdelay $0x3  }
0x37: {  	[smem:$0x3FAD] =	sst s10  }
0x38: {  	s10 =	sld [smem:$0x3FAE]  }
0x39: {  	_ = 	snop;
	(pc) =	sbr.ind lr, $3  }
0x3a: {  	_ = 	snop  }
0x3b: {  	_ = 	snop  }
0x3c: {  	p2 =	seq.s32 s10, $0x1;
	s10 =	sld [smem:$0x3FAD]  }
0x3d: {  	_ =	shalt  }
0x3e: {  	_ =	shalt  }
0x3f: {  	_ =	shalt  }
0x40: {  	_ =	shalt  }
0x41: {  	_ =	shalt  }
0x42: {  	_ =	shalt  }
0x43: {  	_ =	shalt  }
0x44: {  	_ =	shalt  }
0x45: {  	_ =	shalt  }
0x46: {  	_ =	shalt  }
0x47: {  	_ =	shalt  }
0x48: {  	_ =	shalt  }
0x49: {  	_ =	shalt  }
0x4a: {  	_ =	shalt  }
0x4b: {  	_ =	shalt  }
0x4c: {  	_ =	shalt  }
0x4d: {  	_ =	shalt  }
0x4e: {  	_ =	shalt  }
0x4f: {  	_ =	shalt  }
0x50: {  	_ =	shalt  }
0x51: {  	_ =	shalt  }
0x52: {  	_ =	shalt  }
0x53: {  	_ =	shalt  }
0x54: {  	_ =	shalt  }
0x55: {  	_ =	shalt  }
0x56: {  	_ =	shalt  }
0x57: {  	_ =	shalt  }
0x58: {  	_ =	shalt  }
0x59: {  	_ =	shalt  }
0x5a: {  	_ =	shalt  }
0x5b: {  	_ =	shalt  }
0x5c: {  	_ =	shalt  }
0x5d: {  	_ =	shalt  }
0x5e: {  	_ =	shalt  }
0x5f: {  	_ =	shalt  }
0x60: {  	_ =	shalt  }
0x61: {  	_ =	shalt  }
0x62: {  	_ =	shalt  }
0x63: {  	_ =	shalt  }
0x64: {  	_ =	shalt  }
0x65: {  	_ =	shalt  }
0x66: {  	_ =	shalt  }
0x67: {  	_ =	shalt  }
0x68: {  	_ =	shalt  }
0x69: {  	_ =	shalt  }
0x6a: {  	_ =	shalt  }
0x6b: {  	_ =	shalt  }
0x6c: {  	_ =	shalt  }
0x6d: {  	_ =	shalt  }
0x6e: {  	_ =	shalt  }
0x6f: {  	_ =	shalt  }
0x70: {  	_ =	shalt  }
0x71: {  	_ =	shalt  }
0x72: {  	_ =	shalt  }
0x73: {  	_ =	shalt  }
0x74: {  	_ =	shalt  }
0x75: {  	_ =	shalt  }
0x76: {  	_ =	shalt  }
0x77: {  	_ =	shalt  }
0x78: {  	_ =	shalt  }
0x79: {  	_ =	shalt  }
0x7a: {  	_ =	shalt  }
0x7b: {  	_ =	shalt  }
0x7c: {  	_ =	shalt  }
0x7d: {  	_ =	shalt  }
0x7e: {  	_ =	shalt  }
0x7f: {  	_ =	shalt  }
0x80: {  	_ =	shalt  }
0x81: {  	_ =	shalt  }
0x82: {  	_ =	shalt  }
0x83: {  	_ =	shalt  }
0x84: {  	_ =	shalt  }
0x85: {  	_ =	shalt  }
0x86: {  	_ =	shalt  }
0x87: {  	_ =	shalt  }
.Lfunc_end0:
.L_simem_size_0:
called_computation.3_lowered:
.L_overlay_start_0:
0x88: {  	s2 =	sld [smem:$0x3FD9]  }
0x89: {  	s3 =	sld [smem:$0x3FFE];
	_ =	sdelay $0x1  }
0x8a: {  	s1 =	srdreg.scid  }
0x8b: {  	s0 =	sand.u32 $0x1, s1  }
0x8c: {  	s17 =	sshll.u32 s0, $0xA;
	s2 =	sadd.s32 s3, s2  }
0x8d: {  	s2 =	sadd.s32 s2, s17  }
0x8e: {  	[smem:$0x3FB9] =	sst s2  }
0x8f: {  	_ = 	snop  }
0x90: {  	s2 =	sld [smem:$0x3FD0];
	(tm) =	ssettm $0x1  }
0x91: {  	s18 =	sld [smem:$0x3FFB];
	_ =	sdelay $0x3  }
0x92: {  	_ =	strace s18  }
0x93: {  	s3 =	sld [smem:$0x3FFC];
	_ =	sdelay $0x3  }
0x94: {  	_ =	strace s3  }
0x95: {  	s3 =	sld [smem:$0x3FFD];
	_ =	sdelay $0x3  }
0x96: {  	_ =	strace s3  }
0x97: {  	_ =	strace $0x8FFFFFFF  }
0x98: {  	s19 =	sld [smem:$0x3FDB];
	_ =	sdelay $0x1  }
0x99: {  	s4 =	simm.s32 $_scs_section_size  }
0x9a: {  	s5 =	simm.s32 $_size__tile_overlayer_lowered;
	s6 =	simm.s32 $_tile_overlayer_lowered  }
0x9b: {  	s22 =	simm.s32 $0x1BFF;
	s21 =	sshll.u32 s6, $0x1;
	s3 =	sadd.s32 s4, s19  }
0x9c: {  	s7 =	simm.s32 $0x0;
	s20 =	sshll.u32 s5, $0x1;
	s5 =	sadd.s32 s21, s3  }
0x9d: {  	[timem:s7], [sflag:s22] =	dma.local [hbm:s5], s20  }
0x9e: {  	_ =	swait.ge [sflag:s22], s20  }
0x9f: {  	s4 =	ssub.s32 $0x0, s20;
	[sflag:s22] =	ssyncset.done $0x0  }
0xa0: {  	[sflag:s22] =	ssyncadd.s32 s4;
	_ =	sdelay $0x1  }
0xa1: {  	s23 =	simm.s32 $0x1B8B  }
0xa2: {  	_ =	swait.ge [sflag:s23], $0x1  }
0xa3: {  	[sflag:s23] =	ssyncset.done $0x0  }
0xa4: {  	s25 =	simm.s32 $0x1B8E;
	s24 =	sld [smem:$0x3FFE];
	[sflag:s23] =	ssyncadd.s32 $0xFFFFFFFF  }
0xa5: {  	s26 =	simm.s32 $execute0_lowered;
	[smem:$0x3FD2] =	sst s25  }
0xa6: {  	s5 =	sshll.u32 s26, $0x1;
	_ =	strace $0x8000004F;
	[dreg:$0x1] =	wrdreg $0xFFFFFFFF  }
0xa7: {  	s28 =	simm.s32 $_size_execute0_lowered;
	s3 =	sadd.s32 s3, s5;
	[dreg:$0x0] =	wrdreg $0x0  }
0xa8: {  	s5 =	sshll.u32 s28, $0x1;
	[dreg:$0x2] =	wrdreg s3  }
0xa9: {  	[dreg:$0x3] =	wrdreg s5  }
0xaa: {  	[dreg:$0x4] =	wrdreg $0xC0  }
0xab: {  	_ =	task [dreg:s7], $0x5FFFF  }
0xac: {  	[dreg:$0x1] =	wrdreg $0xFFFFFFFF  }
0xad: {  	[dreg:$0x0] =	wrdreg $0x60  }
0xae: {  	[dreg:$0x2] =	wrdreg s24  }
0xaf: {  	[dreg:$0x3] =	wrdreg s2  }
0xb0: {  	[dreg:$0x4] =	wrdreg $0x67200  }
0xb1: {  	[dreg:$0x5] =	wrdreg $0x9  }
0xb2: {  	_ =	task.clear_ibuf [dreg:s7], $0x6FFFF;
	_ =	strace $0x9000004F  }
0xb3: {  	s29 =	simm.s32 $0x9;
	_ =	strace $0x80000051  }
0xb4: {  	_ =	swait.ge [sflag:s29], $0x1  }
0xb5: {  	[sflag:s29] =	ssyncadd.s32 $0xFFFFFFFF  }
0xb6: {  	_ =	strace $0x90000051  }
0xb7: {  	_ =	sfence  }
0xb8: {  	s30 =	sld [smem:$0x0];
	_ =	sdelay $0x2  }
0xb9: {  	s31 =	sshll.u32 s1, $0xD;
	s1 =	sshrl.u32 s1, $0x2  }
0xba: {  	s3 =	sand.u32 $0x4000, s31;
	s1 =	sadd.s32 s1, s30  }
0xbb: {  	s0 =	sor.u32 s3, s0;
	s1 =	sshll.u32 s1, $0x11  }
0xbc: {  	s0 =	sor.u32 s1, s0  }
0xbd: {  	s0 =	sadd.s32 $0x8F2B, s0  }
0xbe: {  	[sflag:s0] =	ssyncadd.remote.s32 $0x1  }
0xbf: {  	_ =	sfence.sel $0xFFFF  }
0xc0: {  	[dreg:$0x0] =	wrdreg $0xFFFFFFFF;
	(pc) =	sbr.abs _section_cstart, $3  }
0xc1: {  	[dreg:$0x1] =	wrdreg $0xFFFFFFFF  }
0xc2: {  	_ =	task.clear_ibuf [dreg:s7], $0x2FFFF;
	_ =	strace $0x9FFFFFFF  }
0xc3: {  	(tm) =	ssettm $0x7FFFFFFF  }
tec
execute0_lowered:
.L_overlay_start_1:
0x0: {  	(tag) =	ssettag $0x1  }
0x1: {  	s6 =	rddreg [dreg:$0x0]  }
0x2: {  	s9 =	rddreg [dreg:$0x1];
	s1 =	srdreg.scid  }
0x3: {  	s0 =	stileid.u32;
	s2 =	rddreg [dreg:$0x2]  }
0x4: {  	s3 =	simm.s32 $0x0;
	s16 =	simm.s32 $0x1;
	s17 =	simm.s32 $0x6220  }
0x5: {  	s7 =	sand.u32 $0x1, s1;
	s4 =	sshll.u32 s0, $0x1;
	s1 =	rddreg [dreg:$0x3]  }
0x6: {  	[smem:$0x7FF] =	sst s3;
	s8 =	smul.u32 $0xA000, s0;
	s5 =	sadd.s32 $0x16600, s6  }
0x7: {  	s31 =	sshll.u32 s0, $0x6;
	s4 =	sor.u32 s7, s4;
	s11 =	smul.u32 $0x14000, s7  }
0x8: {  	_ =	strace $0x80000050;
	s7 =	ssub.s32 $0x2, s7;
	s10 =	smul.u32 $0x4E2, s4  }
0x9: {  	s4 =	sadd.s32 $0x2600, s6;
	s18 =	sshrl.u32 s8, $0x3;
	s30 =	sshrl.u32 s7, $0x1  }
0xa: {  	s15 =	sadd.s32 s8, s2;
	s13 =	sadd.s32 s18, s6;
	s11 =	sadd.s32 s11, s6  }
0xb: {  	s14 =	ssub.s32 s7, s30;
	s7 =	sor.u32 $0x1C02, s31;
	s12 =	sadd.s32 s10, s6  }
0xc: {  	s6 =	sadd.s32 $0x34A00, s13;
	s9 =	sadd.s32 s9, s10;
	s19 =	sadd.s32 $0x48A00, s11  }
0xd: {  	s10 =	smax.u32 s14, $0x1;
	s11 =	sshrl.u32 s15, $0x3;
	s13 =	simm.s32 $0x2710  }
0xe: {  	s14 =	simm.s32 $0x50;
	s15 =	simm.s32 $0x4E20;
	s8 =	sadd.s32 $0x2AC00, s12  }
0xf: {  	v0 =	vimm.s32 $0x0;
	s12 =	simm.s32 $0x2;
	s18 =	sadd.s32 s18, s19;
	s19 =	simm.s32 $0x0  }
.LBB2_1:
0x10: {  	[spmem:s11], [sflag:s7] =	dma.local [hbm:s6], $0x1400  }
0x11: {  	_ =	swait.ge [sflag:s12], $0x1400  }
0x12: {  	[sflag:s12] =	ssyncset.done $0x0  }
0x13: {  	[sflag:s12] =	ssyncadd.s32 $0xFFFFEC00  }
0x14: {  	[tilespmem:s3], [sflag:$0x2] =	stream.linear.gather [hbm4b:s8+s3], $0x2710, $0x38;
	[tilespmem:$0x10720] =	vst v63  }
0x15: {  	_ =	swait.ge [sflag:s12], $0x2710  }
0x16: {  	[sflag:s12] =	ssyncset.done $0x0  }
0x17: {  	[sflag:s12] =	ssyncadd.s32 $0xFFFFD8F0  }
0x18: {  	[tilespmem:s13], [sflag:$0x2] =	stream.linear.gather [hbm4b:s9+s3], $0x2710, $0x38;
	[tilespmem:$0x10720] =	vst v63  }
0x19: {  	_ =	swait.ge [sflag:s12], $0x2710  }
0x1a: {  	[sflag:s12] =	ssyncset.done $0x0  }
0x1b: {  	[sflag:s12] =	ssyncadd.s32 $0xFFFFD8F0  }
0x1c: {  	s20 =	simm.s32 $0x0;
	[bflag:$0x0] =	sbarrier.arrive $0xFFFF  }
.LBB2_2:
0x1d: {  	s21 =	smul.u32 $0x50, s20;
	_ =	sdelay $0x1  }
0x1e: {  	[tilespmem:s15], [sflag:$0x1] =	stream.indirect.gather [hbm4b:s4+s14], $0x40, s21, s14, $0xb8;
	[tilespmem:$0x10720] =	vst v63  }
0x1f: {  	_ =	swait.ge [sflag:s16], $0x1400  }
0x20: {  	[sflag:s16] =	ssyncset.done $0x0  }
0x21: {  	s21 =	sadd.s32 $0x2710, s21;
	[sflag:s16] =	ssyncadd.s32 $0xFFFFEC00  }
0x22: {  	[tilespmem:s17], [sflag:$0x1] =	stream.indirect.gather [hbm4b:s5+s14], $0x10, s21, s14, $0xb8;
	[tilespmem:$0x10720] =	vst v63  }
0x23: {  	_ =	swait.ge [sflag:s16], $0x500  }
0x24: {  	[sflag:s16] =	ssyncset.done $0x0  }
0x25: {  	s22 =	simm.s32 $0x4E40;
	[sflag:s16] =	ssyncadd.s32 $0xFFFFFB00  }
0x26: {  	s25 =	simm.s32 $0x0;
	s24 =	simm.s32 $0x40;
	s23 =	simm.s32 $0x4E40;
	v1 =	vld [tilespmem:s22+$0x10]  }
.LBB2_3:
0x27: {  	p0 =	sne.s32 s24, $0x13C0;
	v2 =	vld [tilespmem:s25+$0x6220];
	_ =	sdelay $0x4  }
0x28: {  	v1 =	vadd.f32 v2, v1;
	_ =	sdelay $0x1  }
0x29: {  	v2 =	vmul.f32 $2.000000030e-01, v1;
	_ =	sdelay $0x1  }
0x2a: {  	v1 =	vmax.f32 v1, v2  }
0x2b: {  	v1 =	vmul.f32 $1.442695020e+00, v1;
	_ =	sdelay $0x1  }
0x2c: {  	(erf) = vpow2.f32 v1;
	_ =	sdelay $0x5  }
0x2d: {  	v1 =	vld [tilespmem:s22+$0xFFFFFFF0]  }
0x2e: {  	v2 =	vld [tilespmem:s22+$0xFFFFFFE0]  }
0x2f: {  	v3 =	vld [tilespmem:s22+$0x0]  }
0x30: {  	v4 =	vpop (erf)  }
0x31: {  	[tilespmem:s22+$0x10] =	vst v4;
	v4 =	vperm.xlane v4, v0;
	_ =	sdelay $0x1  }
.Ltmp0:
0x32: {  	v2 =	vmul.f32 v2, v4;
	v1 =	vmul.f32 v1, v4;
	(pc) =	sbr.rel @p0 .LBB2_3-.Ltmp0, $4  }
0x33: {  	v3 =	vmul.f32 v3, v4  }
0x34: {  	[tilespmem:s22+$0xFFFFFFE0] =	vst v2  }
0x35: {  	s22 =	sadd.s32 $0x40, s22;
	[tilespmem:s23+$0xFFFFFFF0] =	vst v1  }
0x36: {  	s25 =	sshra.s32 s24, $0x2;
	s24 =	sadd.s32 $0x40, s24;
	v1 =	vld [tilespmem:s22+$0x10];
	[tilespmem:s23+$0x0] =	vst v3;
	s23 =	smov.u32 s22  }
0x37: {  	v2 =	vld [tilespmem:s25+$0x6220];
	_ =	sdelay $0x4  }
0x38: {  	v1 =	vadd.f32 v2, v1;
	_ =	sdelay $0x1  }
0x39: {  	v2 =	vmul.f32 $2.000000030e-01, v1;
	_ =	sdelay $0x1  }
0x3a: {  	v1 =	vmax.f32 v1, v2  }
0x3b: {  	v1 =	vmul.f32 $1.442695020e+00, v1;
	_ =	sdelay $0x1  }
0x3c: {  	(erf) = vpow2.f32 v1;
	_ =	sdelay $0x6  }
0x3d: {  	v1 =	vld [tilespmem:s22+$0xFFFFFFE0]  }
0x3e: {  	v2 =	vld [tilespmem:s22+$0xFFFFFFF0]  }
0x3f: {  	v3 =	vld [tilespmem:s22+$0x0];
	v4 =	vpop (erf)  }
0x40: {  	v5 =	vperm.xlane v4, v0;
	_ =	sdelay $0x1  }
0x41: {  	v1 =	vmul.f32 v1, v5  }
0x42: {  	[tilespmem:s22+$0x10] =	vst v4;
	v2 =	vmul.f32 v2, v5  }
0x43: {  	s20 =	sadd.s32 $0x1, s20;
	v3 =	vmul.f32 v3, v5;
	[tilespmem:s22+$0xFFFFFFE0] =	vst v1  }
0x44: {  	p0 =	sne.s32 s20, $0x7D;
	[tilespmem:s23+$0xFFFFFFF0] =	vst v2  }
.Ltmp1:
0x45: {  	[tilespmem:s23+$0x0] =	vst v3;
	(pc) =	sbr.rel @p0 .LBB2_2-.Ltmp1, $4  }
0x46: {  	[spmem:s2] =	stream.indirect.scatter.add.f32 [tilespmem:s15], [sflag:$0x2], $0x40, s21, s14, $0xb8;
	[tilespmem:$0x10720] =	vst v63  }
0x47: {  	_ =	swait.ge [sflag:s12], $0x1400  }
0x48: {  	[sflag:s12] =	ssyncset.done $0x0  }
0x49: {  	[sflag:s12] =	ssyncadd.s32 $0xFFFFEC00  }
0x4a: {  	s19 =	sadd.s32 $0x1, s19  }
0x4b: {  	p0 =	sne.s32 s19, s10  }
.Ltmp2:
0x4c: {  	[bflag:$0x0] =	sbarrier.arrive $0xFFFF;
	(pc) =	sbr.rel @p0 .LBB2_1-.Ltmp2, $4  }
0x4d: {  	[hbm:s18], [sflag:s7] =	dma.local [spmem:s11], $0x1400  }
0x4e: {  	_ =	swait.ge [sflag:s12], $0x1400  }
0x4f: {  	[sflag:s12] =	ssyncset.done $0x0  }
0x50: {  	[sflag:s12] =	ssyncadd.s32 $0xFFFFEC00  }
0x51: {  	_ =	sfence.sel $0x180000  }
0x52: {  	[bflag:$0x0] =	sbarrier.arrive $0xFFFF  }
0x53: {  	p0 =	sne.s32 s0, $0x0;
	_ =	strace $0x90000050  }
0x54: {  	s0 =	sadd.s32 @!p0 $0x100000, s1;
	[bflag:$0x2] =	sbarrier.arrive $0xFFFF  }
0x55: {  	[sflag:s0] =	ssyncadd.tile.s32 @!p0 $0x1;
	_ =	shalt  }
.Lfunc_end2:
_tile_overlayer_lowered:
.L_overlay_start_2:
0x56: {  	(tag) =	ssettag $0x2  }
0x57: {  	s0 =	rddreg [dreg:$0x0];
	s2 =	stileid.u32  }
0x58: {  	s1 =	rddreg [dreg:$0x1];
	p0 =	sne.s32 s2, $0x0  }
0x59: {  	s3 =	rddreg [dreg:$0x2];
	[bflag:$0x3] =	sbarrier.arrive $0xFFFF;
	s2 =	simm.s32 @!p0 $0x1C02  }
0x5a: {  	[timem:s3], [sflag:s2] =	dma.local @!p0 [hbm:s0], s1  }
0x5b: {  	s0 =	simm.s32 @!p0 $0x2  }
0x5c: {  	_ =	swait.ge @!p0 [sflag:s0], s1  }
0x5d: {  	s1 =	ssub.s32 @!p0 $0x0, s1;
	[sflag:s0] =	ssyncset.done @!p0 $0x0  }
0x5e: {  	[sflag:s0] =	ssyncadd.s32 @!p0 s1  }
0x5f: {  	[bflag:$0x3] =	sbarrier.arrive $0xFFFF  }
0x60: {  	_ =	shalt  }

</sc_bundles>
